<compile_context>
chip_gen: v7x
topology: tpu7x:2x2x1
jax: 0.10.2.dev20260603
libtpu: 0.0.44.dev20260713+nightly
codegen_flags: <defaults>
</compile_context>

<pallas_src>
import jax
import jax.numpy as jnp
from jax import lax
from jax.experimental import pallas as pl
from jax.experimental.pallas import tpu as pltpu
from jax.experimental.pallas import tpu_sc as plsc

VOCAB = 1000000
EMBED_DIM = 32
BATCH = 16384
HIST = 50

NUM_WORKERS = 32
B_PER_W = BATCH // NUM_WORKERS
GB = 8
SLOTS = 4
NG = B_PER_W // GB
NOUT = NG // SLOTS


def _glove_sc(idx_hbm, table_hbm, out_hbm, idx_v, rows_v, sem_g, sem_o):
    wid = lax.axis_index("s") * 2 + lax.axis_index("c")
    b0 = wid * B_PER_W

    pltpu.sync_copy(idx_hbm.at[pl.ds(b0, B_PER_W)], idx_v)

    def fire(g, slot):
        for j in range(GB):
            pltpu.async_copy(
                table_hbm.at[idx_v.at[g * GB + j]],
                rows_v.at[slot, j],
                sem_g.at[slot],
            )

    def drain_gathers(slot):
        pltpu.make_async_copy(
            out_hbm.at[pl.ds(0, GB)], rows_v.at[slot], sem_g.at[slot]
        ).wait()

    def out_start(g, slot):
        pltpu.async_copy(
            rows_v.at[slot],
            out_hbm.at[pl.ds(b0 + g * GB, GB)],
            sem_o.at[slot],
        )

    def out_wait(slot):
        pltpu.make_async_copy(
            rows_v.at[slot], out_hbm.at[pl.ds(0, GB)], sem_o.at[slot]
        ).wait()

    for slot in range(SLOTS):
        fire(slot, slot)

    def body(i, _):
        gbase = i * SLOTS
        for slot in range(SLOTS):
            drain_gathers(slot)
            out_start(gbase + slot, slot)
        for slot in range(SLOTS):
            out_wait(slot)
            fire(gbase + slot + SLOTS, slot)
        return ()

    lax.fori_loop(0, NOUT - 1, body, (), unroll=False)

    gbase = (NOUT - 1) * SLOTS
    for slot in range(SLOTS):
        drain_gathers(slot)
        out_start(gbase + slot, slot)
    for slot in range(SLOTS):
        out_wait(slot)


@jax.jit
def kernel(idx, weights):
    mesh = plsc.VectorSubcoreMesh(core_axis_name="c", subcore_axis_name="s")
    return pl.kernel(
        _glove_sc,
        out_type=jax.ShapeDtypeStruct((BATCH, HIST, EMBED_DIM), jnp.float32),
        mesh=mesh,
        scratch_types=[
            pltpu.VMEM((B_PER_W, HIST), jnp.int32),
            pltpu.VMEM((SLOTS, GB, HIST, EMBED_DIM), jnp.float32),
            pltpu.SemaphoreType.DMA((SLOTS,)),
            pltpu.SemaphoreType.DMA((SLOTS,)),
        ],
        compiler_params=pltpu.CompilerParams(use_tc_tiling_on_sc=False),
    )(idx, weights)

# --- scband reference (transcript-rebuilt; emitter-appended) ---
"""Pipeline reference for scband-glove-3770981286636 (READ-ONLY COPY).

The authoritative reference and input builder live on the scoring server;
editing this copy changes nothing except your own understanding.
"""

import jax, jax.numpy as jnp
import numpy as np

VOCAB = 1000000
EMBED_DIM = 32
BATCH = 16384
HIST = 50

def setup_inputs(seed: int = 0) -> dict:
    key = jax.random.key(seed)
    k_idx, k_w = jax.random.split(key)
    idx = jax.random.randint(k_idx, (BATCH, HIST), 0, VOCAB, dtype=jnp.int64 if jax.config.jax_enable_x64 else jnp.int32)
    weights = jax.random.normal(k_w, (VOCAB, EMBED_DIM), dtype=jnp.float32)
    return {"idx": idx, "weights": weights}

def reference(idx, weights):
    # Faithful translation of nn.Embedding lookup: out[b, t, :] = weights[idx[b, t], :]
    return jnp.take(weights, idx, axis=0)

if __name__ == "__main__":
    import jax
    _d = setup_inputs()
    print(jax.jit(kernel)(*tuple(_d.values())))

</pallas_src>

<mosaic_0001>
#map = affine_map<(d0, d1) -> (0, 0)>
#map1 = affine_map<(d0, d1) -> (0, 0, 0)>
module attributes {stable_mosaic.version = 14 : i64} {
  func.func @_glove_sc(%arg0: i32, %arg1: i32, %arg2: memref<16384x50xi32, #tpu.memory_space<hbm>>, %arg3: memref<1000000x32xf32, #tpu.memory_space<hbm>>, %arg4: memref<16384x50x32xf32, #tpu.memory_space<hbm>>, %arg5: memref<512x50xi32, #tpu.memory_space<vmem>>, %arg6: memref<4x8x50x32xf32, #tpu.memory_space<vmem>>, %arg7: memref<4x!tpu.dma_semaphore, #tpu.memory_space<semaphore_mem>>, %arg8: memref<4x!tpu.dma_semaphore, #tpu.memory_space<semaphore_mem>>) attributes {dimension_semantics = [#tpu.dimension_semantics<core_parallel>, #tpu.dimension_semantics<subcore_parallel>], iteration_bounds = array<i64: 2, 16>, scalar_prefetch = 0 : i64, scratch_operands = 4 : i64, tpu.core_type = #tpu.core_type<sc_vector_subcore>, window_params = [{transform_indices = #map}, {transform_indices = #map}, {transform_indices = #map1}]} {
    %mul3A = arith.constant 2 : i32
    %mul3A_0 = arith.muli %arg1, %mul3A : i32
    %add3A = arith.addi %mul3A_0, %arg0 : i32
    %mul3A_1 = arith.constant 512 : i32
    %mul3A_2 = arith.muli %add3A, %mul3A_1 : i32
    "tpu.region"() ({
      %run_scoped3A = tpu.sem_alloc : memref<!tpu.dma_semaphore, #tpu.memory_space<semaphore_mem>>
      %dma_start3A_781 = arith.constant 0 : i32
      %dma_start3A_782 = tpu.memref_slice %arg2[%mul3A_2, %dma_start3A_781] : memref<16384x50xi32, #tpu.memory_space<hbm>> -> memref<512x50xi32, #tpu.memory_space<hbm>>
      %dma_start3A_783 = arith.constant 0 : i32
      %dma_start3A_784 = tpu.memref_slice %arg2[%mul3A_2, %dma_start3A_783] : memref<16384x50xi32, #tpu.memory_space<hbm>> -> memref<512x50xi32, #tpu.memory_space<hbm>>
      tpu.enqueue_dma source(%dma_start3A_784 : memref<512x50xi32, #tpu.memory_space<hbm>>) target(%arg5 : memref<512x50xi32, #tpu.memory_space<vmem>>) target_semaphore(%run_scoped3A : memref<!tpu.dma_semaphore, #tpu.memory_space<semaphore_mem>>)
      %dma_wait3A_785 = arith.constant 0 : i32
      %dma_wait3A_786 = tpu.memref_slice %arg2[%mul3A_2, %dma_wait3A_785] : memref<16384x50xi32, #tpu.memory_space<hbm>> -> memref<512x50xi32, #tpu.memory_space<hbm>>
      %dma_wait3A_787 = arith.constant 0 : i32
      %dma_wait3A_788 = tpu.memref_slice %arg2[%mul3A_2, %dma_wait3A_787] : memref<16384x50xi32, #tpu.memory_space<hbm>> -> memref<512x50xi32, #tpu.memory_space<hbm>>
      tpu.wait_dma2 semaphore(%run_scoped3A : memref<!tpu.dma_semaphore, #tpu.memory_space<semaphore_mem>>) src(%dma_wait3A_788 : memref<512x50xi32, #tpu.memory_space<hbm>>) dst(%arg5 : memref<512x50xi32, #tpu.memory_space<vmem>>)
      tpu.yield
    }) : () -> ()
    %dma_start3A = arith.constant 0 : i32
    %dma_start3A_3 = arith.constant 0 : i32
    %dma_start3A_4 = arith.constant 0 : i32
    %dma_start3A_5 = arith.constant 0 : i32
    %dma_start3A_6 = arith.constant 0 : i32
    %dma_start3A_7 = arith.constant 0 : i32
    %dma_start3A_8 = tpu.memref_slice %arg6[%dma_start3A_3, %dma_start3A_4, %dma_start3A_6, %dma_start3A_7] : memref<4x8x50x32xf32, #tpu.memory_space<vmem>> -> memref<1x1x50x32xf32, #tpu.memory_space<vmem>>
    %dma_start3A_9 = tpu.memref_squeeze %dma_start3A_8 : memref<1x1x50x32xf32, #tpu.memory_space<vmem>> -> memref<50x32xf32, #tpu.memory_space<vmem>>
    %dma_start3A_10 = arith.constant 0 : i32
    %dma_start3A_11 = tpu.memref_slice %arg5[%dma_start3A, %dma_start3A_10] : memref<512x50xi32, #tpu.memory_space<vmem>> -> memref<1x50xi32, #tpu.memory_space<vmem>>
    %dma_start3A_12 = tpu.memref_squeeze %dma_start3A_11 : memref<1x50xi32, #tpu.memory_space<vmem>> -> memref<50xi32, #tpu.memory_space<vmem>>
    %dma_start3A_13 = arith.constant 0 : i32
    %dma_start3A_14 = arith.constant 0 : i32
    %dma_start3A_15 = tpu.memref_slice %arg3[%dma_start3A_13, %dma_start3A_14] : memref<1000000x32xf32, #tpu.memory_space<hbm>> -> memref<1000000x32xf32, #tpu.memory_space<hbm>>
    %dma_start3A_16 = tpu.memref_slice %arg7[%dma_start3A_5] : memref<4x!tpu.dma_semaphore, #tpu.memory_space<semaphore_mem>> -> memref<1x!tpu.dma_semaphore, #tpu.memory_space<semaphore_mem>>
    %dma_start3A_17 = tpu.memref_squeeze %dma_start3A_16 : memref<1x!tpu.dma_semaphore, #tpu.memory_space<semaphore_mem>> -> memref<!tpu.dma_semaphore, #tpu.memory_space<semaphore_mem>>
    tpu.enqueue_indirect_dma source(%dma_start3A_15 : memref<1000000x32xf32, #tpu.memory_space<hbm>>) target(%dma_start3A_9 : memref<50x32xf32, #tpu.memory_space<vmem>>) offsets(%dma_start3A_12 : memref<50xi32, #tpu.memory_space<vmem>>) semaphore(%dma_start3A_17 : memref<!tpu.dma_semaphore, #tpu.memory_space<semaphore_mem>>)
    %dma_start3A_18 = arith.constant 1 : i32
    %dma_start3A_19 = arith.constant 0 : i32
    %dma_start3A_20 = arith.constant 1 : i32
    %dma_start3A_21 = arith.constant 0 : i32
    %dma_start3A_22 = arith.constant 0 : i32
    %dma_start3A_23 = arith.constant 0 : i32
    %dma_start3A_24 = tpu.memref_slice %arg6[%dma_start3A_19, %dma_start3A_20, %dma_start3A_22, %dma_start3A_23] : memref<4x8x50x32xf32, #tpu.memory_space<vmem>> -> memref<1x1x50x32xf32, #tpu.memory_space<vmem>>
    %dma_start3A_25 = tpu.memref_squeeze %dma_start3A_24 : memref<1x1x50x32xf32, #tpu.memory_space<vmem>> -> memref<50x32xf32, #tpu.memory_space<vmem>>
    %dma_start3A_26 = arith.constant 0 : i32
    %dma_start3A_27 = tpu.memref_slice %arg5[%dma_start3A_18, %dma_start3A_26] : memref<512x50xi32, #tpu.memory_space<vmem>> -> memref<1x50xi32, #tpu.memory_space<vmem>>
    %dma_start3A_28 = tpu.memref_squeeze %dma_start3A_27 : memref<1x50xi32, #tpu.memory_space<vmem>> -> memref<50xi32, #tpu.memory_space<vmem>>
    %dma_start3A_29 = arith.constant 0 : i32
    %dma_start3A_30 = arith.constant 0 : i32
    %dma_start3A_31 = tpu.memref_slice %arg3[%dma_start3A_29, %dma_start3A_30] : memref<1000000x32xf32, #tpu.memory_space<hbm>> -> memref<1000000x32xf32, #tpu.memory_space<hbm>>
    %dma_start3A_32 = tpu.memref_slice %arg7[%dma_start3A_21] : memref<4x!tpu.dma_semaphore, #tpu.memory_space<semaphore_mem>> -> memref<1x!tpu.dma_semaphore, #tpu.memory_space<semaphore_mem>>
    %dma_start3A_33 = tpu.memref_squeeze %dma_start3A_32 : memref<1x!tpu.dma_semaphore, #tpu.memory_space<semaphore_mem>> -> memref<!tpu.dma_semaphore, #tpu.memory_space<semaphore_mem>>
    tpu.enqueue_indirect_dma source(%dma_start3A_31 : memref<1000000x32xf32, #tpu.memory_space<hbm>>) target(%dma_start3A_25 : memref<50x32xf32, #tpu.memory_space<vmem>>) offsets(%dma_start3A_28 : memref<50xi32, #tpu.memory_space<vmem>>) semaphore(%dma_start3A_33 : memref<!tpu.dma_semaphore, #tpu.memory_space<semaphore_mem>>)
    %dma_start3A_34 = arith.constant 2 : i32
    %dma_start3A_35 = arith.constant 0 : i32
    %dma_start3A_36 = arith.constant 2 : i32
    %dma_start3A_37 = arith.constant 0 : i32
    %dma_start3A_38 = arith.constant 0 : i32
    %dma_start3A_39 = arith.constant 0 : i32
    %dma_start3A_40 = tpu.memref_slice %arg6[%dma_start3A_35, %dma_start3A_36, %dma_start3A_38, %dma_start3A_39] : memref<4x8x50x32xf32, #tpu.memory_space<vmem>> -> memref<1x1x50x32xf32, #tpu.memory_space<vmem>>
    %dma_start3A_41 = tpu.memref_squeeze %dma_start3A_40 : memref<1x1x50x32xf32, #tpu.memory_space<vmem>> -> memref<50x32xf32, #tpu.memory_space<vmem>>
    %dma_start3A_42 = arith.constant 0 : i32
    %dma_start3A_43 = tpu.memref_slice %arg5[%dma_start3A_34, %dma_start3A_42] : memref<512x50xi32, #tpu.memory_space<vmem>> -> memref<1x50xi32, #tpu.memory_space<vmem>>
    %dma_start3A_44 = tpu.memref_squeeze %dma_start3A_43 : memref<1x50xi32, #tpu.memory_space<vmem>> -> memref<50xi32, #tpu.memory_space<vmem>>
    %dma_start3A_45 = arith.constant 0 : i32
    %dma_start3A_46 = arith.constant 0 : i32
    %dma_start3A_47 = tpu.memref_slice %arg3[%dma_start3A_45, %dma_start3A_46] : memref<1000000x32xf32, #tpu.memory_space<hbm>> -> memref<1000000x32xf32, #tpu.memory_space<hbm>>
    %dma_start3A_48 = tpu.memref_slice %arg7[%dma_start3A_37] : memref<4x!tpu.dma_semaphore, #tpu.memory_space<semaphore_mem>> -> memref<1x!tpu.dma_semaphore, #tpu.memory_space<semaphore_mem>>
    %dma_start3A_49 = tpu.memref_squeeze %dma_start3A_48 : memref<1x!tpu.dma_semaphore, #tpu.memory_space<semaphore_mem>> -> memref<!tpu.dma_semaphore, #tpu.memory_space<semaphore_mem>>
    tpu.enqueue_indirect_dma source(%dma_start3A_47 : memref<1000000x32xf32, #tpu.memory_space<hbm>>) target(%dma_start3A_41 : memref<50x32xf32, #tpu.memory_space<vmem>>) offsets(%dma_start3A_44 : memref<50xi32, #tpu.memory_space<vmem>>) semaphore(%dma_start3A_49 : memref<!tpu.dma_semaphore, #tpu.memory_space<semaphore_mem>>)
    %dma_start3A_50 = arith.constant 3 : i32
    %dma_start3A_51 = arith.constant 0 : i32
    %dma_start3A_52 = arith.constant 3 : i32
    %dma_start3A_53 = arith.constant 0 : i32
    %dma_start3A_54 = arith.constant 0 : i32
    %dma_start3A_55 = arith.constant 0 : i32
    %dma_start3A_56 = tpu.memref_slice %arg6[%dma_start3A_51, %dma_start3A_52, %dma_start3A_54, %dma_start3A_55] : memref<4x8x50x32xf32, #tpu.memory_space<vmem>> -> memref<1x1x50x32xf32, #tpu.memory_space<vmem>>
    %dma_start3A_57 = tpu.memref_squeeze %dma_start3A_56 : memref<1x1x50x32xf32, #tpu.memory_space<vmem>> -> memref<50x32xf32, #tpu.memory_space<vmem>>
    %dma_start3A_58 = arith.constant 0 : i32
    %dma_start3A_59 = tpu.memref_slice %arg5[%dma_start3A_50, %dma_start3A_58] : memref<512x50xi32, #tpu.memory_space<vmem>> -> memref<1x50xi32, #tpu.memory_space<vmem>>
    %dma_start3A_60 = tpu.memref_squeeze %dma_start3A_59 : memref<1x50xi32, #tpu.memory_space<vmem>> -> memref<50xi32, #tpu.memory_space<vmem>>
    %dma_start3A_61 = arith.constant 0 : i32
    %dma_start3A_62 = arith.constant 0 : i32
    %dma_start3A_63 = tpu.memref_slice %arg3[%dma_start3A_61, %dma_start3A_62] : memref<1000000x32xf32, #tpu.memory_space<hbm>> -> memref<1000000x32xf32, #tpu.memory_space<hbm>>
    %dma_start3A_64 = tpu.memref_slice %arg7[%dma_start3A_53] : memref<4x!tpu.dma_semaphore, #tpu.memory_space<semaphore_mem>> -> memref<1x!tpu.dma_semaphore, #tpu.memory_space<semaphore_mem>>
    %dma_start3A_65 = tpu.memref_squeeze %dma_start3A_64 : memref<1x!tpu.dma_semaphore, #tpu.memory_space<semaphore_mem>> -> memref<!tpu.dma_semaphore, #tpu.memory_space<semaphore_mem>>
    tpu.enqueue_indirect_dma source(%dma_start3A_63 : memref<1000000x32xf32, #tpu.memory_space<hbm>>) target(%dma_start3A_57 : memref<50x32xf32, #tpu.memory_space<vmem>>) offsets(%dma_start3A_60 : memref<50xi32, #tpu.memory_space<vmem>>) semaphore(%dma_start3A_65 : memref<!tpu.dma_semaphore, #tpu.memory_space<semaphore_mem>>)
    %dma_start3A_66 = arith.constant 4 : i32
    %dma_start3A_67 = arith.constant 0 : i32
    %dma_start3A_68 = arith.constant 4 : i32
    %dma_start3A_69 = arith.constant 0 : i32
    %dma_start3A_70 = arith.constant 0 : i32
    %dma_start3A_71 = arith.constant 0 : i32
    %dma_start3A_72 = tpu.memref_slice %arg6[%dma_start3A_67, %dma_start3A_68, %dma_start3A_70, %dma_start3A_71] : memref<4x8x50x32xf32, #tpu.memory_space<vmem>> -> memref<1x1x50x32xf32, #tpu.memory_space<vmem>>
    %dma_start3A_73 = tpu.memref_squeeze %dma_start3A_72 : memref<1x1x50x32xf32, #tpu.memory_space<vmem>> -> memref<50x32xf32, #tpu.memory_space<vmem>>
    %dma_start3A_74 = arith.constant 0 : i32
    %dma_start3A_75 = tpu.memref_slice %arg5[%dma_start3A_66, %dma_start3A_74] : memref<512x50xi32, #tpu.memory_space<vmem>> -> memref<1x50xi32, #tpu.memory_space<vmem>>
    %dma_start3A_76 = tpu.memref_squeeze %dma_start3A_75 : memref<1x50xi32, #tpu.memory_space<vmem>> -> memref<50xi32, #tpu.memory_space<vmem>>
    %dma_start3A_77 = arith.constant 0 : i32
    %dma_start3A_78 = arith.constant 0 : i32
    %dma_start3A_79 = tpu.memref_slice %arg3[%dma_start3A_77, %dma_start3A_78] : memref<1000000x32xf32, #tpu.memory_space<hbm>> -> memref<1000000x32xf32, #tpu.memory_space<hbm>>
    %dma_start3A_80 = tpu.memref_slice %arg7[%dma_start3A_69] : memref<4x!tpu.dma_semaphore, #tpu.memory_space<semaphore_mem>> -> memref<1x!tpu.dma_semaphore, #tpu.memory_space<semaphore_mem>>
    %dma_start3A_81 = tpu.memref_squeeze %dma_start3A_80 : memref<1x!tpu.dma_semaphore, #tpu.memory_space<semaphore_mem>> -> memref<!tpu.dma_semaphore, #tpu.memory_space<semaphore_mem>>
    tpu.enqueue_indirect_dma source(%dma_start3A_79 : memref<1000000x32xf32, #tpu.memory_space<hbm>>) target(%dma_start3A_73 : memref<50x32xf32, #tpu.memory_space<vmem>>) offsets(%dma_start3A_76 : memref<50xi32, #tpu.memory_space<vmem>>) semaphore(%dma_start3A_81 : memref<!tpu.dma_semaphore, #tpu.memory_space<semaphore_mem>>)
    %dma_start3A_82 = arith.constant 5 : i32
    %dma_start3A_83 = arith.constant 0 : i32
    %dma_start3A_84 = arith.constant 5 : i32
    %dma_start3A_85 = arith.constant 0 : i32
    %dma_start3A_86 = arith.constant 0 : i32
    %dma_start3A_87 = arith.constant 0 : i32
    %dma_start3A_88 = tpu.memref_slice %arg6[%dma_start3A_83, %dma_start3A_84, %dma_start3A_86, %dma_start3A_87] : memref<4x8x50x32xf32, #tpu.memory_space<vmem>> -> memref<1x1x50x32xf32, #tpu.memory_space<vmem>>
    %dma_start3A_89 = tpu.memref_squeeze %dma_start3A_88 : memref<1x1x50x32xf32, #tpu.memory_space<vmem>> -> memref<50x32xf32, #tpu.memory_space<vmem>>
    %dma_start3A_90 = arith.constant 0 : i32
    %dma_start3A_91 = tpu.memref_slice %arg5[%dma_start3A_82, %dma_start3A_90] : memref<512x50xi32, #tpu.memory_space<vmem>> -> memref<1x50xi32, #tpu.memory_space<vmem>>
    %dma_start3A_92 = tpu.memref_squeeze %dma_start3A_91 : memref<1x50xi32, #tpu.memory_space<vmem>> -> memref<50xi32, #tpu.memory_space<vmem>>
    %dma_start3A_93 = arith.constant 0 : i32
    %dma_start3A_94 = arith.constant 0 : i32
    %dma_start3A_95 = tpu.memref_slice %arg3[%dma_start3A_93, %dma_start3A_94] : memref<1000000x32xf32, #tpu.memory_space<hbm>> -> memref<1000000x32xf32, #tpu.memory_space<hbm>>
    %dma_start3A_96 = tpu.memref_slice %arg7[%dma_start3A_85] : memref<4x!tpu.dma_semaphore, #tpu.memory_space<semaphore_mem>> -> memref<1x!tpu.dma_semaphore, #tpu.memory_space<semaphore_mem>>
    %dma_start3A_97 = tpu.memref_squeeze %dma_start3A_96 : memref<1x!tpu.dma_semaphore, #tpu.memory_space<semaphore_mem>> -> memref<!tpu.dma_semaphore, #tpu.memory_space<semaphore_mem>>
    tpu.enqueue_indirect_dma source(%dma_start3A_95 : memref<1000000x32xf32, #tpu.memory_space<hbm>>) target(%dma_start3A_89 : memref<50x32xf32, #tpu.memory_space<vmem>>) offsets(%dma_start3A_92 : memref<50xi32, #tpu.memory_space<vmem>>) semaphore(%dma_start3A_97 : memref<!tpu.dma_semaphore, #tpu.memory_space<semaphore_mem>>)
    %dma_start3A_98 = arith.constant 6 : i32
    %dma_start3A_99 = arith.constant 0 : i32
    %dma_start3A_100 = arith.constant 6 : i32
    %dma_start3A_101 = arith.constant 0 : i32
    %dma_start3A_102 = arith.constant 0 : i32
    %dma_start3A_103 = arith.constant 0 : i32
    %dma_start3A_104 = tpu.memref_slice %arg6[%dma_start3A_99, %dma_start3A_100, %dma_start3A_102, %dma_start3A_103] : memref<4x8x50x32xf32, #tpu.memory_space<vmem>> -> memref<1x1x50x32xf32, #tpu.memory_space<vmem>>
    %dma_start3A_105 = tpu.memref_squeeze %dma_start3A_104 : memref<1x1x50x32xf32, #tpu.memory_space<vmem>> -> memref<50x32xf32, #tpu.memory_space<vmem>>
    %dma_start3A_106 = arith.constant 0 : i32
    %dma_start3A_107 = tpu.memref_slice %arg5[%dma_start3A_98, %dma_start3A_106] : memref<512x50xi32, #tpu.memory_space<vmem>> -> memref<1x50xi32, #tpu.memory_space<vmem>>
    %dma_start3A_108 = tpu.memref_squeeze %dma_start3A_107 : memref<1x50xi32, #tpu.memory_space<vmem>> -> memref<50xi32, #tpu.memory_space<vmem>>
    %dma_start3A_109 = arith.constant 0 : i32
    %dma_start3A_110 = arith.constant 0 : i32
    %dma_start3A_111 = tpu.memref_slice %arg3[%dma_start3A_109, %dma_start3A_110] : memref<1000000x32xf32, #tpu.memory_space<hbm>> -> memref<1000000x32xf32, #tpu.memory_space<hbm>>
    %dma_start3A_112 = tpu.memref_slice %arg7[%dma_start3A_101] : memref<4x!tpu.dma_semaphore, #tpu.memory_space<semaphore_mem>> -> memref<1x!tpu.dma_semaphore, #tpu.memory_space<semaphore_mem>>
    %dma_start3A_113 = tpu.memref_squeeze %dma_start3A_112 : memref<1x!tpu.dma_semaphore, #tpu.memory_space<semaphore_mem>> -> memref<!tpu.dma_semaphore, #tpu.memory_space<semaphore_mem>>
    tpu.enqueue_indirect_dma source(%dma_start3A_111 : memref<1000000x32xf32, #tpu.memory_space<hbm>>) target(%dma_start3A_105 : memref<50x32xf32, #tpu.memory_space<vmem>>) offsets(%dma_start3A_108 : memref<50xi32, #tpu.memory_space<vmem>>) semaphore(%dma_start3A_113 : memref<!tpu.dma_semaphore, #tpu.memory_space<semaphore_mem>>)
    %dma_start3A_114 = arith.constant 7 : i32
    %dma_start3A_115 = arith.constant 0 : i32
    %dma_start3A_116 = arith.constant 7 : i32
    %dma_start3A_117 = arith.constant 0 : i32
    %dma_start3A_118 = arith.constant 0 : i32
    %dma_start3A_119 = arith.constant 0 : i32
    %dma_start3A_120 = tpu.memref_slice %arg6[%dma_start3A_115, %dma_start3A_116, %dma_start3A_118, %dma_start3A_119] : memref<4x8x50x32xf32, #tpu.memory_space<vmem>> -> memref<1x1x50x32xf32, #tpu.memory_space<vmem>>
    %dma_start3A_121 = tpu.memref_squeeze %dma_start3A_120 : memref<1x1x50x32xf32, #tpu.memory_space<vmem>> -> memref<50x32xf32, #tpu.memory_space<vmem>>
    %dma_start3A_122 = arith.constant 0 : i32
    %dma_start3A_123 = tpu.memref_slice %arg5[%dma_start3A_114, %dma_start3A_122] : memref<512x50xi32, #tpu.memory_space<vmem>> -> memref<1x50xi32, #tpu.memory_space<vmem>>
    %dma_start3A_124 = tpu.memref_squeeze %dma_start3A_123 : memref<1x50xi32, #tpu.memory_space<vmem>> -> memref<50xi32, #tpu.memory_space<vmem>>
    %dma_start3A_125 = arith.constant 0 : i32
    %dma_start3A_126 = arith.constant 0 : i32
    %dma_start3A_127 = tpu.memref_slice %arg3[%dma_start3A_125, %dma_start3A_126] : memref<1000000x32xf32, #tpu.memory_space<hbm>> -> memref<1000000x32xf32, #tpu.memory_space<hbm>>
    %dma_start3A_128 = tpu.memref_slice %arg7[%dma_start3A_117] : memref<4x!tpu.dma_semaphore, #tpu.memory_space<semaphore_mem>> -> memref<1x!tpu.dma_semaphore, #tpu.memory_space<semaphore_mem>>
    %dma_start3A_129 = tpu.memref_squeeze %dma_start3A_128 : memref<1x!tpu.dma_semaphore, #tpu.memory_space<semaphore_mem>> -> memref<!tpu.dma_semaphore, #tpu.memory_space<semaphore_mem>>
    tpu.enqueue_indirect_dma source(%dma_start3A_127 : memref<1000000x32xf32, #tpu.memory_space<hbm>>) target(%dma_start3A_121 : memref<50x32xf32, #tpu.memory_space<vmem>>) offsets(%dma_start3A_124 : memref<50xi32, #tpu.memory_space<vmem>>) semaphore(%dma_start3A_129 : memref<!tpu.dma_semaphore, #tpu.memory_space<semaphore_mem>>)
    %dma_start3A_130 = arith.constant 8 : i32
    %dma_start3A_131 = arith.constant 1 : i32
    %dma_start3A_132 = arith.constant 0 : i32
    %dma_start3A_133 = arith.constant 1 : i32
    %dma_start3A_134 = arith.constant 0 : i32
    %dma_start3A_135 = arith.constant 0 : i32
    %dma_start3A_136 = tpu.memref_slice %arg6[%dma_start3A_131, %dma_start3A_132, %dma_start3A_134, %dma_start3A_135] : memref<4x8x50x32xf32, #tpu.memory_space<vmem>> -> memref<1x1x50x32xf32, #tpu.memory_space<vmem>>
    %dma_start3A_137 = tpu.memref_squeeze %dma_start3A_136 : memref<1x1x50x32xf32, #tpu.memory_space<vmem>> -> memref<50x32xf32, #tpu.memory_space<vmem>>
    %dma_start3A_138 = arith.constant 0 : i32
    %dma_start3A_139 = tpu.memref_slice %arg5[%dma_start3A_130, %dma_start3A_138] : memref<512x50xi32, #tpu.memory_space<vmem>> -> memref<1x50xi32, #tpu.memory_space<vmem>>
    %dma_start3A_140 = tpu.memref_squeeze %dma_start3A_139 : memref<1x50xi32, #tpu.memory_space<vmem>> -> memref<50xi32, #tpu.memory_space<vmem>>
    %dma_start3A_141 = arith.constant 0 : i32
    %dma_start3A_142 = arith.constant 0 : i32
    %dma_start3A_143 = tpu.memref_slice %arg3[%dma_start3A_141, %dma_start3A_142] : memref<1000000x32xf32, #tpu.memory_space<hbm>> -> memref<1000000x32xf32, #tpu.memory_space<hbm>>
    %dma_start3A_144 = tpu.memref_slice %arg7[%dma_start3A_133] : memref<4x!tpu.dma_semaphore, #tpu.memory_space<semaphore_mem>> -> memref<1x!tpu.dma_semaphore, #tpu.memory_space<semaphore_mem>>
    %dma_start3A_145 = tpu.memref_squeeze %dma_start3A_144 : memref<1x!tpu.dma_semaphore, #tpu.memory_space<semaphore_mem>> -> memref<!tpu.dma_semaphore, #tpu.memory_space<semaphore_mem>>
    tpu.enqueue_indirect_dma source(%dma_start3A_143 : memref<1000000x32xf32, #tpu.memory_space<hbm>>) target(%dma_start3A_137 : memref<50x32xf32, #tpu.memory_space<vmem>>) offsets(%dma_start3A_140 : memref<50xi32, #tpu.memory_space<vmem>>) semaphore(%dma_start3A_145 : memref<!tpu.dma_semaphore, #tpu.memory_space<semaphore_mem>>)
    %dma_start3A_146 = arith.constant 9 : i32
    %dma_start3A_147 = arith.constant 1 : i32
    %dma_start3A_148 = arith.constant 1 : i32
    %dma_start3A_149 = arith.constant 1 : i32
    %dma_start3A_150 = arith.constant 0 : i32
    %dma_start3A_151 = arith.constant 0 : i32
    %dma_start3A_152 = tpu.memref_slice %arg6[%dma_start3A_147, %dma_start3A_148, %dma_start3A_150, %dma_start3A_151] : memref<4x8x50x32xf32, #tpu.memory_space<vmem>> -> memref<1x1x50x32xf32, #tpu.memory_space<vmem>>
    %dma_start3A_153 = tpu.memref_squeeze %dma_start3A_152 : memref<1x1x50x32xf32, #tpu.memory_space<vmem>> -> memref<50x32xf32, #tpu.memory_space<vmem>>
    %dma_start3A_154 = arith.constant 0 : i32
    %dma_start3A_155 = tpu.memref_slice %arg5[%dma_start3A_146, %dma_start3A_154] : memref<512x50xi32, #tpu.memory_space<vmem>> -> memref<1x50xi32, #tpu.memory_space<vmem>>
    %dma_start3A_156 = tpu.memref_squeeze %dma_start3A_155 : memref<1x50xi32, #tpu.memory_space<vmem>> -> memref<50xi32, #tpu.memory_space<vmem>>
    %dma_start3A_157 = arith.constant 0 : i32
    %dma_start3A_158 = arith.constant 0 : i32
    %dma_start3A_159 = tpu.memref_slice %arg3[%dma_start3A_157, %dma_start3A_158] : memref<1000000x32xf32, #tpu.memory_space<hbm>> -> memref<1000000x32xf32, #tpu.memory_space<hbm>>
    %dma_start3A_160 = tpu.memref_slice %arg7[%dma_start3A_149] : memref<4x!tpu.dma_semaphore, #tpu.memory_space<semaphore_mem>> -> memref<1x!tpu.dma_semaphore, #tpu.memory_space<semaphore_mem>>
    %dma_start3A_161 = tpu.memref_squeeze %dma_start3A_160 : memref<1x!tpu.dma_semaphore, #tpu.memory_space<semaphore_mem>> -> memref<!tpu.dma_semaphore, #tpu.memory_space<semaphore_mem>>
    tpu.enqueue_indirect_dma source(%dma_start3A_159 : memref<1000000x32xf32, #tpu.memory_space<hbm>>) target(%dma_start3A_153 : memref<50x32xf32, #tpu.memory_space<vmem>>) offsets(%dma_start3A_156 : memref<50xi32, #tpu.memory_space<vmem>>) semaphore(%dma_start3A_161 : memref<!tpu.dma_semaphore, #tpu.memory_space<semaphore_mem>>)
    %dma_start3A_162 = arith.constant 10 : i32
    %dma_start3A_163 = arith.constant 1 : i32
    %dma_start3A_164 = arith.constant 2 : i32
    %dma_start3A_165 = arith.constant 1 : i32
    %dma_start3A_166 = arith.constant 0 : i32
    %dma_start3A_167 = arith.constant 0 : i32
    %dma_start3A_168 = tpu.memref_slice %arg6[%dma_start3A_163, %dma_start3A_164, %dma_start3A_166, %dma_start3A_167] : memref<4x8x50x32xf32, #tpu.memory_space<vmem>> -> memref<1x1x50x32xf32, #tpu.memory_space<vmem>>
    %dma_start3A_169 = tpu.memref_squeeze %dma_start3A_168 : memref<1x1x50x32xf32, #tpu.memory_space<vmem>> -> memref<50x32xf32, #tpu.memory_space<vmem>>
    %dma_start3A_170 = arith.constant 0 : i32
    %dma_start3A_171 = tpu.memref_slice %arg5[%dma_start3A_162, %dma_start3A_170] : memref<512x50xi32, #tpu.memory_space<vmem>> -> memref<1x50xi32, #tpu.memory_space<vmem>>
    %dma_start3A_172 = tpu.memref_squeeze %dma_start3A_171 : memref<1x50xi32, #tpu.memory_space<vmem>> -> memref<50xi32, #tpu.memory_space<vmem>>
    %dma_start3A_173 = arith.constant 0 : i32
    %dma_start3A_174 = arith.constant 0 : i32
    %dma_start3A_175 = tpu.memref_slice %arg3[%dma_start3A_173, %dma_start3A_174] : memref<1000000x32xf32, #tpu.memory_space<hbm>> -> memref<1000000x32xf32, #tpu.memory_space<hbm>>
    %dma_start3A_176 = tpu.memref_slice %arg7[%dma_start3A_165] : memref<4x!tpu.dma_semaphore, #tpu.memory_space<semaphore_mem>> -> memref<1x!tpu.dma_semaphore, #tpu.memory_space<semaphore_mem>>
    %dma_start3A_177 = tpu.memref_squeeze %dma_start3A_176 : memref<1x!tpu.dma_semaphore, #tpu.memory_space<semaphore_mem>> -> memref<!tpu.dma_semaphore, #tpu.memory_space<semaphore_mem>>
    tpu.enqueue_indirect_dma source(%dma_start3A_175 : memref<1000000x32xf32, #tpu.memory_space<hbm>>) target(%dma_start3A_169 : memref<50x32xf32, #tpu.memory_space<vmem>>) offsets(%dma_start3A_172 : memref<50xi32, #tpu.memory_space<vmem>>) semaphore(%dma_start3A_177 : memref<!tpu.dma_semaphore, #tpu.memory_space<semaphore_mem>>)
    %dma_start3A_178 = arith.constant 11 : i32
    %dma_start3A_179 = arith.constant 1 : i32
    %dma_start3A_180 = arith.constant 3 : i32
    %dma_start3A_181 = arith.constant 1 : i32
    %dma_start3A_182 = arith.constant 0 : i32
    %dma_start3A_183 = arith.constant 0 : i32
    %dma_start3A_184 = tpu.memref_slice %arg6[%dma_start3A_179, %dma_start3A_180, %dma_start3A_182, %dma_start3A_183] : memref<4x8x50x32xf32, #tpu.memory_space<vmem>> -> memref<1x1x50x32xf32, #tpu.memory_space<vmem>>
    %dma_start3A_185 = tpu.memref_squeeze %dma_start3A_184 : memref<1x1x50x32xf32, #tpu.memory_space<vmem>> -> memref<50x32xf32, #tpu.memory_space<vmem>>
    %dma_start3A_186 = arith.constant 0 : i32
    %dma_start3A_187 = tpu.memref_slice %arg5[%dma_start3A_178, %dma_start3A_186] : memref<512x50xi32, #tpu.memory_space<vmem>> -> memref<1x50xi32, #tpu.memory_space<vmem>>
    %dma_start3A_188 = tpu.memref_squeeze %dma_start3A_187 : memref<1x50xi32, #tpu.memory_space<vmem>> -> memref<50xi32, #tpu.memory_space<vmem>>
    %dma_start3A_189 = arith.constant 0 : i32
    %dma_start3A_190 = arith.constant 0 : i32
    %dma_start3A_191 = tpu.memref_slice %arg3[%dma_start3A_189, %dma_start3A_190] : memref<1000000x32xf32, #tpu.memory_space<hbm>> -> memref<1000000x32xf32, #tpu.memory_space<hbm>>
    %dma_start3A_192 = tpu.memref_slice %arg7[%dma_start3A_181] : memref<4x!tpu.dma_semaphore, #tpu.memory_space<semaphore_mem>> -> memref<1x!tpu.dma_semaphore, #tpu.memory_space<semaphore_mem>>
    %dma_start3A_193 = tpu.memref_squeeze %dma_start3A_192 : memref<1x!tpu.dma_semaphore, #tpu.memory_space<semaphore_mem>> -> memref<!tpu.dma_semaphore, #tpu.memory_space<semaphore_mem>>
    tpu.enqueue_indirect_dma source(%dma_start3A_191 : memref<1000000x32xf32, #tpu.memory_space<hbm>>) target(%dma_start3A_185 : memref<50x32xf32, #tpu.memory_space<vmem>>) offsets(%dma_start3A_188 : memref<50xi32, #tpu.memory_space<vmem>>) semaphore(%dma_start3A_193 : memref<!tpu.dma_semaphore, #tpu.memory_space<semaphore_mem>>)
    %dma_start3A_194 = arith.constant 12 : i32
    %dma_start3A_195 = arith.constant 1 : i32
    %dma_start3A_196 = arith.constant 4 : i32
    %dma_start3A_197 = arith.constant 1 : i32
    %dma_start3A_198 = arith.constant 0 : i32
    %dma_start3A_199 = arith.constant 0 : i32
    %dma_start3A_200 = tpu.memref_slice %arg6[%dma_start3A_195, %dma_start3A_196, %dma_start3A_198, %dma_start3A_199] : memref<4x8x50x32xf32, #tpu.memory_space<vmem>> -> memref<1x1x50x32xf32, #tpu.memory_space<vmem>>
    %dma_start3A_201 = tpu.memref_squeeze %dma_start3A_200 : memref<1x1x50x32xf32, #tpu.memory_space<vmem>> -> memref<50x32xf32, #tpu.memory_space<vmem>>
    %dma_start3A_202 = arith.constant 0 : i32
    %dma_start3A_203 = tpu.memref_slice %arg5[%dma_start3A_194, %dma_start3A_202] : memref<512x50xi32, #tpu.memory_space<vmem>> -> memref<1x50xi32, #tpu.memory_space<vmem>>
    %dma_start3A_204 = tpu.memref_squeeze %dma_start3A_203 : memref<1x50xi32, #tpu.memory_space<vmem>> -> memref<50xi32, #tpu.memory_space<vmem>>
    %dma_start3A_205 = arith.constant 0 : i32
    %dma_start3A_206 = arith.constant 0 : i32
    %dma_start3A_207 = tpu.memref_slice %arg3[%dma_start3A_205, %dma_start3A_206] : memref<1000000x32xf32, #tpu.memory_space<hbm>> -> memref<1000000x32xf32, #tpu.memory_space<hbm>>
    %dma_start3A_208 = tpu.memref_slice %arg7[%dma_start3A_197] : memref<4x!tpu.dma_semaphore, #tpu.memory_space<semaphore_mem>> -> memref<1x!tpu.dma_semaphore, #tpu.memory_space<semaphore_mem>>
    %dma_start3A_209 = tpu.memref_squeeze %dma_start3A_208 : memref<1x!tpu.dma_semaphore, #tpu.memory_space<semaphore_mem>> -> memref<!tpu.dma_semaphore, #tpu.memory_space<semaphore_mem>>
    tpu.enqueue_indirect_dma source(%dma_start3A_207 : memref<1000000x32xf32, #tpu.memory_space<hbm>>) target(%dma_start3A_201 : memref<50x32xf32, #tpu.memory_space<vmem>>) offsets(%dma_start3A_204 : memref<50xi32, #tpu.memory_space<vmem>>) semaphore(%dma_start3A_209 : memref<!tpu.dma_semaphore, #tpu.memory_space<semaphore_mem>>)
    %dma_start3A_210 = arith.constant 13 : i32
    %dma_start3A_211 = arith.constant 1 : i32
    %dma_start3A_212 = arith.constant 5 : i32
    %dma_start3A_213 = arith.constant 1 : i32
    %dma_start3A_214 = arith.constant 0 : i32
    %dma_start3A_215 = arith.constant 0 : i32
    %dma_start3A_216 = tpu.memref_slice %arg6[%dma_start3A_211, %dma_start3A_212, %dma_start3A_214, %dma_start3A_215] : memref<4x8x50x32xf32, #tpu.memory_space<vmem>> -> memref<1x1x50x32xf32, #tpu.memory_space<vmem>>
    %dma_start3A_217 = tpu.memref_squeeze %dma_start3A_216 : memref<1x1x50x32xf32, #tpu.memory_space<vmem>> -> memref<50x32xf32, #tpu.memory_space<vmem>>
    %dma_start3A_218 = arith.constant 0 : i32
    %dma_start3A_219 = tpu.memref_slice %arg5[%dma_start3A_210, %dma_start3A_218] : memref<512x50xi32, #tpu.memory_space<vmem>> -> memref<1x50xi32, #tpu.memory_space<vmem>>
    %dma_start3A_220 = tpu.memref_squeeze %dma_start3A_219 : memref<1x50xi32, #tpu.memory_space<vmem>> -> memref<50xi32, #tpu.memory_space<vmem>>
    %dma_start3A_221 = arith.constant 0 : i32
    %dma_start3A_222 = arith.constant 0 : i32
    %dma_start3A_223 = tpu.memref_slice %arg3[%dma_start3A_221, %dma_start3A_222] : memref<1000000x32xf32, #tpu.memory_space<hbm>> -> memref<1000000x32xf32, #tpu.memory_space<hbm>>
    %dma_start3A_224 = tpu.memref_slice %arg7[%dma_start3A_213] : memref<4x!tpu.dma_semaphore, #tpu.memory_space<semaphore_mem>> -> memref<1x!tpu.dma_semaphore, #tpu.memory_space<semaphore_mem>>
    %dma_start3A_225 = tpu.memref_squeeze %dma_start3A_224 : memref<1x!tpu.dma_semaphore, #tpu.memory_space<semaphore_mem>> -> memref<!tpu.dma_semaphore, #tpu.memory_space<semaphore_mem>>
    tpu.enqueue_indirect_dma source(%dma_start3A_223 : memref<1000000x32xf32, #tpu.memory_space<hbm>>) target(%dma_start3A_217 : memref<50x32xf32, #tpu.memory_space<vmem>>) offsets(%dma_start3A_220 : memref<50xi32, #tpu.memory_space<vmem>>) semaphore(%dma_start3A_225 : memref<!tpu.dma_semaphore, #tpu.memory_space<semaphore_mem>>)
    %dma_start3A_226 = arith.constant 14 : i32
    %dma_start3A_227 = arith.constant 1 : i32
    %dma_start3A_228 = arith.constant 6 : i32
    %dma_start3A_229 = arith.constant 1 : i32
    %dma_start3A_230 = arith.constant 0 : i32
    %dma_start3A_231 = arith.constant 0 : i32
    %dma_start3A_232 = tpu.memref_slice %arg6[%dma_start3A_227, %dma_start3A_228, %dma_start3A_230, %dma_start3A_231] : memref<4x8x50x32xf32, #tpu.memory_space<vmem>> -> memref<1x1x50x32xf32, #tpu.memory_space<vmem>>
    %dma_start3A_233 = tpu.memref_squeeze %dma_start3A_232 : memref<1x1x50x32xf32, #tpu.memory_space<vmem>> -> memref<50x32xf32, #tpu.memory_space<vmem>>
    %dma_start3A_234 = arith.constant 0 : i32
    %dma_start3A_235 = tpu.memref_slice %arg5[%dma_start3A_226, %dma_start3A_234] : memref<512x50xi32, #tpu.memory_space<vmem>> -> memref<1x50xi32, #tpu.memory_space<vmem>>
    %dma_start3A_236 = tpu.memref_squeeze %dma_start3A_235 : memref<1x50xi32, #tpu.memory_space<vmem>> -> memref<50xi32, #tpu.memory_space<vmem>>
    %dma_start3A_237 = arith.constant 0 : i32
    %dma_start3A_238 = arith.constant 0 : i32
    %dma_start3A_239 = tpu.memref_slice %arg3[%dma_start3A_237, %dma_start3A_238] : memref<1000000x32xf32, #tpu.memory_space<hbm>> -> memref<1000000x32xf32, #tpu.memory_space<hbm>>
    %dma_start3A_240 = tpu.memref_slice %arg7[%dma_start3A_229] : memref<4x!tpu.dma_semaphore, #tpu.memory_space<semaphore_mem>> -> memref<1x!tpu.dma_semaphore, #tpu.memory_space<semaphore_mem>>
    %dma_start3A_241 = tpu.memref_squeeze %dma_start3A_240 : memref<1x!tpu.dma_semaphore, #tpu.memory_space<semaphore_mem>> -> memref<!tpu.dma_semaphore, #tpu.memory_space<semaphore_mem>>
    tpu.enqueue_indirect_dma source(%dma_start3A_239 : memref<1000000x32xf32, #tpu.memory_space<hbm>>) target(%dma_start3A_233 : memref<50x32xf32, #tpu.memory_space<vmem>>) offsets(%dma_start3A_236 : memref<50xi32, #tpu.memory_space<vmem>>) semaphore(%dma_start3A_241 : memref<!tpu.dma_semaphore, #tpu.memory_space<semaphore_mem>>)
    %dma_start3A_242 = arith.constant 15 : i32
    %dma_start3A_243 = arith.constant 1 : i32
    %dma_start3A_244 = arith.constant 7 : i32
    %dma_start3A_245 = arith.constant 1 : i32
    %dma_start3A_246 = arith.constant 0 : i32
    %dma_start3A_247 = arith.constant 0 : i32
    %dma_start3A_248 = tpu.memref_slice %arg6[%dma_start3A_243, %dma_start3A_244, %dma_start3A_246, %dma_start3A_247] : memref<4x8x50x32xf32, #tpu.memory_space<vmem>> -> memref<1x1x50x32xf32, #tpu.memory_space<vmem>>
    %dma_start3A_249 = tpu.memref_squeeze %dma_start3A_248 : memref<1x1x50x32xf32, #tpu.memory_space<vmem>> -> memref<50x32xf32, #tpu.memory_space<vmem>>
    %dma_start3A_250 = arith.constant 0 : i32
    %dma_start3A_251 = tpu.memref_slice %arg5[%dma_start3A_242, %dma_start3A_250] : memref<512x50xi32, #tpu.memory_space<vmem>> -> memref<1x50xi32, #tpu.memory_space<vmem>>
    %dma_start3A_252 = tpu.memref_squeeze %dma_start3A_251 : memref<1x50xi32, #tpu.memory_space<vmem>> -> memref<50xi32, #tpu.memory_space<vmem>>
    %dma_start3A_253 = arith.constant 0 : i32
    %dma_start3A_254 = arith.constant 0 : i32
    %dma_start3A_255 = tpu.memref_slice %arg3[%dma_start3A_253, %dma_start3A_254] : memref<1000000x32xf32, #tpu.memory_space<hbm>> -> memref<1000000x32xf32, #tpu.memory_space<hbm>>
    %dma_start3A_256 = tpu.memref_slice %arg7[%dma_start3A_245] : memref<4x!tpu.dma_semaphore, #tpu.memory_space<semaphore_mem>> -> memref<1x!tpu.dma_semaphore, #tpu.memory_space<semaphore_mem>>
    %dma_start3A_257 = tpu.memref_squeeze %dma_start3A_256 : memref<1x!tpu.dma_semaphore, #tpu.memory_space<semaphore_mem>> -> memref<!tpu.dma_semaphore, #tpu.memory_space<semaphore_mem>>
    tpu.enqueue_indirect_dma source(%dma_start3A_255 : memref<1000000x32xf32, #tpu.memory_space<hbm>>) target(%dma_start3A_249 : memref<50x32xf32, #tpu.memory_space<vmem>>) offsets(%dma_start3A_252 : memref<50xi32, #tpu.memory_space<vmem>>) semaphore(%dma_start3A_257 : memref<!tpu.dma_semaphore, #tpu.memory_space<semaphore_mem>>)
    %dma_start3A_258 = arith.constant 16 : i32
    %dma_start3A_259 = arith.constant 2 : i32
    %dma_start3A_260 = arith.constant 0 : i32
    %dma_start3A_261 = arith.constant 2 : i32
    %dma_start3A_262 = arith.constant 0 : i32
    %dma_start3A_263 = arith.constant 0 : i32
    %dma_start3A_264 = tpu.memref_slice %arg6[%dma_start3A_259, %dma_start3A_260, %dma_start3A_262, %dma_start3A_263] : memref<4x8x50x32xf32, #tpu.memory_space<vmem>> -> memref<1x1x50x32xf32, #tpu.memory_space<vmem>>
    %dma_start3A_265 = tpu.memref_squeeze %dma_start3A_264 : memref<1x1x50x32xf32, #tpu.memory_space<vmem>> -> memref<50x32xf32, #tpu.memory_space<vmem>>
    %dma_start3A_266 = arith.constant 0 : i32
    %dma_start3A_267 = tpu.memref_slice %arg5[%dma_start3A_258, %dma_start3A_266] : memref<512x50xi32, #tpu.memory_space<vmem>> -> memref<1x50xi32, #tpu.memory_space<vmem>>
    %dma_start3A_268 = tpu.memref_squeeze %dma_start3A_267 : memref<1x50xi32, #tpu.memory_space<vmem>> -> memref<50xi32, #tpu.memory_space<vmem>>
    %dma_start3A_269 = arith.constant 0 : i32
    %dma_start3A_270 = arith.constant 0 : i32
    %dma_start3A_271 = tpu.memref_slice %arg3[%dma_start3A_269, %dma_start3A_270] : memref<1000000x32xf32, #tpu.memory_space<hbm>> -> memref<1000000x32xf32, #tpu.memory_space<hbm>>
    %dma_start3A_272 = tpu.memref_slice %arg7[%dma_start3A_261] : memref<4x!tpu.dma_semaphore, #tpu.memory_space<semaphore_mem>> -> memref<1x!tpu.dma_semaphore, #tpu.memory_space<semaphore_mem>>
    %dma_start3A_273 = tpu.memref_squeeze %dma_start3A_272 : memref<1x!tpu.dma_semaphore, #tpu.memory_space<semaphore_mem>> -> memref<!tpu.dma_semaphore, #tpu.memory_space<semaphore_mem>>
    tpu.enqueue_indirect_dma source(%dma_start3A_271 : memref<1000000x32xf32, #tpu.memory_space<hbm>>) target(%dma_start3A_265 : memref<50x32xf32, #tpu.memory_space<vmem>>) offsets(%dma_start3A_268 : memref<50xi32, #tpu.memory_space<vmem>>) semaphore(%dma_start3A_273 : memref<!tpu.dma_semaphore, #tpu.memory_space<semaphore_mem>>)
    %dma_start3A_274 = arith.constant 17 : i32
    %dma_start3A_275 = arith.constant 2 : i32
    %dma_start3A_276 = arith.constant 1 : i32
    %dma_start3A_277 = arith.constant 2 : i32
    %dma_start3A_278 = arith.constant 0 : i32
    %dma_start3A_279 = arith.constant 0 : i32
    %dma_start3A_280 = tpu.memref_slice %arg6[%dma_start3A_275, %dma_start3A_276, %dma_start3A_278, %dma_start3A_279] : memref<4x8x50x32xf32, #tpu.memory_space<vmem>> -> memref<1x1x50x32xf32, #tpu.memory_space<vmem>>
    %dma_start3A_281 = tpu.memref_squeeze %dma_start3A_280 : memref<1x1x50x32xf32, #tpu.memory_space<vmem>> -> memref<50x32xf32, #tpu.memory_space<vmem>>
    %dma_start3A_282 = arith.constant 0 : i32
    %dma_start3A_283 = tpu.memref_slice %arg5[%dma_start3A_274, %dma_start3A_282] : memref<512x50xi32, #tpu.memory_space<vmem>> -> memref<1x50xi32, #tpu.memory_space<vmem>>
    %dma_start3A_284 = tpu.memref_squeeze %dma_start3A_283 : memref<1x50xi32, #tpu.memory_space<vmem>> -> memref<50xi32, #tpu.memory_space<vmem>>
    %dma_start3A_285 = arith.constant 0 : i32
    %dma_start3A_286 = arith.constant 0 : i32
    %dma_start3A_287 = tpu.memref_slice %arg3[%dma_start3A_285, %dma_start3A_286] : memref<1000000x32xf32, #tpu.memory_space<hbm>> -> memref<1000000x32xf32, #tpu.memory_space<hbm>>
    %dma_start3A_288 = tpu.memref_slice %arg7[%dma_start3A_277] : memref<4x!tpu.dma_semaphore, #tpu.memory_space<semaphore_mem>> -> memref<1x!tpu.dma_semaphore, #tpu.memory_space<semaphore_mem>>
    %dma_start3A_289 = tpu.memref_squeeze %dma_start3A_288 : memref<1x!tpu.dma_semaphore, #tpu.memory_space<semaphore_mem>> -> memref<!tpu.dma_semaphore, #tpu.memory_space<semaphore_mem>>
    tpu.enqueue_indirect_dma source(%dma_start3A_287 : memref<1000000x32xf32, #tpu.memory_space<hbm>>) target(%dma_start3A_281 : memref<50x32xf32, #tpu.memory_space<vmem>>) offsets(%dma_start3A_284 : memref<50xi32, #tpu.memory_space<vmem>>) semaphore(%dma_start3A_289 : memref<!tpu.dma_semaphore, #tpu.memory_space<semaphore_mem>>)
    %dma_start3A_290 = arith.constant 18 : i32
    %dma_start3A_291 = arith.constant 2 : i32
    %dma_start3A_292 = arith.constant 2 : i32
    %dma_start3A_293 = arith.constant 2 : i32
    %dma_start3A_294 = arith.constant 0 : i32
    %dma_start3A_295 = arith.constant 0 : i32
    %dma_start3A_296 = tpu.memref_slice %arg6[%dma_start3A_291, %dma_start3A_292, %dma_start3A_294, %dma_start3A_295] : memref<4x8x50x32xf32, #tpu.memory_space<vmem>> -> memref<1x1x50x32xf32, #tpu.memory_space<vmem>>
    %dma_start3A_297 = tpu.memref_squeeze %dma_start3A_296 : memref<1x1x50x32xf32, #tpu.memory_space<vmem>> -> memref<50x32xf32, #tpu.memory_space<vmem>>
    %dma_start3A_298 = arith.constant 0 : i32
    %dma_start3A_299 = tpu.memref_slice %arg5[%dma_start3A_290, %dma_start3A_298] : memref<512x50xi32, #tpu.memory_space<vmem>> -> memref<1x50xi32, #tpu.memory_space<vmem>>
    %dma_start3A_300 = tpu.memref_squeeze %dma_start3A_299 : memref<1x50xi32, #tpu.memory_space<vmem>> -> memref<50xi32, #tpu.memory_space<vmem>>
    %dma_start3A_301 = arith.constant 0 : i32
    %dma_start3A_302 = arith.constant 0 : i32
    %dma_start3A_303 = tpu.memref_slice %arg3[%dma_start3A_301, %dma_start3A_302] : memref<1000000x32xf32, #tpu.memory_space<hbm>> -> memref<1000000x32xf32, #tpu.memory_space<hbm>>
    %dma_start3A_304 = tpu.memref_slice %arg7[%dma_start3A_293] : memref<4x!tpu.dma_semaphore, #tpu.memory_space<semaphore_mem>> -> memref<1x!tpu.dma_semaphore, #tpu.memory_space<semaphore_mem>>
    %dma_start3A_305 = tpu.memref_squeeze %dma_start3A_304 : memref<1x!tpu.dma_semaphore, #tpu.memory_space<semaphore_mem>> -> memref<!tpu.dma_semaphore, #tpu.memory_space<semaphore_mem>>
    tpu.enqueue_indirect_dma source(%dma_start3A_303 : memref<1000000x32xf32, #tpu.memory_space<hbm>>) target(%dma_start3A_297 : memref<50x32xf32, #tpu.memory_space<vmem>>) offsets(%dma_start3A_300 : memref<50xi32, #tpu.memory_space<vmem>>) semaphore(%dma_start3A_305 : memref<!tpu.dma_semaphore, #tpu.memory_space<semaphore_mem>>)
    %dma_start3A_306 = arith.constant 19 : i32
    %dma_start3A_307 = arith.constant 2 : i32
    %dma_start3A_308 = arith.constant 3 : i32
    %dma_start3A_309 = arith.constant 2 : i32
    %dma_start3A_310 = arith.constant 0 : i32
    %dma_start3A_311 = arith.constant 0 : i32
    %dma_start3A_312 = tpu.memref_slice %arg6[%dma_start3A_307, %dma_start3A_308, %dma_start3A_310, %dma_start3A_311] : memref<4x8x50x32xf32, #tpu.memory_space<vmem>> -> memref<1x1x50x32xf32, #tpu.memory_space<vmem>>
    %dma_start3A_313 = tpu.memref_squeeze %dma_start3A_312 : memref<1x1x50x32xf32, #tpu.memory_space<vmem>> -> memref<50x32xf32, #tpu.memory_space<vmem>>
    %dma_start3A_314 = arith.constant 0 : i32
    %dma_start3A_315 = tpu.memref_slice %arg5[%dma_start3A_306, %dma_start3A_314] : memref<512x50xi32, #tpu.memory_space<vmem>> -> memref<1x50xi32, #tpu.memory_space<vmem>>
    %dma_start3A_316 = tpu.memref_squeeze %dma_start3A_315 : memref<1x50xi32, #tpu.memory_space<vmem>> -> memref<50xi32, #tpu.memory_space<vmem>>
    %dma_start3A_317 = arith.constant 0 : i32
    %dma_start3A_318 = arith.constant 0 : i32
    %dma_start3A_319 = tpu.memref_slice %arg3[%dma_start3A_317, %dma_start3A_318] : memref<1000000x32xf32, #tpu.memory_space<hbm>> -> memref<1000000x32xf32, #tpu.memory_space<hbm>>
    %dma_start3A_320 = tpu.memref_slice %arg7[%dma_start3A_309] : memref<4x!tpu.dma_semaphore, #tpu.memory_space<semaphore_mem>> -> memref<1x!tpu.dma_semaphore, #tpu.memory_space<semaphore_mem>>
    %dma_start3A_321 = tpu.memref_squeeze %dma_start3A_320 : memref<1x!tpu.dma_semaphore, #tpu.memory_space<semaphore_mem>> -> memref<!tpu.dma_semaphore, #tpu.memory_space<semaphore_mem>>
    tpu.enqueue_indirect_dma source(%dma_start3A_319 : memref<1000000x32xf32, #tpu.memory_space<hbm>>) target(%dma_start3A_313 : memref<50x32xf32, #tpu.memory_space<vmem>>) offsets(%dma_start3A_316 : memref<50xi32, #tpu.memory_space<vmem>>) semaphore(%dma_start3A_321 : memref<!tpu.dma_semaphore, #tpu.memory_space<semaphore_mem>>)
    %dma_start3A_322 = arith.constant 20 : i32
    %dma_start3A_323 = arith.constant 2 : i32
    %dma_start3A_324 = arith.constant 4 : i32
    %dma_start3A_325 = arith.constant 2 : i32
    %dma_start3A_326 = arith.constant 0 : i32
    %dma_start3A_327 = arith.constant 0 : i32
    %dma_start3A_328 = tpu.memref_slice %arg6[%dma_start3A_323, %dma_start3A_324, %dma_start3A_326, %dma_start3A_327] : memref<4x8x50x32xf32, #tpu.memory_space<vmem>> -> memref<1x1x50x32xf32, #tpu.memory_space<vmem>>
    %dma_start3A_329 = tpu.memref_squeeze %dma_start3A_328 : memref<1x1x50x32xf32, #tpu.memory_space<vmem>> -> memref<50x32xf32, #tpu.memory_space<vmem>>
    %dma_start3A_330 = arith.constant 0 : i32
    %dma_start3A_331 = tpu.memref_slice %arg5[%dma_start3A_322, %dma_start3A_330] : memref<512x50xi32, #tpu.memory_space<vmem>> -> memref<1x50xi32, #tpu.memory_space<vmem>>
    %dma_start3A_332 = tpu.memref_squeeze %dma_start3A_331 : memref<1x50xi32, #tpu.memory_space<vmem>> -> memref<50xi32, #tpu.memory_space<vmem>>
    %dma_start3A_333 = arith.constant 0 : i32
    %dma_start3A_334 = arith.constant 0 : i32
    %dma_start3A_335 = tpu.memref_slice %arg3[%dma_start3A_333, %dma_start3A_334] : memref<1000000x32xf32, #tpu.memory_space<hbm>> -> memref<1000000x32xf32, #tpu.memory_space<hbm>>
    %dma_start3A_336 = tpu.memref_slice %arg7[%dma_start3A_325] : memref<4x!tpu.dma_semaphore, #tpu.memory_space<semaphore_mem>> -> memref<1x!tpu.dma_semaphore, #tpu.memory_space<semaphore_mem>>
    %dma_start3A_337 = tpu.memref_squeeze %dma_start3A_336 : memref<1x!tpu.dma_semaphore, #tpu.memory_space<semaphore_mem>> -> memref<!tpu.dma_semaphore, #tpu.memory_space<semaphore_mem>>
    tpu.enqueue_indirect_dma source(%dma_start3A_335 : memref<1000000x32xf32, #tpu.memory_space<hbm>>) target(%dma_start3A_329 : memref<50x32xf32, #tpu.memory_space<vmem>>) offsets(%dma_start3A_332 : memref<50xi32, #tpu.memory_space<vmem>>) semaphore(%dma_start3A_337 : memref<!tpu.dma_semaphore, #tpu.memory_space<semaphore_mem>>)
    %dma_start3A_338 = arith.constant 21 : i32
    %dma_start3A_339 = arith.constant 2 : i32
    %dma_start3A_340 = arith.constant 5 : i32
    %dma_start3A_341 = arith.constant 2 : i32
    %dma_start3A_342 = arith.constant 0 : i32
    %dma_start3A_343 = arith.constant 0 : i32
    %dma_start3A_344 = tpu.memref_slice %arg6[%dma_start3A_339, %dma_start3A_340, %dma_start3A_342, %dma_start3A_343] : memref<4x8x50x32xf32, #tpu.memory_space<vmem>> -> memref<1x1x50x32xf32, #tpu.memory_space<vmem>>
    %dma_start3A_345 = tpu.memref_squeeze %dma_start3A_344 : memref<1x1x50x32xf32, #tpu.memory_space<vmem>> -> memref<50x32xf32, #tpu.memory_space<vmem>>
    %dma_start3A_346 = arith.constant 0 : i32
    %dma_start3A_347 = tpu.memref_slice %arg5[%dma_start3A_338, %dma_start3A_346] : memref<512x50xi32, #tpu.memory_space<vmem>> -> memref<1x50xi32, #tpu.memory_space<vmem>>
    %dma_start3A_348 = tpu.memref_squeeze %dma_start3A_347 : memref<1x50xi32, #tpu.memory_space<vmem>> -> memref<50xi32, #tpu.memory_space<vmem>>
    %dma_start3A_349 = arith.constant 0 : i32
    %dma_start3A_350 = arith.constant 0 : i32
    %dma_start3A_351 = tpu.memref_slice %arg3[%dma_start3A_349, %dma_start3A_350] : memref<1000000x32xf32, #tpu.memory_space<hbm>> -> memref<1000000x32xf32, #tpu.memory_space<hbm>>
    %dma_start3A_352 = tpu.memref_slice %arg7[%dma_start3A_341] : memref<4x!tpu.dma_semaphore, #tpu.memory_space<semaphore_mem>> -> memref<1x!tpu.dma_semaphore, #tpu.memory_space<semaphore_mem>>
    %dma_start3A_353 = tpu.memref_squeeze %dma_start3A_352 : memref<1x!tpu.dma_semaphore, #tpu.memory_space<semaphore_mem>> -> memref<!tpu.dma_semaphore, #tpu.memory_space<semaphore_mem>>
    tpu.enqueue_indirect_dma source(%dma_start3A_351 : memref<1000000x32xf32, #tpu.memory_space<hbm>>) target(%dma_start3A_345 : memref<50x32xf32, #tpu.memory_space<vmem>>) offsets(%dma_start3A_348 : memref<50xi32, #tpu.memory_space<vmem>>) semaphore(%dma_start3A_353 : memref<!tpu.dma_semaphore, #tpu.memory_space<semaphore_mem>>)
    %dma_start3A_354 = arith.constant 22 : i32
    %dma_start3A_355 = arith.constant 2 : i32
    %dma_start3A_356 = arith.constant 6 : i32
    %dma_start3A_357 = arith.constant 2 : i32
    %dma_start3A_358 = arith.constant 0 : i32
    %dma_start3A_359 = arith.constant 0 : i32
    %dma_start3A_360 = tpu.memref_slice %arg6[%dma_start3A_355, %dma_start3A_356, %dma_start3A_358, %dma_start3A_359] : memref<4x8x50x32xf32, #tpu.memory_space<vmem>> -> memref<1x1x50x32xf32, #tpu.memory_space<vmem>>
    %dma_start3A_361 = tpu.memref_squeeze %dma_start3A_360 : memref<1x1x50x32xf32, #tpu.memory_space<vmem>> -> memref<50x32xf32, #tpu.memory_space<vmem>>
    %dma_start3A_362 = arith.constant 0 : i32
    %dma_start3A_363 = tpu.memref_slice %arg5[%dma_start3A_354, %dma_start3A_362] : memref<512x50xi32, #tpu.memory_space<vmem>> -> memref<1x50xi32, #tpu.memory_space<vmem>>
    %dma_start3A_364 = tpu.memref_squeeze %dma_start3A_363 : memref<1x50xi32, #tpu.memory_space<vmem>> -> memref<50xi32, #tpu.memory_space<vmem>>
    %dma_start3A_365 = arith.constant 0 : i32
    %dma_start3A_366 = arith.constant 0 : i32
    %dma_start3A_367 = tpu.memref_slice %arg3[%dma_start3A_365, %dma_start3A_366] : memref<1000000x32xf32, #tpu.memory_space<hbm>> -> memref<1000000x32xf32, #tpu.memory_space<hbm>>
    %dma_start3A_368 = tpu.memref_slice %arg7[%dma_start3A_357] : memref<4x!tpu.dma_semaphore, #tpu.memory_space<semaphore_mem>> -> memref<1x!tpu.dma_semaphore, #tpu.memory_space<semaphore_mem>>
    %dma_start3A_369 = tpu.memref_squeeze %dma_start3A_368 : memref<1x!tpu.dma_semaphore, #tpu.memory_space<semaphore_mem>> -> memref<!tpu.dma_semaphore, #tpu.memory_space<semaphore_mem>>
    tpu.enqueue_indirect_dma source(%dma_start3A_367 : memref<1000000x32xf32, #tpu.memory_space<hbm>>) target(%dma_start3A_361 : memref<50x32xf32, #tpu.memory_space<vmem>>) offsets(%dma_start3A_364 : memref<50xi32, #tpu.memory_space<vmem>>) semaphore(%dma_start3A_369 : memref<!tpu.dma_semaphore, #tpu.memory_space<semaphore_mem>>)
    %dma_start3A_370 = arith.constant 23 : i32
    %dma_start3A_371 = arith.constant 2 : i32
    %dma_start3A_372 = arith.constant 7 : i32
    %dma_start3A_373 = arith.constant 2 : i32
    %dma_start3A_374 = arith.constant 0 : i32
    %dma_start3A_375 = arith.constant 0 : i32
    %dma_start3A_376 = tpu.memref_slice %arg6[%dma_start3A_371, %dma_start3A_372, %dma_start3A_374, %dma_start3A_375] : memref<4x8x50x32xf32, #tpu.memory_space<vmem>> -> memref<1x1x50x32xf32, #tpu.memory_space<vmem>>
    %dma_start3A_377 = tpu.memref_squeeze %dma_start3A_376 : memref<1x1x50x32xf32, #tpu.memory_space<vmem>> -> memref<50x32xf32, #tpu.memory_space<vmem>>
    %dma_start3A_378 = arith.constant 0 : i32
    %dma_start3A_379 = tpu.memref_slice %arg5[%dma_start3A_370, %dma_start3A_378] : memref<512x50xi32, #tpu.memory_space<vmem>> -> memref<1x50xi32, #tpu.memory_space<vmem>>
    %dma_start3A_380 = tpu.memref_squeeze %dma_start3A_379 : memref<1x50xi32, #tpu.memory_space<vmem>> -> memref<50xi32, #tpu.memory_space<vmem>>
    %dma_start3A_381 = arith.constant 0 : i32
    %dma_start3A_382 = arith.constant 0 : i32
    %dma_start3A_383 = tpu.memref_slice %arg3[%dma_start3A_381, %dma_start3A_382] : memref<1000000x32xf32, #tpu.memory_space<hbm>> -> memref<1000000x32xf32, #tpu.memory_space<hbm>>
    %dma_start3A_384 = tpu.memref_slice %arg7[%dma_start3A_373] : memref<4x!tpu.dma_semaphore, #tpu.memory_space<semaphore_mem>> -> memref<1x!tpu.dma_semaphore, #tpu.memory_space<semaphore_mem>>
    %dma_start3A_385 = tpu.memref_squeeze %dma_start3A_384 : memref<1x!tpu.dma_semaphore, #tpu.memory_space<semaphore_mem>> -> memref<!tpu.dma_semaphore, #tpu.memory_space<semaphore_mem>>
    tpu.enqueue_indirect_dma source(%dma_start3A_383 : memref<1000000x32xf32, #tpu.memory_space<hbm>>) target(%dma_start3A_377 : memref<50x32xf32, #tpu.memory_space<vmem>>) offsets(%dma_start3A_380 : memref<50xi32, #tpu.memory_space<vmem>>) semaphore(%dma_start3A_385 : memref<!tpu.dma_semaphore, #tpu.memory_space<semaphore_mem>>)
    %dma_start3A_386 = arith.constant 24 : i32
    %dma_start3A_387 = arith.constant 3 : i32
    %dma_start3A_388 = arith.constant 0 : i32
    %dma_start3A_389 = arith.constant 3 : i32
    %dma_start3A_390 = arith.constant 0 : i32
    %dma_start3A_391 = arith.constant 0 : i32
    %dma_start3A_392 = tpu.memref_slice %arg6[%dma_start3A_387, %dma_start3A_388, %dma_start3A_390, %dma_start3A_391] : memref<4x8x50x32xf32, #tpu.memory_space<vmem>> -> memref<1x1x50x32xf32, #tpu.memory_space<vmem>>
    %dma_start3A_393 = tpu.memref_squeeze %dma_start3A_392 : memref<1x1x50x32xf32, #tpu.memory_space<vmem>> -> memref<50x32xf32, #tpu.memory_space<vmem>>
    %dma_start3A_394 = arith.constant 0 : i32
    %dma_start3A_395 = tpu.memref_slice %arg5[%dma_start3A_386, %dma_start3A_394] : memref<512x50xi32, #tpu.memory_space<vmem>> -> memref<1x50xi32, #tpu.memory_space<vmem>>
    %dma_start3A_396 = tpu.memref_squeeze %dma_start3A_395 : memref<1x50xi32, #tpu.memory_space<vmem>> -> memref<50xi32, #tpu.memory_space<vmem>>
    %dma_start3A_397 = arith.constant 0 : i32
    %dma_start3A_398 = arith.constant 0 : i32
    %dma_start3A_399 = tpu.memref_slice %arg3[%dma_start3A_397, %dma_start3A_398] : memref<1000000x32xf32, #tpu.memory_space<hbm>> -> memref<1000000x32xf32, #tpu.memory_space<hbm>>
    %dma_start3A_400 = tpu.memref_slice %arg7[%dma_start3A_389] : memref<4x!tpu.dma_semaphore, #tpu.memory_space<semaphore_mem>> -> memref<1x!tpu.dma_semaphore, #tpu.memory_space<semaphore_mem>>
    %dma_start3A_401 = tpu.memref_squeeze %dma_start3A_400 : memref<1x!tpu.dma_semaphore, #tpu.memory_space<semaphore_mem>> -> memref<!tpu.dma_semaphore, #tpu.memory_space<semaphore_mem>>
    tpu.enqueue_indirect_dma source(%dma_start3A_399 : memref<1000000x32xf32, #tpu.memory_space<hbm>>) target(%dma_start3A_393 : memref<50x32xf32, #tpu.memory_space<vmem>>) offsets(%dma_start3A_396 : memref<50xi32, #tpu.memory_space<vmem>>) semaphore(%dma_start3A_401 : memref<!tpu.dma_semaphore, #tpu.memory_space<semaphore_mem>>)
    %dma_start3A_402 = arith.constant 25 : i32
    %dma_start3A_403 = arith.constant 3 : i32
    %dma_start3A_404 = arith.constant 1 : i32
    %dma_start3A_405 = arith.constant 3 : i32
    %dma_start3A_406 = arith.constant 0 : i32
    %dma_start3A_407 = arith.constant 0 : i32
    %dma_start3A_408 = tpu.memref_slice %arg6[%dma_start3A_403, %dma_start3A_404, %dma_start3A_406, %dma_start3A_407] : memref<4x8x50x32xf32, #tpu.memory_space<vmem>> -> memref<1x1x50x32xf32, #tpu.memory_space<vmem>>
    %dma_start3A_409 = tpu.memref_squeeze %dma_start3A_408 : memref<1x1x50x32xf32, #tpu.memory_space<vmem>> -> memref<50x32xf32, #tpu.memory_space<vmem>>
    %dma_start3A_410 = arith.constant 0 : i32
    %dma_start3A_411 = tpu.memref_slice %arg5[%dma_start3A_402, %dma_start3A_410] : memref<512x50xi32, #tpu.memory_space<vmem>> -> memref<1x50xi32, #tpu.memory_space<vmem>>
    %dma_start3A_412 = tpu.memref_squeeze %dma_start3A_411 : memref<1x50xi32, #tpu.memory_space<vmem>> -> memref<50xi32, #tpu.memory_space<vmem>>
    %dma_start3A_413 = arith.constant 0 : i32
    %dma_start3A_414 = arith.constant 0 : i32
    %dma_start3A_415 = tpu.memref_slice %arg3[%dma_start3A_413, %dma_start3A_414] : memref<1000000x32xf32, #tpu.memory_space<hbm>> -> memref<1000000x32xf32, #tpu.memory_space<hbm>>
    %dma_start3A_416 = tpu.memref_slice %arg7[%dma_start3A_405] : memref<4x!tpu.dma_semaphore, #tpu.memory_space<semaphore_mem>> -> memref<1x!tpu.dma_semaphore, #tpu.memory_space<semaphore_mem>>
    %dma_start3A_417 = tpu.memref_squeeze %dma_start3A_416 : memref<1x!tpu.dma_semaphore, #tpu.memory_space<semaphore_mem>> -> memref<!tpu.dma_semaphore, #tpu.memory_space<semaphore_mem>>
    tpu.enqueue_indirect_dma source(%dma_start3A_415 : memref<1000000x32xf32, #tpu.memory_space<hbm>>) target(%dma_start3A_409 : memref<50x32xf32, #tpu.memory_space<vmem>>) offsets(%dma_start3A_412 : memref<50xi32, #tpu.memory_space<vmem>>) semaphore(%dma_start3A_417 : memref<!tpu.dma_semaphore, #tpu.memory_space<semaphore_mem>>)
    %dma_start3A_418 = arith.constant 26 : i32
    %dma_start3A_419 = arith.constant 3 : i32
    %dma_start3A_420 = arith.constant 2 : i32
    %dma_start3A_421 = arith.constant 3 : i32
    %dma_start3A_422 = arith.constant 0 : i32
    %dma_start3A_423 = arith.constant 0 : i32
    %dma_start3A_424 = tpu.memref_slice %arg6[%dma_start3A_419, %dma_start3A_420, %dma_start3A_422, %dma_start3A_423] : memref<4x8x50x32xf32, #tpu.memory_space<vmem>> -> memref<1x1x50x32xf32, #tpu.memory_space<vmem>>
    %dma_start3A_425 = tpu.memref_squeeze %dma_start3A_424 : memref<1x1x50x32xf32, #tpu.memory_space<vmem>> -> memref<50x32xf32, #tpu.memory_space<vmem>>
    %dma_start3A_426 = arith.constant 0 : i32
    %dma_start3A_427 = tpu.memref_slice %arg5[%dma_start3A_418, %dma_start3A_426] : memref<512x50xi32, #tpu.memory_space<vmem>> -> memref<1x50xi32, #tpu.memory_space<vmem>>
    %dma_start3A_428 = tpu.memref_squeeze %dma_start3A_427 : memref<1x50xi32, #tpu.memory_space<vmem>> -> memref<50xi32, #tpu.memory_space<vmem>>
    %dma_start3A_429 = arith.constant 0 : i32
    %dma_start3A_430 = arith.constant 0 : i32
    %dma_start3A_431 = tpu.memref_slice %arg3[%dma_start3A_429, %dma_start3A_430] : memref<1000000x32xf32, #tpu.memory_space<hbm>> -> memref<1000000x32xf32, #tpu.memory_space<hbm>>
    %dma_start3A_432 = tpu.memref_slice %arg7[%dma_start3A_421] : memref<4x!tpu.dma_semaphore, #tpu.memory_space<semaphore_mem>> -> memref<1x!tpu.dma_semaphore, #tpu.memory_space<semaphore_mem>>
    %dma_start3A_433 = tpu.memref_squeeze %dma_start3A_432 : memref<1x!tpu.dma_semaphore, #tpu.memory_space<semaphore_mem>> -> memref<!tpu.dma_semaphore, #tpu.memory_space<semaphore_mem>>
    tpu.enqueue_indirect_dma source(%dma_start3A_431 : memref<1000000x32xf32, #tpu.memory_space<hbm>>) target(%dma_start3A_425 : memref<50x32xf32, #tpu.memory_space<vmem>>) offsets(%dma_start3A_428 : memref<50xi32, #tpu.memory_space<vmem>>) semaphore(%dma_start3A_433 : memref<!tpu.dma_semaphore, #tpu.memory_space<semaphore_mem>>)
    %dma_start3A_434 = arith.constant 27 : i32
    %dma_start3A_435 = arith.constant 3 : i32
    %dma_start3A_436 = arith.constant 3 : i32
    %dma_start3A_437 = arith.constant 3 : i32
    %dma_start3A_438 = arith.constant 0 : i32
    %dma_start3A_439 = arith.constant 0 : i32
    %dma_start3A_440 = tpu.memref_slice %arg6[%dma_start3A_435, %dma_start3A_436, %dma_start3A_438, %dma_start3A_439] : memref<4x8x50x32xf32, #tpu.memory_space<vmem>> -> memref<1x1x50x32xf32, #tpu.memory_space<vmem>>
    %dma_start3A_441 = tpu.memref_squeeze %dma_start3A_440 : memref<1x1x50x32xf32, #tpu.memory_space<vmem>> -> memref<50x32xf32, #tpu.memory_space<vmem>>
    %dma_start3A_442 = arith.constant 0 : i32
    %dma_start3A_443 = tpu.memref_slice %arg5[%dma_start3A_434, %dma_start3A_442] : memref<512x50xi32, #tpu.memory_space<vmem>> -> memref<1x50xi32, #tpu.memory_space<vmem>>
    %dma_start3A_444 = tpu.memref_squeeze %dma_start3A_443 : memref<1x50xi32, #tpu.memory_space<vmem>> -> memref<50xi32, #tpu.memory_space<vmem>>
    %dma_start3A_445 = arith.constant 0 : i32
    %dma_start3A_446 = arith.constant 0 : i32
    %dma_start3A_447 = tpu.memref_slice %arg3[%dma_start3A_445, %dma_start3A_446] : memref<1000000x32xf32, #tpu.memory_space<hbm>> -> memref<1000000x32xf32, #tpu.memory_space<hbm>>
    %dma_start3A_448 = tpu.memref_slice %arg7[%dma_start3A_437] : memref<4x!tpu.dma_semaphore, #tpu.memory_space<semaphore_mem>> -> memref<1x!tpu.dma_semaphore, #tpu.memory_space<semaphore_mem>>
    %dma_start3A_449 = tpu.memref_squeeze %dma_start3A_448 : memref<1x!tpu.dma_semaphore, #tpu.memory_space<semaphore_mem>> -> memref<!tpu.dma_semaphore, #tpu.memory_space<semaphore_mem>>
    tpu.enqueue_indirect_dma source(%dma_start3A_447 : memref<1000000x32xf32, #tpu.memory_space<hbm>>) target(%dma_start3A_441 : memref<50x32xf32, #tpu.memory_space<vmem>>) offsets(%dma_start3A_444 : memref<50xi32, #tpu.memory_space<vmem>>) semaphore(%dma_start3A_449 : memref<!tpu.dma_semaphore, #tpu.memory_space<semaphore_mem>>)
    %dma_start3A_450 = arith.constant 28 : i32
    %dma_start3A_451 = arith.constant 3 : i32
    %dma_start3A_452 = arith.constant 4 : i32
    %dma_start3A_453 = arith.constant 3 : i32
    %dma_start3A_454 = arith.constant 0 : i32
    %dma_start3A_455 = arith.constant 0 : i32
    %dma_start3A_456 = tpu.memref_slice %arg6[%dma_start3A_451, %dma_start3A_452, %dma_start3A_454, %dma_start3A_455] : memref<4x8x50x32xf32, #tpu.memory_space<vmem>> -> memref<1x1x50x32xf32, #tpu.memory_space<vmem>>
    %dma_start3A_457 = tpu.memref_squeeze %dma_start3A_456 : memref<1x1x50x32xf32, #tpu.memory_space<vmem>> -> memref<50x32xf32, #tpu.memory_space<vmem>>
    %dma_start3A_458 = arith.constant 0 : i32
    %dma_start3A_459 = tpu.memref_slice %arg5[%dma_start3A_450, %dma_start3A_458] : memref<512x50xi32, #tpu.memory_space<vmem>> -> memref<1x50xi32, #tpu.memory_space<vmem>>
    %dma_start3A_460 = tpu.memref_squeeze %dma_start3A_459 : memref<1x50xi32, #tpu.memory_space<vmem>> -> memref<50xi32, #tpu.memory_space<vmem>>
    %dma_start3A_461 = arith.constant 0 : i32
    %dma_start3A_462 = arith.constant 0 : i32
    %dma_start3A_463 = tpu.memref_slice %arg3[%dma_start3A_461, %dma_start3A_462] : memref<1000000x32xf32, #tpu.memory_space<hbm>> -> memref<1000000x32xf32, #tpu.memory_space<hbm>>
    %dma_start3A_464 = tpu.memref_slice %arg7[%dma_start3A_453] : memref<4x!tpu.dma_semaphore, #tpu.memory_space<semaphore_mem>> -> memref<1x!tpu.dma_semaphore, #tpu.memory_space<semaphore_mem>>
    %dma_start3A_465 = tpu.memref_squeeze %dma_start3A_464 : memref<1x!tpu.dma_semaphore, #tpu.memory_space<semaphore_mem>> -> memref<!tpu.dma_semaphore, #tpu.memory_space<semaphore_mem>>
    tpu.enqueue_indirect_dma source(%dma_start3A_463 : memref<1000000x32xf32, #tpu.memory_space<hbm>>) target(%dma_start3A_457 : memref<50x32xf32, #tpu.memory_space<vmem>>) offsets(%dma_start3A_460 : memref<50xi32, #tpu.memory_space<vmem>>) semaphore(%dma_start3A_465 : memref<!tpu.dma_semaphore, #tpu.memory_space<semaphore_mem>>)
    %dma_start3A_466 = arith.constant 29 : i32
    %dma_start3A_467 = arith.constant 3 : i32
    %dma_start3A_468 = arith.constant 5 : i32
    %dma_start3A_469 = arith.constant 3 : i32
    %dma_start3A_470 = arith.constant 0 : i32
    %dma_start3A_471 = arith.constant 0 : i32
    %dma_start3A_472 = tpu.memref_slice %arg6[%dma_start3A_467, %dma_start3A_468, %dma_start3A_470, %dma_start3A_471] : memref<4x8x50x32xf32, #tpu.memory_space<vmem>> -> memref<1x1x50x32xf32, #tpu.memory_space<vmem>>
    %dma_start3A_473 = tpu.memref_squeeze %dma_start3A_472 : memref<1x1x50x32xf32, #tpu.memory_space<vmem>> -> memref<50x32xf32, #tpu.memory_space<vmem>>
    %dma_start3A_474 = arith.constant 0 : i32
    %dma_start3A_475 = tpu.memref_slice %arg5[%dma_start3A_466, %dma_start3A_474] : memref<512x50xi32, #tpu.memory_space<vmem>> -> memref<1x50xi32, #tpu.memory_space<vmem>>
    %dma_start3A_476 = tpu.memref_squeeze %dma_start3A_475 : memref<1x50xi32, #tpu.memory_space<vmem>> -> memref<50xi32, #tpu.memory_space<vmem>>
    %dma_start3A_477 = arith.constant 0 : i32
    %dma_start3A_478 = arith.constant 0 : i32
    %dma_start3A_479 = tpu.memref_slice %arg3[%dma_start3A_477, %dma_start3A_478] : memref<1000000x32xf32, #tpu.memory_space<hbm>> -> memref<1000000x32xf32, #tpu.memory_space<hbm>>
    %dma_start3A_480 = tpu.memref_slice %arg7[%dma_start3A_469] : memref<4x!tpu.dma_semaphore, #tpu.memory_space<semaphore_mem>> -> memref<1x!tpu.dma_semaphore, #tpu.memory_space<semaphore_mem>>
    %dma_start3A_481 = tpu.memref_squeeze %dma_start3A_480 : memref<1x!tpu.dma_semaphore, #tpu.memory_space<semaphore_mem>> -> memref<!tpu.dma_semaphore, #tpu.memory_space<semaphore_mem>>
    tpu.enqueue_indirect_dma source(%dma_start3A_479 : memref<1000000x32xf32, #tpu.memory_space<hbm>>) target(%dma_start3A_473 : memref<50x32xf32, #tpu.memory_space<vmem>>) offsets(%dma_start3A_476 : memref<50xi32, #tpu.memory_space<vmem>>) semaphore(%dma_start3A_481 : memref<!tpu.dma_semaphore, #tpu.memory_space<semaphore_mem>>)
    %dma_start3A_482 = arith.constant 30 : i32
    %dma_start3A_483 = arith.constant 3 : i32
    %dma_start3A_484 = arith.constant 6 : i32
    %dma_start3A_485 = arith.constant 3 : i32
    %dma_start3A_486 = arith.constant 0 : i32
    %dma_start3A_487 = arith.constant 0 : i32
    %dma_start3A_488 = tpu.memref_slice %arg6[%dma_start3A_483, %dma_start3A_484, %dma_start3A_486, %dma_start3A_487] : memref<4x8x50x32xf32, #tpu.memory_space<vmem>> -> memref<1x1x50x32xf32, #tpu.memory_space<vmem>>
    %dma_start3A_489 = tpu.memref_squeeze %dma_start3A_488 : memref<1x1x50x32xf32, #tpu.memory_space<vmem>> -> memref<50x32xf32, #tpu.memory_space<vmem>>
    %dma_start3A_490 = arith.constant 0 : i32
    %dma_start3A_491 = tpu.memref_slice %arg5[%dma_start3A_482, %dma_start3A_490] : memref<512x50xi32, #tpu.memory_space<vmem>> -> memref<1x50xi32, #tpu.memory_space<vmem>>
    %dma_start3A_492 = tpu.memref_squeeze %dma_start3A_491 : memref<1x50xi32, #tpu.memory_space<vmem>> -> memref<50xi32, #tpu.memory_space<vmem>>
    %dma_start3A_493 = arith.constant 0 : i32
    %dma_start3A_494 = arith.constant 0 : i32
    %dma_start3A_495 = tpu.memref_slice %arg3[%dma_start3A_493, %dma_start3A_494] : memref<1000000x32xf32, #tpu.memory_space<hbm>> -> memref<1000000x32xf32, #tpu.memory_space<hbm>>
    %dma_start3A_496 = tpu.memref_slice %arg7[%dma_start3A_485] : memref<4x!tpu.dma_semaphore, #tpu.memory_space<semaphore_mem>> -> memref<1x!tpu.dma_semaphore, #tpu.memory_space<semaphore_mem>>
    %dma_start3A_497 = tpu.memref_squeeze %dma_start3A_496 : memref<1x!tpu.dma_semaphore, #tpu.memory_space<semaphore_mem>> -> memref<!tpu.dma_semaphore, #tpu.memory_space<semaphore_mem>>
    tpu.enqueue_indirect_dma source(%dma_start3A_495 : memref<1000000x32xf32, #tpu.memory_space<hbm>>) target(%dma_start3A_489 : memref<50x32xf32, #tpu.memory_space<vmem>>) offsets(%dma_start3A_492 : memref<50xi32, #tpu.memory_space<vmem>>) semaphore(%dma_start3A_497 : memref<!tpu.dma_semaphore, #tpu.memory_space<semaphore_mem>>)
    %dma_start3A_498 = arith.constant 31 : i32
    %dma_start3A_499 = arith.constant 3 : i32
    %dma_start3A_500 = arith.constant 7 : i32
    %dma_start3A_501 = arith.constant 3 : i32
    %dma_start3A_502 = arith.constant 0 : i32
    %dma_start3A_503 = arith.constant 0 : i32
    %dma_start3A_504 = tpu.memref_slice %arg6[%dma_start3A_499, %dma_start3A_500, %dma_start3A_502, %dma_start3A_503] : memref<4x8x50x32xf32, #tpu.memory_space<vmem>> -> memref<1x1x50x32xf32, #tpu.memory_space<vmem>>
    %dma_start3A_505 = tpu.memref_squeeze %dma_start3A_504 : memref<1x1x50x32xf32, #tpu.memory_space<vmem>> -> memref<50x32xf32, #tpu.memory_space<vmem>>
    %dma_start3A_506 = arith.constant 0 : i32
    %dma_start3A_507 = tpu.memref_slice %arg5[%dma_start3A_498, %dma_start3A_506] : memref<512x50xi32, #tpu.memory_space<vmem>> -> memref<1x50xi32, #tpu.memory_space<vmem>>
    %dma_start3A_508 = tpu.memref_squeeze %dma_start3A_507 : memref<1x50xi32, #tpu.memory_space<vmem>> -> memref<50xi32, #tpu.memory_space<vmem>>
    %dma_start3A_509 = arith.constant 0 : i32
    %dma_start3A_510 = arith.constant 0 : i32
    %dma_start3A_511 = tpu.memref_slice %arg3[%dma_start3A_509, %dma_start3A_510] : memref<1000000x32xf32, #tpu.memory_space<hbm>> -> memref<1000000x32xf32, #tpu.memory_space<hbm>>
    %dma_start3A_512 = tpu.memref_slice %arg7[%dma_start3A_501] : memref<4x!tpu.dma_semaphore, #tpu.memory_space<semaphore_mem>> -> memref<1x!tpu.dma_semaphore, #tpu.memory_space<semaphore_mem>>
    %dma_start3A_513 = tpu.memref_squeeze %dma_start3A_512 : memref<1x!tpu.dma_semaphore, #tpu.memory_space<semaphore_mem>> -> memref<!tpu.dma_semaphore, #tpu.memory_space<semaphore_mem>>
    tpu.enqueue_indirect_dma source(%dma_start3A_511 : memref<1000000x32xf32, #tpu.memory_space<hbm>>) target(%dma_start3A_505 : memref<50x32xf32, #tpu.memory_space<vmem>>) offsets(%dma_start3A_508 : memref<50xi32, #tpu.memory_space<vmem>>) semaphore(%dma_start3A_513 : memref<!tpu.dma_semaphore, #tpu.memory_space<semaphore_mem>>)
    %scan3A = arith.constant 0 : i32
    %scan3A_514 = arith.constant 15 : i32
    %scan3A_515 = arith.addi %scan3A, %scan3A_514 : i32
    %scan3A_516 = arith.constant 1 : i32
    scf.for %scan3A_781 = %scan3A to %scan3A_515 step %scan3A_516  : i32 {
      %mul3A_782 = arith.constant 4 : i32
      %mul3A_783 = arith.muli %scan3A_781, %mul3A_782 : i32
      %dma_wait3A_784 = arith.constant 0 : i32
      %dma_wait3A_785 = arith.constant 0 : i32
      %dma_wait3A_786 = arith.constant 0 : i32
      %dma_wait3A_787 = arith.constant 0 : i32
      %dma_wait3A_788 = arith.constant 0 : i32
      %dma_wait3A_789 = tpu.memref_slice %arg6[%dma_wait3A_784, %dma_wait3A_786, %dma_wait3A_787, %dma_wait3A_788] : memref<4x8x50x32xf32, #tpu.memory_space<vmem>> -> memref<1x8x50x32xf32, #tpu.memory_space<vmem>>
      %dma_wait3A_790 = tpu.memref_squeeze %dma_wait3A_789 : memref<1x8x50x32xf32, #tpu.memory_space<vmem>> -> memref<8x50x32xf32, #tpu.memory_space<vmem>>
      %dma_wait3A_791 = arith.constant 0 : i32
      %dma_wait3A_792 = arith.constant 0 : i32
      %dma_wait3A_793 = arith.constant 0 : i32
      %dma_wait3A_794 = tpu.memref_slice %arg4[%dma_wait3A_791, %dma_wait3A_792, %dma_wait3A_793] : memref<16384x50x32xf32, #tpu.memory_space<hbm>> -> memref<8x50x32xf32, #tpu.memory_space<hbm>>
      %dma_wait3A_795 = tpu.memref_slice %arg7[%dma_wait3A_785] : memref<4x!tpu.dma_semaphore, #tpu.memory_space<semaphore_mem>> -> memref<1x!tpu.dma_semaphore, #tpu.memory_space<semaphore_mem>>
      %dma_wait3A_796 = tpu.memref_squeeze %dma_wait3A_795 : memref<1x!tpu.dma_semaphore, #tpu.memory_space<semaphore_mem>> -> memref<!tpu.dma_semaphore, #tpu.memory_space<semaphore_mem>>
      %dma_wait3A_797 = arith.constant 0 : i32
      %dma_wait3A_798 = arith.constant 0 : i32
      %dma_wait3A_799 = arith.constant 0 : i32
      %dma_wait3A_800 = tpu.memref_slice %arg6[%dma_wait3A_784, %dma_wait3A_797, %dma_wait3A_798, %dma_wait3A_799] : memref<4x8x50x32xf32, #tpu.memory_space<vmem>> -> memref<1x8x50x32xf32, #tpu.memory_space<vmem>>
      %dma_wait3A_801 = tpu.memref_squeeze %dma_wait3A_800 : memref<1x8x50x32xf32, #tpu.memory_space<vmem>> -> memref<8x50x32xf32, #tpu.memory_space<vmem>>
      %dma_wait3A_802 = arith.constant 0 : i32
      %dma_wait3A_803 = arith.constant 0 : i32
      %dma_wait3A_804 = arith.constant 0 : i32
      %dma_wait3A_805 = tpu.memref_slice %arg4[%dma_wait3A_802, %dma_wait3A_803, %dma_wait3A_804] : memref<16384x50x32xf32, #tpu.memory_space<hbm>> -> memref<8x50x32xf32, #tpu.memory_space<hbm>>
      tpu.wait_dma2 semaphore(%dma_wait3A_796 : memref<!tpu.dma_semaphore, #tpu.memory_space<semaphore_mem>>) src(%dma_wait3A_805 : memref<8x50x32xf32, #tpu.memory_space<hbm>>) dst(%dma_wait3A_801 : memref<8x50x32xf32, #tpu.memory_space<vmem>>)
      %add3A_806 = arith.constant 0 : i32
      %add3A_807 = arith.addi %mul3A_783, %add3A_806 : i32
      %mul3A_808 = arith.constant 8 : i32
      %mul3A_809 = arith.muli %add3A_807, %mul3A_808 : i32
      %add3A_810 = arith.addi %mul3A_2, %mul3A_809 : i32
      %dma_start3A_811 = arith.constant 0 : i32
      %dma_start3A_812 = arith.constant 0 : i32
      %dma_start3A_813 = arith.constant 0 : i32
      %dma_start3A_814 = arith.constant 0 : i32
      %dma_start3A_815 = arith.constant 0 : i32
      %dma_start3A_816 = tpu.memref_slice %arg6[%dma_start3A_811, %dma_start3A_813, %dma_start3A_814, %dma_start3A_815] : memref<4x8x50x32xf32, #tpu.memory_space<vmem>> -> memref<1x8x50x32xf32, #tpu.memory_space<vmem>>
      %dma_start3A_817 = tpu.memref_squeeze %dma_start3A_816 : memref<1x8x50x32xf32, #tpu.memory_space<vmem>> -> memref<8x50x32xf32, #tpu.memory_space<vmem>>
      %dma_start3A_818 = arith.constant 0 : i32
      %dma_start3A_819 = arith.constant 0 : i32
      %dma_start3A_820 = tpu.memref_slice %arg4[%add3A_810, %dma_start3A_818, %dma_start3A_819] : memref<16384x50x32xf32, #tpu.memory_space<hbm>> -> memref<8x50x32xf32, #tpu.memory_space<hbm>>
      %dma_start3A_821 = tpu.memref_slice %arg8[%dma_start3A_812] : memref<4x!tpu.dma_semaphore, #tpu.memory_space<semaphore_mem>> -> memref<1x!tpu.dma_semaphore, #tpu.memory_space<semaphore_mem>>
      %dma_start3A_822 = tpu.memref_squeeze %dma_start3A_821 : memref<1x!tpu.dma_semaphore, #tpu.memory_space<semaphore_mem>> -> memref<!tpu.dma_semaphore, #tpu.memory_space<semaphore_mem>>
      %dma_start3A_823 = arith.constant 0 : i32
      %dma_start3A_824 = arith.constant 0 : i32
      %dma_start3A_825 = tpu.memref_slice %arg4[%add3A_810, %dma_start3A_823, %dma_start3A_824] : memref<16384x50x32xf32, #tpu.memory_space<hbm>> -> memref<8x50x32xf32, #tpu.memory_space<hbm>>
      %dma_start3A_826 = arith.constant 0 : i32
      %dma_start3A_827 = arith.constant 0 : i32
      %dma_start3A_828 = arith.constant 0 : i32
      %dma_start3A_829 = tpu.memref_slice %arg6[%dma_start3A_811, %dma_start3A_826, %dma_start3A_827, %dma_start3A_828] : memref<4x8x50x32xf32, #tpu.memory_space<vmem>> -> memref<1x8x50x32xf32, #tpu.memory_space<vmem>>
      %dma_start3A_830 = tpu.memref_squeeze %dma_start3A_829 : memref<1x8x50x32xf32, #tpu.memory_space<vmem>> -> memref<8x50x32xf32, #tpu.memory_space<vmem>>
      tpu.enqueue_dma source(%dma_start3A_830 : memref<8x50x32xf32, #tpu.memory_space<vmem>>) target(%dma_start3A_825 : memref<8x50x32xf32, #tpu.memory_space<hbm>>) target_semaphore(%dma_start3A_822 : memref<!tpu.dma_semaphore, #tpu.memory_space<semaphore_mem>>)
      %dma_wait3A_831 = arith.constant 1 : i32
      %dma_wait3A_832 = arith.constant 1 : i32
      %dma_wait3A_833 = arith.constant 0 : i32
      %dma_wait3A_834 = arith.constant 0 : i32
      %dma_wait3A_835 = arith.constant 0 : i32
      %dma_wait3A_836 = tpu.memref_slice %arg6[%dma_wait3A_831, %dma_wait3A_833, %dma_wait3A_834, %dma_wait3A_835] : memref<4x8x50x32xf32, #tpu.memory_space<vmem>> -> memref<1x8x50x32xf32, #tpu.memory_space<vmem>>
      %dma_wait3A_837 = tpu.memref_squeeze %dma_wait3A_836 : memref<1x8x50x32xf32, #tpu.memory_space<vmem>> -> memref<8x50x32xf32, #tpu.memory_space<vmem>>
      %dma_wait3A_838 = arith.constant 0 : i32
      %dma_wait3A_839 = arith.constant 0 : i32
      %dma_wait3A_840 = arith.constant 0 : i32
      %dma_wait3A_841 = tpu.memref_slice %arg4[%dma_wait3A_838, %dma_wait3A_839, %dma_wait3A_840] : memref<16384x50x32xf32, #tpu.memory_space<hbm>> -> memref<8x50x32xf32, #tpu.memory_space<hbm>>
      %dma_wait3A_842 = tpu.memref_slice %arg7[%dma_wait3A_832] : memref<4x!tpu.dma_semaphore, #tpu.memory_space<semaphore_mem>> -> memref<1x!tpu.dma_semaphore, #tpu.memory_space<semaphore_mem>>
      %dma_wait3A_843 = tpu.memref_squeeze %dma_wait3A_842 : memref<1x!tpu.dma_semaphore, #tpu.memory_space<semaphore_mem>> -> memref<!tpu.dma_semaphore, #tpu.memory_space<semaphore_mem>>
      %dma_wait3A_844 = arith.constant 0 : i32
      %dma_wait3A_845 = arith.constant 0 : i32
      %dma_wait3A_846 = arith.constant 0 : i32
      %dma_wait3A_847 = tpu.memref_slice %arg6[%dma_wait3A_831, %dma_wait3A_844, %dma_wait3A_845, %dma_wait3A_846] : memref<4x8x50x32xf32, #tpu.memory_space<vmem>> -> memref<1x8x50x32xf32, #tpu.memory_space<vmem>>
      %dma_wait3A_848 = tpu.memref_squeeze %dma_wait3A_847 : memref<1x8x50x32xf32, #tpu.memory_space<vmem>> -> memref<8x50x32xf32, #tpu.memory_space<vmem>>
      %dma_wait3A_849 = arith.constant 0 : i32
      %dma_wait3A_850 = arith.constant 0 : i32
      %dma_wait3A_851 = arith.constant 0 : i32
      %dma_wait3A_852 = tpu.memref_slice %arg4[%dma_wait3A_849, %dma_wait3A_850, %dma_wait3A_851] : memref<16384x50x32xf32, #tpu.memory_space<hbm>> -> memref<8x50x32xf32, #tpu.memory_space<hbm>>
      tpu.wait_dma2 semaphore(%dma_wait3A_843 : memref<!tpu.dma_semaphore, #tpu.memory_space<semaphore_mem>>) src(%dma_wait3A_852 : memref<8x50x32xf32, #tpu.memory_space<hbm>>) dst(%dma_wait3A_848 : memref<8x50x32xf32, #tpu.memory_space<vmem>>)
      %add3A_853 = arith.constant 1 : i32
      %add3A_854 = arith.addi %mul3A_783, %add3A_853 : i32
      %mul3A_855 = arith.constant 8 : i32
      %mul3A_856 = arith.muli %add3A_854, %mul3A_855 : i32
      %add3A_857 = arith.addi %mul3A_2, %mul3A_856 : i32
      %dma_start3A_858 = arith.constant 1 : i32
      %dma_start3A_859 = arith.constant 1 : i32
      %dma_start3A_860 = arith.constant 0 : i32
      %dma_start3A_861 = arith.constant 0 : i32
      %dma_start3A_862 = arith.constant 0 : i32
      %dma_start3A_863 = tpu.memref_slice %arg6[%dma_start3A_858, %dma_start3A_860, %dma_start3A_861, %dma_start3A_862] : memref<4x8x50x32xf32, #tpu.memory_space<vmem>> -> memref<1x8x50x32xf32, #tpu.memory_space<vmem>>
      %dma_start3A_864 = tpu.memref_squeeze %dma_start3A_863 : memref<1x8x50x32xf32, #tpu.memory_space<vmem>> -> memref<8x50x32xf32, #tpu.memory_space<vmem>>
      %dma_start3A_865 = arith.constant 0 : i32
      %dma_start3A_866 = arith.constant 0 : i32
      %dma_start3A_867 = tpu.memref_slice %arg4[%add3A_857, %dma_start3A_865, %dma_start3A_866] : memref<16384x50x32xf32, #tpu.memory_space<hbm>> -> memref<8x50x32xf32, #tpu.memory_space<hbm>>
      %dma_start3A_868 = tpu.memref_slice %arg8[%dma_start3A_859] : memref<4x!tpu.dma_semaphore, #tpu.memory_space<semaphore_mem>> -> memref<1x!tpu.dma_semaphore, #tpu.memory_space<semaphore_mem>>
      %dma_start3A_869 = tpu.memref_squeeze %dma_start3A_868 : memref<1x!tpu.dma_semaphore, #tpu.memory_space<semaphore_mem>> -> memref<!tpu.dma_semaphore, #tpu.memory_space<semaphore_mem>>
      %dma_start3A_870 = arith.constant 0 : i32
      %dma_start3A_871 = arith.constant 0 : i32
      %dma_start3A_872 = tpu.memref_slice %arg4[%add3A_857, %dma_start3A_870, %dma_start3A_871] : memref<16384x50x32xf32, #tpu.memory_space<hbm>> -> memref<8x50x32xf32, #tpu.memory_space<hbm>>
      %dma_start3A_873 = arith.constant 0 : i32
      %dma_start3A_874 = arith.constant 0 : i32
      %dma_start3A_875 = arith.constant 0 : i32
      %dma_start3A_876 = tpu.memref_slice %arg6[%dma_start3A_858, %dma_start3A_873, %dma_start3A_874, %dma_start3A_875] : memref<4x8x50x32xf32, #tpu.memory_space<vmem>> -> memref<1x8x50x32xf32, #tpu.memory_space<vmem>>
      %dma_start3A_877 = tpu.memref_squeeze %dma_start3A_876 : memref<1x8x50x32xf32, #tpu.memory_space<vmem>> -> memref<8x50x32xf32, #tpu.memory_space<vmem>>
      tpu.enqueue_dma source(%dma_start3A_877 : memref<8x50x32xf32, #tpu.memory_space<vmem>>) target(%dma_start3A_872 : memref<8x50x32xf32, #tpu.memory_space<hbm>>) target_semaphore(%dma_start3A_869 : memref<!tpu.dma_semaphore, #tpu.memory_space<semaphore_mem>>)
      %dma_wait3A_878 = arith.constant 2 : i32
      %dma_wait3A_879 = arith.constant 2 : i32
      %dma_wait3A_880 = arith.constant 0 : i32
      %dma_wait3A_881 = arith.constant 0 : i32
      %dma_wait3A_882 = arith.constant 0 : i32
      %dma_wait3A_883 = tpu.memref_slice %arg6[%dma_wait3A_878, %dma_wait3A_880, %dma_wait3A_881, %dma_wait3A_882] : memref<4x8x50x32xf32, #tpu.memory_space<vmem>> -> memref<1x8x50x32xf32, #tpu.memory_space<vmem>>
      %dma_wait3A_884 = tpu.memref_squeeze %dma_wait3A_883 : memref<1x8x50x32xf32, #tpu.memory_space<vmem>> -> memref<8x50x32xf32, #tpu.memory_space<vmem>>
      %dma_wait3A_885 = arith.constant 0 : i32
      %dma_wait3A_886 = arith.constant 0 : i32
      %dma_wait3A_887 = arith.constant 0 : i32
      %dma_wait3A_888 = tpu.memref_slice %arg4[%dma_wait3A_885, %dma_wait3A_886, %dma_wait3A_887] : memref<16384x50x32xf32, #tpu.memory_space<hbm>> -> memref<8x50x32xf32, #tpu.memory_space<hbm>>
      %dma_wait3A_889 = tpu.memref_slice %arg7[%dma_wait3A_879] : memref<4x!tpu.dma_semaphore, #tpu.memory_space<semaphore_mem>> -> memref<1x!tpu.dma_semaphore, #tpu.memory_space<semaphore_mem>>
      %dma_wait3A_890 = tpu.memref_squeeze %dma_wait3A_889 : memref<1x!tpu.dma_semaphore, #tpu.memory_space<semaphore_mem>> -> memref<!tpu.dma_semaphore, #tpu.memory_space<semaphore_mem>>
      %dma_wait3A_891 = arith.constant 0 : i32
      %dma_wait3A_892 = arith.constant 0 : i32
      %dma_wait3A_893 = arith.constant 0 : i32
      %dma_wait3A_894 = tpu.memref_slice %arg6[%dma_wait3A_878, %dma_wait3A_891, %dma_wait3A_892, %dma_wait3A_893] : memref<4x8x50x32xf32, #tpu.memory_space<vmem>> -> memref<1x8x50x32xf32, #tpu.memory_space<vmem>>
      %dma_wait3A_895 = tpu.memref_squeeze %dma_wait3A_894 : memref<1x8x50x32xf32, #tpu.memory_space<vmem>> -> memref<8x50x32xf32, #tpu.memory_space<vmem>>
      %dma_wait3A_896 = arith.constant 0 : i32
      %dma_wait3A_897 = arith.constant 0 : i32
      %dma_wait3A_898 = arith.constant 0 : i32
      %dma_wait3A_899 = tpu.memref_slice %arg4[%dma_wait3A_896, %dma_wait3A_897, %dma_wait3A_898] : memref<16384x50x32xf32, #tpu.memory_space<hbm>> -> memref<8x50x32xf32, #tpu.memory_space<hbm>>
      tpu.wait_dma2 semaphore(%dma_wait3A_890 : memref<!tpu.dma_semaphore, #tpu.memory_space<semaphore_mem>>) src(%dma_wait3A_899 : memref<8x50x32xf32, #tpu.memory_space<hbm>>) dst(%dma_wait3A_895 : memref<8x50x32xf32, #tpu.memory_space<vmem>>)
      %add3A_900 = arith.constant 2 : i32
      %add3A_901 = arith.addi %mul3A_783, %add3A_900 : i32
      %mul3A_902 = arith.constant 8 : i32
      %mul3A_903 = arith.muli %add3A_901, %mul3A_902 : i32
      %add3A_904 = arith.addi %mul3A_2, %mul3A_903 : i32
      %dma_start3A_905 = arith.constant 2 : i32
      %dma_start3A_906 = arith.constant 2 : i32
      %dma_start3A_907 = arith.constant 0 : i32
      %dma_start3A_908 = arith.constant 0 : i32
      %dma_start3A_909 = arith.constant 0 : i32
      %dma_start3A_910 = tpu.memref_slice %arg6[%dma_start3A_905, %dma_start3A_907, %dma_start3A_908, %dma_start3A_909] : memref<4x8x50x32xf32, #tpu.memory_space<vmem>> -> memref<1x8x50x32xf32, #tpu.memory_space<vmem>>
      %dma_start3A_911 = tpu.memref_squeeze %dma_start3A_910 : memref<1x8x50x32xf32, #tpu.memory_space<vmem>> -> memref<8x50x32xf32, #tpu.memory_space<vmem>>
      %dma_start3A_912 = arith.constant 0 : i32
      %dma_start3A_913 = arith.constant 0 : i32
      %dma_start3A_914 = tpu.memref_slice %arg4[%add3A_904, %dma_start3A_912, %dma_start3A_913] : memref<16384x50x32xf32, #tpu.memory_space<hbm>> -> memref<8x50x32xf32, #tpu.memory_space<hbm>>
      %dma_start3A_915 = tpu.memref_slice %arg8[%dma_start3A_906] : memref<4x!tpu.dma_semaphore, #tpu.memory_space<semaphore_mem>> -> memref<1x!tpu.dma_semaphore, #tpu.memory_space<semaphore_mem>>
      %dma_start3A_916 = tpu.memref_squeeze %dma_start3A_915 : memref<1x!tpu.dma_semaphore, #tpu.memory_space<semaphore_mem>> -> memref<!tpu.dma_semaphore, #tpu.memory_space<semaphore_mem>>
      %dma_start3A_917 = arith.constant 0 : i32
      %dma_start3A_918 = arith.constant 0 : i32
      %dma_start3A_919 = tpu.memref_slice %arg4[%add3A_904, %dma_start3A_917, %dma_start3A_918] : memref<16384x50x32xf32, #tpu.memory_space<hbm>> -> memref<8x50x32xf32, #tpu.memory_space<hbm>>
      %dma_start3A_920 = arith.constant 0 : i32
      %dma_start3A_921 = arith.constant 0 : i32
      %dma_start3A_922 = arith.constant 0 : i32
      %dma_start3A_923 = tpu.memref_slice %arg6[%dma_start3A_905, %dma_start3A_920, %dma_start3A_921, %dma_start3A_922] : memref<4x8x50x32xf32, #tpu.memory_space<vmem>> -> memref<1x8x50x32xf32, #tpu.memory_space<vmem>>
      %dma_start3A_924 = tpu.memref_squeeze %dma_start3A_923 : memref<1x8x50x32xf32, #tpu.memory_space<vmem>> -> memref<8x50x32xf32, #tpu.memory_space<vmem>>
      tpu.enqueue_dma source(%dma_start3A_924 : memref<8x50x32xf32, #tpu.memory_space<vmem>>) target(%dma_start3A_919 : memref<8x50x32xf32, #tpu.memory_space<hbm>>) target_semaphore(%dma_start3A_916 : memref<!tpu.dma_semaphore, #tpu.memory_space<semaphore_mem>>)
      %dma_wait3A_925 = arith.constant 3 : i32
      %dma_wait3A_926 = arith.constant 3 : i32
      %dma_wait3A_927 = arith.constant 0 : i32
      %dma_wait3A_928 = arith.constant 0 : i32
      %dma_wait3A_929 = arith.constant 0 : i32
      %dma_wait3A_930 = tpu.memref_slice %arg6[%dma_wait3A_925, %dma_wait3A_927, %dma_wait3A_928, %dma_wait3A_929] : memref<4x8x50x32xf32, #tpu.memory_space<vmem>> -> memref<1x8x50x32xf32, #tpu.memory_space<vmem>>
      %dma_wait3A_931 = tpu.memref_squeeze %dma_wait3A_930 : memref<1x8x50x32xf32, #tpu.memory_space<vmem>> -> memref<8x50x32xf32, #tpu.memory_space<vmem>>
      %dma_wait3A_932 = arith.constant 0 : i32
      %dma_wait3A_933 = arith.constant 0 : i32
      %dma_wait3A_934 = arith.constant 0 : i32
      %dma_wait3A_935 = tpu.memref_slice %arg4[%dma_wait3A_932, %dma_wait3A_933, %dma_wait3A_934] : memref<16384x50x32xf32, #tpu.memory_space<hbm>> -> memref<8x50x32xf32, #tpu.memory_space<hbm>>
      %dma_wait3A_936 = tpu.memref_slice %arg7[%dma_wait3A_926] : memref<4x!tpu.dma_semaphore, #tpu.memory_space<semaphore_mem>> -> memref<1x!tpu.dma_semaphore, #tpu.memory_space<semaphore_mem>>
      %dma_wait3A_937 = tpu.memref_squeeze %dma_wait3A_936 : memref<1x!tpu.dma_semaphore, #tpu.memory_space<semaphore_mem>> -> memref<!tpu.dma_semaphore, #tpu.memory_space<semaphore_mem>>
      %dma_wait3A_938 = arith.constant 0 : i32
      %dma_wait3A_939 = arith.constant 0 : i32
      %dma_wait3A_940 = arith.constant 0 : i32
      %dma_wait3A_941 = tpu.memref_slice %arg6[%dma_wait3A_925, %dma_wait3A_938, %dma_wait3A_939, %dma_wait3A_940] : memref<4x8x50x32xf32, #tpu.memory_space<vmem>> -> memref<1x8x50x32xf32, #tpu.memory_space<vmem>>
      %dma_wait3A_942 = tpu.memref_squeeze %dma_wait3A_941 : memref<1x8x50x32xf32, #tpu.memory_space<vmem>> -> memref<8x50x32xf32, #tpu.memory_space<vmem>>
      %dma_wait3A_943 = arith.constant 0 : i32
      %dma_wait3A_944 = arith.constant 0 : i32
      %dma_wait3A_945 = arith.constant 0 : i32
      %dma_wait3A_946 = tpu.memref_slice %arg4[%dma_wait3A_943, %dma_wait3A_944, %dma_wait3A_945] : memref<16384x50x32xf32, #tpu.memory_space<hbm>> -> memref<8x50x32xf32, #tpu.memory_space<hbm>>
      tpu.wait_dma2 semaphore(%dma_wait3A_937 : memref<!tpu.dma_semaphore, #tpu.memory_space<semaphore_mem>>) src(%dma_wait3A_946 : memref<8x50x32xf32, #tpu.memory_space<hbm>>) dst(%dma_wait3A_942 : memref<8x50x32xf32, #tpu.memory_space<vmem>>)
      %add3A_947 = arith.constant 3 : i32
      %add3A_948 = arith.addi %mul3A_783, %add3A_947 : i32
      %mul3A_949 = arith.constant 8 : i32
      %mul3A_950 = arith.muli %add3A_948, %mul3A_949 : i32
      %add3A_951 = arith.addi %mul3A_2, %mul3A_950 : i32
      %dma_start3A_952 = arith.constant 3 : i32
      %dma_start3A_953 = arith.constant 3 : i32
      %dma_start3A_954 = arith.constant 0 : i32
      %dma_start3A_955 = arith.constant 0 : i32
      %dma_start3A_956 = arith.constant 0 : i32
      %dma_start3A_957 = tpu.memref_slice %arg6[%dma_start3A_952, %dma_start3A_954, %dma_start3A_955, %dma_start3A_956] : memref<4x8x50x32xf32, #tpu.memory_space<vmem>> -> memref<1x8x50x32xf32, #tpu.memory_space<vmem>>
      %dma_start3A_958 = tpu.memref_squeeze %dma_start3A_957 : memref<1x8x50x32xf32, #tpu.memory_space<vmem>> -> memref<8x50x32xf32, #tpu.memory_space<vmem>>
      %dma_start3A_959 = arith.constant 0 : i32
      %dma_start3A_960 = arith.constant 0 : i32
      %dma_start3A_961 = tpu.memref_slice %arg4[%add3A_951, %dma_start3A_959, %dma_start3A_960] : memref<16384x50x32xf32, #tpu.memory_space<hbm>> -> memref<8x50x32xf32, #tpu.memory_space<hbm>>
      %dma_start3A_962 = tpu.memref_slice %arg8[%dma_start3A_953] : memref<4x!tpu.dma_semaphore, #tpu.memory_space<semaphore_mem>> -> memref<1x!tpu.dma_semaphore, #tpu.memory_space<semaphore_mem>>
      %dma_start3A_963 = tpu.memref_squeeze %dma_start3A_962 : memref<1x!tpu.dma_semaphore, #tpu.memory_space<semaphore_mem>> -> memref<!tpu.dma_semaphore, #tpu.memory_space<semaphore_mem>>
      %dma_start3A_964 = arith.constant 0 : i32
      %dma_start3A_965 = arith.constant 0 : i32
      %dma_start3A_966 = tpu.memref_slice %arg4[%add3A_951, %dma_start3A_964, %dma_start3A_965] : memref<16384x50x32xf32, #tpu.memory_space<hbm>> -> memref<8x50x32xf32, #tpu.memory_space<hbm>>
      %dma_start3A_967 = arith.constant 0 : i32
      %dma_start3A_968 = arith.constant 0 : i32
      %dma_start3A_969 = arith.constant 0 : i32
      %dma_start3A_970 = tpu.memref_slice %arg6[%dma_start3A_952, %dma_start3A_967, %dma_start3A_968, %dma_start3A_969] : memref<4x8x50x32xf32, #tpu.memory_space<vmem>> -> memref<1x8x50x32xf32, #tpu.memory_space<vmem>>
      %dma_start3A_971 = tpu.memref_squeeze %dma_start3A_970 : memref<1x8x50x32xf32, #tpu.memory_space<vmem>> -> memref<8x50x32xf32, #tpu.memory_space<vmem>>
      tpu.enqueue_dma source(%dma_start3A_971 : memref<8x50x32xf32, #tpu.memory_space<vmem>>) target(%dma_start3A_966 : memref<8x50x32xf32, #tpu.memory_space<hbm>>) target_semaphore(%dma_start3A_963 : memref<!tpu.dma_semaphore, #tpu.memory_space<semaphore_mem>>)
      %dma_wait3A_972 = arith.constant 0 : i32
      %dma_wait3A_973 = arith.constant 0 : i32
      %dma_wait3A_974 = arith.constant 0 : i32
      %dma_wait3A_975 = arith.constant 0 : i32
      %dma_wait3A_976 = arith.constant 0 : i32
      %dma_wait3A_977 = tpu.memref_slice %arg6[%dma_wait3A_972, %dma_wait3A_974, %dma_wait3A_975, %dma_wait3A_976] : memref<4x8x50x32xf32, #tpu.memory_space<vmem>> -> memref<1x8x50x32xf32, #tpu.memory_space<vmem>>
      %dma_wait3A_978 = tpu.memref_squeeze %dma_wait3A_977 : memref<1x8x50x32xf32, #tpu.memory_space<vmem>> -> memref<8x50x32xf32, #tpu.memory_space<vmem>>
      %dma_wait3A_979 = arith.constant 0 : i32
      %dma_wait3A_980 = arith.constant 0 : i32
      %dma_wait3A_981 = arith.constant 0 : i32
      %dma_wait3A_982 = tpu.memref_slice %arg4[%dma_wait3A_979, %dma_wait3A_980, %dma_wait3A_981] : memref<16384x50x32xf32, #tpu.memory_space<hbm>> -> memref<8x50x32xf32, #tpu.memory_space<hbm>>
      %dma_wait3A_983 = tpu.memref_slice %arg8[%dma_wait3A_973] : memref<4x!tpu.dma_semaphore, #tpu.memory_space<semaphore_mem>> -> memref<1x!tpu.dma_semaphore, #tpu.memory_space<semaphore_mem>>
      %dma_wait3A_984 = tpu.memref_squeeze %dma_wait3A_983 : memref<1x!tpu.dma_semaphore, #tpu.memory_space<semaphore_mem>> -> memref<!tpu.dma_semaphore, #tpu.memory_space<semaphore_mem>>
      %dma_wait3A_985 = arith.constant 0 : i32
      %dma_wait3A_986 = arith.constant 0 : i32
      %dma_wait3A_987 = arith.constant 0 : i32
      %dma_wait3A_988 = tpu.memref_slice %arg4[%dma_wait3A_985, %dma_wait3A_986, %dma_wait3A_987] : memref<16384x50x32xf32, #tpu.memory_space<hbm>> -> memref<8x50x32xf32, #tpu.memory_space<hbm>>
      %dma_wait3A_989 = arith.constant 0 : i32
      %dma_wait3A_990 = arith.constant 0 : i32
      %dma_wait3A_991 = arith.constant 0 : i32
      %dma_wait3A_992 = tpu.memref_slice %arg6[%dma_wait3A_972, %dma_wait3A_989, %dma_wait3A_990, %dma_wait3A_991] : memref<4x8x50x32xf32, #tpu.memory_space<vmem>> -> memref<1x8x50x32xf32, #tpu.memory_space<vmem>>
      %dma_wait3A_993 = tpu.memref_squeeze %dma_wait3A_992 : memref<1x8x50x32xf32, #tpu.memory_space<vmem>> -> memref<8x50x32xf32, #tpu.memory_space<vmem>>
      tpu.wait_dma2 semaphore(%dma_wait3A_984 : memref<!tpu.dma_semaphore, #tpu.memory_space<semaphore_mem>>) src(%dma_wait3A_993 : memref<8x50x32xf32, #tpu.memory_space<vmem>>) dst(%dma_wait3A_988 : memref<8x50x32xf32, #tpu.memory_space<hbm>>)
      %add3A_994 = arith.constant 0 : i32
      %add3A_995 = arith.addi %mul3A_783, %add3A_994 : i32
      %add3A_996 = arith.constant 4 : i32
      %add3A_997 = arith.addi %add3A_995, %add3A_996 : i32
      %mul3A_998 = arith.constant 8 : i32
      %mul3A_999 = arith.muli %add3A_997, %mul3A_998 : i32
      %add3A_1000 = arith.constant 0 : i32
      %add3A_1001 = arith.addi %mul3A_999, %add3A_1000 : i32
      %dma_start3A_1002 = arith.constant 0 : i32
      %dma_start3A_1003 = arith.constant 0 : i32
      %dma_start3A_1004 = arith.constant 0 : i32
      %dma_start3A_1005 = arith.constant 0 : i32
      %dma_start3A_1006 = arith.constant 0 : i32
      %dma_start3A_1007 = tpu.memref_slice %arg6[%dma_start3A_1002, %dma_start3A_1003, %dma_start3A_1005, %dma_start3A_1006] : memref<4x8x50x32xf32, #tpu.memory_space<vmem>> -> memref<1x1x50x32xf32, #tpu.memory_space<vmem>>
      %dma_start3A_1008 = tpu.memref_squeeze %dma_start3A_1007 : memref<1x1x50x32xf32, #tpu.memory_space<vmem>> -> memref<50x32xf32, #tpu.memory_space<vmem>>
      %dma_start3A_1009 = arith.constant 0 : i32
      %dma_start3A_1010 = tpu.memref_slice %arg5[%add3A_1001, %dma_start3A_1009] : memref<512x50xi32, #tpu.memory_space<vmem>> -> memref<1x50xi32, #tpu.memory_space<vmem>>
      %dma_start3A_1011 = tpu.memref_squeeze %dma_start3A_1010 : memref<1x50xi32, #tpu.memory_space<vmem>> -> memref<50xi32, #tpu.memory_space<vmem>>
      %dma_start3A_1012 = arith.constant 0 : i32
      %dma_start3A_1013 = arith.constant 0 : i32
      %dma_start3A_1014 = tpu.memref_slice %arg3[%dma_start3A_1012, %dma_start3A_1013] : memref<1000000x32xf32, #tpu.memory_space<hbm>> -> memref<1000000x32xf32, #tpu.memory_space<hbm>>
      %dma_start3A_1015 = tpu.memref_slice %arg7[%dma_start3A_1004] : memref<4x!tpu.dma_semaphore, #tpu.memory_space<semaphore_mem>> -> memref<1x!tpu.dma_semaphore, #tpu.memory_space<semaphore_mem>>
      %dma_start3A_1016 = tpu.memref_squeeze %dma_start3A_1015 : memref<1x!tpu.dma_semaphore, #tpu.memory_space<semaphore_mem>> -> memref<!tpu.dma_semaphore, #tpu.memory_space<semaphore_mem>>
      tpu.enqueue_indirect_dma source(%dma_start3A_1014 : memref<1000000x32xf32, #tpu.memory_space<hbm>>) target(%dma_start3A_1008 : memref<50x32xf32, #tpu.memory_space<vmem>>) offsets(%dma_start3A_1011 : memref<50xi32, #tpu.memory_space<vmem>>) semaphore(%dma_start3A_1016 : memref<!tpu.dma_semaphore, #tpu.memory_space<semaphore_mem>>)
      %mul3A_1017 = arith.constant 8 : i32
      %mul3A_1018 = arith.muli %add3A_997, %mul3A_1017 : i32
      %add3A_1019 = arith.constant 1 : i32
      %add3A_1020 = arith.addi %mul3A_1018, %add3A_1019 : i32
      %dma_start3A_1021 = arith.constant 0 : i32
      %dma_start3A_1022 = arith.constant 1 : i32
      %dma_start3A_1023 = arith.constant 0 : i32
      %dma_start3A_1024 = arith.constant 0 : i32
      %dma_start3A_1025 = arith.constant 0 : i32
      %dma_start3A_1026 = tpu.memref_slice %arg6[%dma_start3A_1021, %dma_start3A_1022, %dma_start3A_1024, %dma_start3A_1025] : memref<4x8x50x32xf32, #tpu.memory_space<vmem>> -> memref<1x1x50x32xf32, #tpu.memory_space<vmem>>
      %dma_start3A_1027 = tpu.memref_squeeze %dma_start3A_1026 : memref<1x1x50x32xf32, #tpu.memory_space<vmem>> -> memref<50x32xf32, #tpu.memory_space<vmem>>
      %dma_start3A_1028 = arith.constant 0 : i32
      %dma_start3A_1029 = tpu.memref_slice %arg5[%add3A_1020, %dma_start3A_1028] : memref<512x50xi32, #tpu.memory_space<vmem>> -> memref<1x50xi32, #tpu.memory_space<vmem>>
      %dma_start3A_1030 = tpu.memref_squeeze %dma_start3A_1029 : memref<1x50xi32, #tpu.memory_space<vmem>> -> memref<50xi32, #tpu.memory_space<vmem>>
      %dma_start3A_1031 = arith.constant 0 : i32
      %dma_start3A_1032 = arith.constant 0 : i32
      %dma_start3A_1033 = tpu.memref_slice %arg3[%dma_start3A_1031, %dma_start3A_1032] : memref<1000000x32xf32, #tpu.memory_space<hbm>> -> memref<1000000x32xf32, #tpu.memory_space<hbm>>
      %dma_start3A_1034 = tpu.memref_slice %arg7[%dma_start3A_1023] : memref<4x!tpu.dma_semaphore, #tpu.memory_space<semaphore_mem>> -> memref<1x!tpu.dma_semaphore, #tpu.memory_space<semaphore_mem>>
      %dma_start3A_1035 = tpu.memref_squeeze %dma_start3A_1034 : memref<1x!tpu.dma_semaphore, #tpu.memory_space<semaphore_mem>> -> memref<!tpu.dma_semaphore, #tpu.memory_space<semaphore_mem>>
      tpu.enqueue_indirect_dma source(%dma_start3A_1033 : memref<1000000x32xf32, #tpu.memory_space<hbm>>) target(%dma_start3A_1027 : memref<50x32xf32, #tpu.memory_space<vmem>>) offsets(%dma_start3A_1030 : memref<50xi32, #tpu.memory_space<vmem>>) semaphore(%dma_start3A_1035 : memref<!tpu.dma_semaphore, #tpu.memory_space<semaphore_mem>>)
      %mul3A_1036 = arith.constant 8 : i32
      %mul3A_1037 = arith.muli %add3A_997, %mul3A_1036 : i32
      %add3A_1038 = arith.constant 2 : i32
      %add3A_1039 = arith.addi %mul3A_1037, %add3A_1038 : i32
      %dma_start3A_1040 = arith.constant 0 : i32
      %dma_start3A_1041 = arith.constant 2 : i32
      %dma_start3A_1042 = arith.constant 0 : i32
      %dma_start3A_1043 = arith.constant 0 : i32
      %dma_start3A_1044 = arith.constant 0 : i32
      %dma_start3A_1045 = tpu.memref_slice %arg6[%dma_start3A_1040, %dma_start3A_1041, %dma_start3A_1043, %dma_start3A_1044] : memref<4x8x50x32xf32, #tpu.memory_space<vmem>> -> memref<1x1x50x32xf32, #tpu.memory_space<vmem>>
      %dma_start3A_1046 = tpu.memref_squeeze %dma_start3A_1045 : memref<1x1x50x32xf32, #tpu.memory_space<vmem>> -> memref<50x32xf32, #tpu.memory_space<vmem>>
      %dma_start3A_1047 = arith.constant 0 : i32
      %dma_start3A_1048 = tpu.memref_slice %arg5[%add3A_1039, %dma_start3A_1047] : memref<512x50xi32, #tpu.memory_space<vmem>> -> memref<1x50xi32, #tpu.memory_space<vmem>>
      %dma_start3A_1049 = tpu.memref_squeeze %dma_start3A_1048 : memref<1x50xi32, #tpu.memory_space<vmem>> -> memref<50xi32, #tpu.memory_space<vmem>>
      %dma_start3A_1050 = arith.constant 0 : i32
      %dma_start3A_1051 = arith.constant 0 : i32
      %dma_start3A_1052 = tpu.memref_slice %arg3[%dma_start3A_1050, %dma_start3A_1051] : memref<1000000x32xf32, #tpu.memory_space<hbm>> -> memref<1000000x32xf32, #tpu.memory_space<hbm>>
      %dma_start3A_1053 = tpu.memref_slice %arg7[%dma_start3A_1042] : memref<4x!tpu.dma_semaphore, #tpu.memory_space<semaphore_mem>> -> memref<1x!tpu.dma_semaphore, #tpu.memory_space<semaphore_mem>>
      %dma_start3A_1054 = tpu.memref_squeeze %dma_start3A_1053 : memref<1x!tpu.dma_semaphore, #tpu.memory_space<semaphore_mem>> -> memref<!tpu.dma_semaphore, #tpu.memory_space<semaphore_mem>>
      tpu.enqueue_indirect_dma source(%dma_start3A_1052 : memref<1000000x32xf32, #tpu.memory_space<hbm>>) target(%dma_start3A_1046 : memref<50x32xf32, #tpu.memory_space<vmem>>) offsets(%dma_start3A_1049 : memref<50xi32, #tpu.memory_space<vmem>>) semaphore(%dma_start3A_1054 : memref<!tpu.dma_semaphore, #tpu.memory_space<semaphore_mem>>)
      %mul3A_1055 = arith.constant 8 : i32
      %mul3A_1056 = arith.muli %add3A_997, %mul3A_1055 : i32
      %add3A_1057 = arith.constant 3 : i32
      %add3A_1058 = arith.addi %mul3A_1056, %add3A_1057 : i32
      %dma_start3A_1059 = arith.constant 0 : i32
      %dma_start3A_1060 = arith.constant 3 : i32
      %dma_start3A_1061 = arith.constant 0 : i32
      %dma_start3A_1062 = arith.constant 0 : i32
      %dma_start3A_1063 = arith.constant 0 : i32
      %dma_start3A_1064 = tpu.memref_slice %arg6[%dma_start3A_1059, %dma_start3A_1060, %dma_start3A_1062, %dma_start3A_1063] : memref<4x8x50x32xf32, #tpu.memory_space<vmem>> -> memref<1x1x50x32xf32, #tpu.memory_space<vmem>>
      %dma_start3A_1065 = tpu.memref_squeeze %dma_start3A_1064 : memref<1x1x50x32xf32, #tpu.memory_space<vmem>> -> memref<50x32xf32, #tpu.memory_space<vmem>>
      %dma_start3A_1066 = arith.constant 0 : i32
      %dma_start3A_1067 = tpu.memref_slice %arg5[%add3A_1058, %dma_start3A_1066] : memref<512x50xi32, #tpu.memory_space<vmem>> -> memref<1x50xi32, #tpu.memory_space<vmem>>
      %dma_start3A_1068 = tpu.memref_squeeze %dma_start3A_1067 : memref<1x50xi32, #tpu.memory_space<vmem>> -> memref<50xi32, #tpu.memory_space<vmem>>
      %dma_start3A_1069 = arith.constant 0 : i32
      %dma_start3A_1070 = arith.constant 0 : i32
      %dma_start3A_1071 = tpu.memref_slice %arg3[%dma_start3A_1069, %dma_start3A_1070] : memref<1000000x32xf32, #tpu.memory_space<hbm>> -> memref<1000000x32xf32, #tpu.memory_space<hbm>>
      %dma_start3A_1072 = tpu.memref_slice %arg7[%dma_start3A_1061] : memref<4x!tpu.dma_semaphore, #tpu.memory_space<semaphore_mem>> -> memref<1x!tpu.dma_semaphore, #tpu.memory_space<semaphore_mem>>
      %dma_start3A_1073 = tpu.memref_squeeze %dma_start3A_1072 : memref<1x!tpu.dma_semaphore, #tpu.memory_space<semaphore_mem>> -> memref<!tpu.dma_semaphore, #tpu.memory_space<semaphore_mem>>
      tpu.enqueue_indirect_dma source(%dma_start3A_1071 : memref<1000000x32xf32, #tpu.memory_space<hbm>>) target(%dma_start3A_1065 : memref<50x32xf32, #tpu.memory_space<vmem>>) offsets(%dma_start3A_1068 : memref<50xi32, #tpu.memory_space<vmem>>) semaphore(%dma_start3A_1073 : memref<!tpu.dma_semaphore, #tpu.memory_space<semaphore_mem>>)
      %mul3A_1074 = arith.constant 8 : i32
      %mul3A_1075 = arith.muli %add3A_997, %mul3A_1074 : i32
      %add3A_1076 = arith.constant 4 : i32
      %add3A_1077 = arith.addi %mul3A_1075, %add3A_1076 : i32
      %dma_start3A_1078 = arith.constant 0 : i32
      %dma_start3A_1079 = arith.constant 4 : i32
      %dma_start3A_1080 = arith.constant 0 : i32
      %dma_start3A_1081 = arith.constant 0 : i32
      %dma_start3A_1082 = arith.constant 0 : i32
      %dma_start3A_1083 = tpu.memref_slice %arg6[%dma_start3A_1078, %dma_start3A_1079, %dma_start3A_1081, %dma_start3A_1082] : memref<4x8x50x32xf32, #tpu.memory_space<vmem>> -> memref<1x1x50x32xf32, #tpu.memory_space<vmem>>
      %dma_start3A_1084 = tpu.memref_squeeze %dma_start3A_1083 : memref<1x1x50x32xf32, #tpu.memory_space<vmem>> -> memref<50x32xf32, #tpu.memory_space<vmem>>
      %dma_start3A_1085 = arith.constant 0 : i32
      %dma_start3A_1086 = tpu.memref_slice %arg5[%add3A_1077, %dma_start3A_1085] : memref<512x50xi32, #tpu.memory_space<vmem>> -> memref<1x50xi32, #tpu.memory_space<vmem>>
      %dma_start3A_1087 = tpu.memref_squeeze %dma_start3A_1086 : memref<1x50xi32, #tpu.memory_space<vmem>> -> memref<50xi32, #tpu.memory_space<vmem>>
      %dma_start3A_1088 = arith.constant 0 : i32
      %dma_start3A_1089 = arith.constant 0 : i32
      %dma_start3A_1090 = tpu.memref_slice %arg3[%dma_start3A_1088, %dma_start3A_1089] : memref<1000000x32xf32, #tpu.memory_space<hbm>> -> memref<1000000x32xf32, #tpu.memory_space<hbm>>
      %dma_start3A_1091 = tpu.memref_slice %arg7[%dma_start3A_1080] : memref<4x!tpu.dma_semaphore, #tpu.memory_space<semaphore_mem>> -> memref<1x!tpu.dma_semaphore, #tpu.memory_space<semaphore_mem>>
      %dma_start3A_1092 = tpu.memref_squeeze %dma_start3A_1091 : memref<1x!tpu.dma_semaphore, #tpu.memory_space<semaphore_mem>> -> memref<!tpu.dma_semaphore, #tpu.memory_space<semaphore_mem>>
      tpu.enqueue_indirect_dma source(%dma_start3A_1090 : memref<1000000x32xf32, #tpu.memory_space<hbm>>) target(%dma_start3A_1084 : memref<50x32xf32, #tpu.memory_space<vmem>>) offsets(%dma_start3A_1087 : memref<50xi32, #tpu.memory_space<vmem>>) semaphore(%dma_start3A_1092 : memref<!tpu.dma_semaphore, #tpu.memory_space<semaphore_mem>>)
      %mul3A_1093 = arith.constant 8 : i32
      %mul3A_1094 = arith.muli %add3A_997, %mul3A_1093 : i32
      %add3A_1095 = arith.constant 5 : i32
      %add3A_1096 = arith.addi %mul3A_1094, %add3A_1095 : i32
      %dma_start3A_1097 = arith.constant 0 : i32
      %dma_start3A_1098 = arith.constant 5 : i32
      %dma_start3A_1099 = arith.constant 0 : i32
      %dma_start3A_1100 = arith.constant 0 : i32
      %dma_start3A_1101 = arith.constant 0 : i32
      %dma_start3A_1102 = tpu.memref_slice %arg6[%dma_start3A_1097, %dma_start3A_1098, %dma_start3A_1100, %dma_start3A_1101] : memref<4x8x50x32xf32, #tpu.memory_space<vmem>> -> memref<1x1x50x32xf32, #tpu.memory_space<vmem>>
      %dma_start3A_1103 = tpu.memref_squeeze %dma_start3A_1102 : memref<1x1x50x32xf32, #tpu.memory_space<vmem>> -> memref<50x32xf32, #tpu.memory_space<vmem>>
      %dma_start3A_1104 = arith.constant 0 : i32
      %dma_start3A_1105 = tpu.memref_slice %arg5[%add3A_1096, %dma_start3A_1104] : memref<512x50xi32, #tpu.memory_space<vmem>> -> memref<1x50xi32, #tpu.memory_space<vmem>>
      %dma_start3A_1106 = tpu.memref_squeeze %dma_start3A_1105 : memref<1x50xi32, #tpu.memory_space<vmem>> -> memref<50xi32, #tpu.memory_space<vmem>>
      %dma_start3A_1107 = arith.constant 0 : i32
      %dma_start3A_1108 = arith.constant 0 : i32
      %dma_start3A_1109 = tpu.memref_slice %arg3[%dma_start3A_1107, %dma_start3A_1108] : memref<1000000x32xf32, #tpu.memory_space<hbm>> -> memref<1000000x32xf32, #tpu.memory_space<hbm>>
      %dma_start3A_1110 = tpu.memref_slice %arg7[%dma_start3A_1099] : memref<4x!tpu.dma_semaphore, #tpu.memory_space<semaphore_mem>> -> memref<1x!tpu.dma_semaphore, #tpu.memory_space<semaphore_mem>>
      %dma_start3A_1111 = tpu.memref_squeeze %dma_start3A_1110 : memref<1x!tpu.dma_semaphore, #tpu.memory_space<semaphore_mem>> -> memref<!tpu.dma_semaphore, #tpu.memory_space<semaphore_mem>>
      tpu.enqueue_indirect_dma source(%dma_start3A_1109 : memref<1000000x32xf32, #tpu.memory_space<hbm>>) target(%dma_start3A_1103 : memref<50x32xf32, #tpu.memory_space<vmem>>) offsets(%dma_start3A_1106 : memref<50xi32, #tpu.memory_space<vmem>>) semaphore(%dma_start3A_1111 : memref<!tpu.dma_semaphore, #tpu.memory_space<semaphore_mem>>)
      %mul3A_1112 = arith.constant 8 : i32
      %mul3A_1113 = arith.muli %add3A_997, %mul3A_1112 : i32
      %add3A_1114 = arith.constant 6 : i32
      %add3A_1115 = arith.addi %mul3A_1113, %add3A_1114 : i32
      %dma_start3A_1116 = arith.constant 0 : i32
      %dma_start3A_1117 = arith.constant 6 : i32
      %dma_start3A_1118 = arith.constant 0 : i32
      %dma_start3A_1119 = arith.constant 0 : i32
      %dma_start3A_1120 = arith.constant 0 : i32
      %dma_start3A_1121 = tpu.memref_slice %arg6[%dma_start3A_1116, %dma_start3A_1117, %dma_start3A_1119, %dma_start3A_1120] : memref<4x8x50x32xf32, #tpu.memory_space<vmem>> -> memref<1x1x50x32xf32, #tpu.memory_space<vmem>>
      %dma_start3A_1122 = tpu.memref_squeeze %dma_start3A_1121 : memref<1x1x50x32xf32, #tpu.memory_space<vmem>> -> memref<50x32xf32, #tpu.memory_space<vmem>>
      %dma_start3A_1123 = arith.constant 0 : i32
      %dma_start3A_1124 = tpu.memref_slice %arg5[%add3A_1115, %dma_start3A_1123] : memref<512x50xi32, #tpu.memory_space<vmem>> -> memref<1x50xi32, #tpu.memory_space<vmem>>
      %dma_start3A_1125 = tpu.memref_squeeze %dma_start3A_1124 : memref<1x50xi32, #tpu.memory_space<vmem>> -> memref<50xi32, #tpu.memory_space<vmem>>
      %dma_start3A_1126 = arith.constant 0 : i32
      %dma_start3A_1127 = arith.constant 0 : i32
      %dma_start3A_1128 = tpu.memref_slice %arg3[%dma_start3A_1126, %dma_start3A_1127] : memref<1000000x32xf32, #tpu.memory_space<hbm>> -> memref<1000000x32xf32, #tpu.memory_space<hbm>>
      %dma_start3A_1129 = tpu.memref_slice %arg7[%dma_start3A_1118] : memref<4x!tpu.dma_semaphore, #tpu.memory_space<semaphore_mem>> -> memref<1x!tpu.dma_semaphore, #tpu.memory_space<semaphore_mem>>
      %dma_start3A_1130 = tpu.memref_squeeze %dma_start3A_1129 : memref<1x!tpu.dma_semaphore, #tpu.memory_space<semaphore_mem>> -> memref<!tpu.dma_semaphore, #tpu.memory_space<semaphore_mem>>
      tpu.enqueue_indirect_dma source(%dma_start3A_1128 : memref<1000000x32xf32, #tpu.memory_space<hbm>>) target(%dma_start3A_1122 : memref<50x32xf32, #tpu.memory_space<vmem>>) offsets(%dma_start3A_1125 : memref<50xi32, #tpu.memory_space<vmem>>) semaphore(%dma_start3A_1130 : memref<!tpu.dma_semaphore, #tpu.memory_space<semaphore_mem>>)
      %mul3A_1131 = arith.constant 8 : i32
      %mul3A_1132 = arith.muli %add3A_997, %mul3A_1131 : i32
      %add3A_1133 = arith.constant 7 : i32
      %add3A_1134 = arith.addi %mul3A_1132, %add3A_1133 : i32
      %dma_start3A_1135 = arith.constant 0 : i32
      %dma_start3A_1136 = arith.constant 7 : i32
      %dma_start3A_1137 = arith.constant 0 : i32
      %dma_start3A_1138 = arith.constant 0 : i32
      %dma_start3A_1139 = arith.constant 0 : i32
      %dma_start3A_1140 = tpu.memref_slice %arg6[%dma_start3A_1135, %dma_start3A_1136, %dma_start3A_1138, %dma_start3A_1139] : memref<4x8x50x32xf32, #tpu.memory_space<vmem>> -> memref<1x1x50x32xf32, #tpu.memory_space<vmem>>
      %dma_start3A_1141 = tpu.memref_squeeze %dma_start3A_1140 : memref<1x1x50x32xf32, #tpu.memory_space<vmem>> -> memref<50x32xf32, #tpu.memory_space<vmem>>
      %dma_start3A_1142 = arith.constant 0 : i32
      %dma_start3A_1143 = tpu.memref_slice %arg5[%add3A_1134, %dma_start3A_1142] : memref<512x50xi32, #tpu.memory_space<vmem>> -> memref<1x50xi32, #tpu.memory_space<vmem>>
      %dma_start3A_1144 = tpu.memref_squeeze %dma_start3A_1143 : memref<1x50xi32, #tpu.memory_space<vmem>> -> memref<50xi32, #tpu.memory_space<vmem>>
      %dma_start3A_1145 = arith.constant 0 : i32
      %dma_start3A_1146 = arith.constant 0 : i32
      %dma_start3A_1147 = tpu.memref_slice %arg3[%dma_start3A_1145, %dma_start3A_1146] : memref<1000000x32xf32, #tpu.memory_space<hbm>> -> memref<1000000x32xf32, #tpu.memory_space<hbm>>
      %dma_start3A_1148 = tpu.memref_slice %arg7[%dma_start3A_1137] : memref<4x!tpu.dma_semaphore, #tpu.memory_space<semaphore_mem>> -> memref<1x!tpu.dma_semaphore, #tpu.memory_space<semaphore_mem>>
      %dma_start3A_1149 = tpu.memref_squeeze %dma_start3A_1148 : memref<1x!tpu.dma_semaphore, #tpu.memory_space<semaphore_mem>> -> memref<!tpu.dma_semaphore, #tpu.memory_space<semaphore_mem>>
      tpu.enqueue_indirect_dma source(%dma_start3A_1147 : memref<1000000x32xf32, #tpu.memory_space<hbm>>) target(%dma_start3A_1141 : memref<50x32xf32, #tpu.memory_space<vmem>>) offsets(%dma_start3A_1144 : memref<50xi32, #tpu.memory_space<vmem>>) semaphore(%dma_start3A_1149 : memref<!tpu.dma_semaphore, #tpu.memory_space<semaphore_mem>>)
      %dma_wait3A_1150 = arith.constant 1 : i32
      %dma_wait3A_1151 = arith.constant 1 : i32
      %dma_wait3A_1152 = arith.constant 0 : i32
      %dma_wait3A_1153 = arith.constant 0 : i32
      %dma_wait3A_1154 = arith.constant 0 : i32
      %dma_wait3A_1155 = tpu.memref_slice %arg6[%dma_wait3A_1150, %dma_wait3A_1152, %dma_wait3A_1153, %dma_wait3A_1154] : memref<4x8x50x32xf32, #tpu.memory_space<vmem>> -> memref<1x8x50x32xf32, #tpu.memory_space<vmem>>
      %dma_wait3A_1156 = tpu.memref_squeeze %dma_wait3A_1155 : memref<1x8x50x32xf32, #tpu.memory_space<vmem>> -> memref<8x50x32xf32, #tpu.memory_space<vmem>>
      %dma_wait3A_1157 = arith.constant 0 : i32
      %dma_wait3A_1158 = arith.constant 0 : i32
      %dma_wait3A_1159 = arith.constant 0 : i32
      %dma_wait3A_1160 = tpu.memref_slice %arg4[%dma_wait3A_1157, %dma_wait3A_1158, %dma_wait3A_1159] : memref<16384x50x32xf32, #tpu.memory_space<hbm>> -> memref<8x50x32xf32, #tpu.memory_space<hbm>>
      %dma_wait3A_1161 = tpu.memref_slice %arg8[%dma_wait3A_1151] : memref<4x!tpu.dma_semaphore, #tpu.memory_space<semaphore_mem>> -> memref<1x!tpu.dma_semaphore, #tpu.memory_space<semaphore_mem>>
      %dma_wait3A_1162 = tpu.memref_squeeze %dma_wait3A_1161 : memref<1x!tpu.dma_semaphore, #tpu.memory_space<semaphore_mem>> -> memref<!tpu.dma_semaphore, #tpu.memory_space<semaphore_mem>>
      %dma_wait3A_1163 = arith.constant 0 : i32
      %dma_wait3A_1164 = arith.constant 0 : i32
      %dma_wait3A_1165 = arith.constant 0 : i32
      %dma_wait3A_1166 = tpu.memref_slice %arg4[%dma_wait3A_1163, %dma_wait3A_1164, %dma_wait3A_1165] : memref<16384x50x32xf32, #tpu.memory_space<hbm>> -> memref<8x50x32xf32, #tpu.memory_space<hbm>>
      %dma_wait3A_1167 = arith.constant 0 : i32
      %dma_wait3A_1168 = arith.constant 0 : i32
      %dma_wait3A_1169 = arith.constant 0 : i32
      %dma_wait3A_1170 = tpu.memref_slice %arg6[%dma_wait3A_1150, %dma_wait3A_1167, %dma_wait3A_1168, %dma_wait3A_1169] : memref<4x8x50x32xf32, #tpu.memory_space<vmem>> -> memref<1x8x50x32xf32, #tpu.memory_space<vmem>>
      %dma_wait3A_1171 = tpu.memref_squeeze %dma_wait3A_1170 : memref<1x8x50x32xf32, #tpu.memory_space<vmem>> -> memref<8x50x32xf32, #tpu.memory_space<vmem>>
      tpu.wait_dma2 semaphore(%dma_wait3A_1162 : memref<!tpu.dma_semaphore, #tpu.memory_space<semaphore_mem>>) src(%dma_wait3A_1171 : memref<8x50x32xf32, #tpu.memory_space<vmem>>) dst(%dma_wait3A_1166 : memref<8x50x32xf32, #tpu.memory_space<hbm>>)
      %add3A_1172 = arith.constant 1 : i32
      %add3A_1173 = arith.addi %mul3A_783, %add3A_1172 : i32
      %add3A_1174 = arith.constant 4 : i32
      %add3A_1175 = arith.addi %add3A_1173, %add3A_1174 : i32
      %mul3A_1176 = arith.constant 8 : i32
      %mul3A_1177 = arith.muli %add3A_1175, %mul3A_1176 : i32
      %add3A_1178 = arith.constant 0 : i32
      %add3A_1179 = arith.addi %mul3A_1177, %add3A_1178 : i32
      %dma_start3A_1180 = arith.constant 1 : i32
      %dma_start3A_1181 = arith.constant 0 : i32
      %dma_start3A_1182 = arith.constant 1 : i32
      %dma_start3A_1183 = arith.constant 0 : i32
      %dma_start3A_1184 = arith.constant 0 : i32
      %dma_start3A_1185 = tpu.memref_slice %arg6[%dma_start3A_1180, %dma_start3A_1181, %dma_start3A_1183, %dma_start3A_1184] : memref<4x8x50x32xf32, #tpu.memory_space<vmem>> -> memref<1x1x50x32xf32, #tpu.memory_space<vmem>>
      %dma_start3A_1186 = tpu.memref_squeeze %dma_start3A_1185 : memref<1x1x50x32xf32, #tpu.memory_space<vmem>> -> memref<50x32xf32, #tpu.memory_space<vmem>>
      %dma_start3A_1187 = arith.constant 0 : i32
      %dma_start3A_1188 = tpu.memref_slice %arg5[%add3A_1179, %dma_start3A_1187] : memref<512x50xi32, #tpu.memory_space<vmem>> -> memref<1x50xi32, #tpu.memory_space<vmem>>
      %dma_start3A_1189 = tpu.memref_squeeze %dma_start3A_1188 : memref<1x50xi32, #tpu.memory_space<vmem>> -> memref<50xi32, #tpu.memory_space<vmem>>
      %dma_start3A_1190 = arith.constant 0 : i32
      %dma_start3A_1191 = arith.constant 0 : i32
      %dma_start3A_1192 = tpu.memref_slice %arg3[%dma_start3A_1190, %dma_start3A_1191] : memref<1000000x32xf32, #tpu.memory_space<hbm>> -> memref<1000000x32xf32, #tpu.memory_space<hbm>>
      %dma_start3A_1193 = tpu.memref_slice %arg7[%dma_start3A_1182] : memref<4x!tpu.dma_semaphore, #tpu.memory_space<semaphore_mem>> -> memref<1x!tpu.dma_semaphore, #tpu.memory_space<semaphore_mem>>
      %dma_start3A_1194 = tpu.memref_squeeze %dma_start3A_1193 : memref<1x!tpu.dma_semaphore, #tpu.memory_space<semaphore_mem>> -> memref<!tpu.dma_semaphore, #tpu.memory_space<semaphore_mem>>
      tpu.enqueue_indirect_dma source(%dma_start3A_1192 : memref<1000000x32xf32, #tpu.memory_space<hbm>>) target(%dma_start3A_1186 : memref<50x32xf32, #tpu.memory_space<vmem>>) offsets(%dma_start3A_1189 : memref<50xi32, #tpu.memory_space<vmem>>) semaphore(%dma_start3A_1194 : memref<!tpu.dma_semaphore, #tpu.memory_space<semaphore_mem>>)
      %mul3A_1195 = arith.constant 8 : i32
      %mul3A_1196 = arith.muli %add3A_1175, %mul3A_1195 : i32
      %add3A_1197 = arith.constant 1 : i32
      %add3A_1198 = arith.addi %mul3A_1196, %add3A_1197 : i32
      %dma_start3A_1199 = arith.constant 1 : i32
      %dma_start3A_1200 = arith.constant 1 : i32
      %dma_start3A_1201 = arith.constant 1 : i32
      %dma_start3A_1202 = arith.constant 0 : i32
      %dma_start3A_1203 = arith.constant 0 : i32
      %dma_start3A_1204 = tpu.memref_slice %arg6[%dma_start3A_1199, %dma_start3A_1200, %dma_start3A_1202, %dma_start3A_1203] : memref<4x8x50x32xf32, #tpu.memory_space<vmem>> -> memref<1x1x50x32xf32, #tpu.memory_space<vmem>>
      %dma_start3A_1205 = tpu.memref_squeeze %dma_start3A_1204 : memref<1x1x50x32xf32, #tpu.memory_space<vmem>> -> memref<50x32xf32, #tpu.memory_space<vmem>>
      %dma_start3A_1206 = arith.constant 0 : i32
      %dma_start3A_1207 = tpu.memref_slice %arg5[%add3A_1198, %dma_start3A_1206] : memref<512x50xi32, #tpu.memory_space<vmem>> -> memref<1x50xi32, #tpu.memory_space<vmem>>
      %dma_start3A_1208 = tpu.memref_squeeze %dma_start3A_1207 : memref<1x50xi32, #tpu.memory_space<vmem>> -> memref<50xi32, #tpu.memory_space<vmem>>
      %dma_start3A_1209 = arith.constant 0 : i32
      %dma_start3A_1210 = arith.constant 0 : i32
      %dma_start3A_1211 = tpu.memref_slice %arg3[%dma_start3A_1209, %dma_start3A_1210] : memref<1000000x32xf32, #tpu.memory_space<hbm>> -> memref<1000000x32xf32, #tpu.memory_space<hbm>>
      %dma_start3A_1212 = tpu.memref_slice %arg7[%dma_start3A_1201] : memref<4x!tpu.dma_semaphore, #tpu.memory_space<semaphore_mem>> -> memref<1x!tpu.dma_semaphore, #tpu.memory_space<semaphore_mem>>
      %dma_start3A_1213 = tpu.memref_squeeze %dma_start3A_1212 : memref<1x!tpu.dma_semaphore, #tpu.memory_space<semaphore_mem>> -> memref<!tpu.dma_semaphore, #tpu.memory_space<semaphore_mem>>
      tpu.enqueue_indirect_dma source(%dma_start3A_1211 : memref<1000000x32xf32, #tpu.memory_space<hbm>>) target(%dma_start3A_1205 : memref<50x32xf32, #tpu.memory_space<vmem>>) offsets(%dma_start3A_1208 : memref<50xi32, #tpu.memory_space<vmem>>) semaphore(%dma_start3A_1213 : memref<!tpu.dma_semaphore, #tpu.memory_space<semaphore_mem>>)
      %mul3A_1214 = arith.constant 8 : i32
      %mul3A_1215 = arith.muli %add3A_1175, %mul3A_1214 : i32
      %add3A_1216 = arith.constant 2 : i32
      %add3A_1217 = arith.addi %mul3A_1215, %add3A_1216 : i32
      %dma_start3A_1218 = arith.constant 1 : i32
      %dma_start3A_1219 = arith.constant 2 : i32
      %dma_start3A_1220 = arith.constant 1 : i32
      %dma_start3A_1221 = arith.constant 0 : i32
      %dma_start3A_1222 = arith.constant 0 : i32
      %dma_start3A_1223 = tpu.memref_slice %arg6[%dma_start3A_1218, %dma_start3A_1219, %dma_start3A_1221, %dma_start3A_1222] : memref<4x8x50x32xf32, #tpu.memory_space<vmem>> -> memref<1x1x50x32xf32, #tpu.memory_space<vmem>>
      %dma_start3A_1224 = tpu.memref_squeeze %dma_start3A_1223 : memref<1x1x50x32xf32, #tpu.memory_space<vmem>> -> memref<50x32xf32, #tpu.memory_space<vmem>>
      %dma_start3A_1225 = arith.constant 0 : i32
      %dma_start3A_1226 = tpu.memref_slice %arg5[%add3A_1217, %dma_start3A_1225] : memref<512x50xi32, #tpu.memory_space<vmem>> -> memref<1x50xi32, #tpu.memory_space<vmem>>
      %dma_start3A_1227 = tpu.memref_squeeze %dma_start3A_1226 : memref<1x50xi32, #tpu.memory_space<vmem>> -> memref<50xi32, #tpu.memory_space<vmem>>
      %dma_start3A_1228 = arith.constant 0 : i32
      %dma_start3A_1229 = arith.constant 0 : i32
      %dma_start3A_1230 = tpu.memref_slice %arg3[%dma_start3A_1228, %dma_start3A_1229] : memref<1000000x32xf32, #tpu.memory_space<hbm>> -> memref<1000000x32xf32, #tpu.memory_space<hbm>>
      %dma_start3A_1231 = tpu.memref_slice %arg7[%dma_start3A_1220] : memref<4x!tpu.dma_semaphore, #tpu.memory_space<semaphore_mem>> -> memref<1x!tpu.dma_semaphore, #tpu.memory_space<semaphore_mem>>
      %dma_start3A_1232 = tpu.memref_squeeze %dma_start3A_1231 : memref<1x!tpu.dma_semaphore, #tpu.memory_space<semaphore_mem>> -> memref<!tpu.dma_semaphore, #tpu.memory_space<semaphore_mem>>
      tpu.enqueue_indirect_dma source(%dma_start3A_1230 : memref<1000000x32xf32, #tpu.memory_space<hbm>>) target(%dma_start3A_1224 : memref<50x32xf32, #tpu.memory_space<vmem>>) offsets(%dma_start3A_1227 : memref<50xi32, #tpu.memory_space<vmem>>) semaphore(%dma_start3A_1232 : memref<!tpu.dma_semaphore, #tpu.memory_space<semaphore_mem>>)
      %mul3A_1233 = arith.constant 8 : i32
      %mul3A_1234 = arith.muli %add3A_1175, %mul3A_1233 : i32
      %add3A_1235 = arith.constant 3 : i32
      %add3A_1236 = arith.addi %mul3A_1234, %add3A_1235 : i32
      %dma_start3A_1237 = arith.constant 1 : i32
      %dma_start3A_1238 = arith.constant 3 : i32
      %dma_start3A_1239 = arith.constant 1 : i32
      %dma_start3A_1240 = arith.constant 0 : i32
      %dma_start3A_1241 = arith.constant 0 : i32
      %dma_start3A_1242 = tpu.memref_slice %arg6[%dma_start3A_1237, %dma_start3A_1238, %dma_start3A_1240, %dma_start3A_1241] : memref<4x8x50x32xf32, #tpu.memory_space<vmem>> -> memref<1x1x50x32xf32, #tpu.memory_space<vmem>>
      %dma_start3A_1243 = tpu.memref_squeeze %dma_start3A_1242 : memref<1x1x50x32xf32, #tpu.memory_space<vmem>> -> memref<50x32xf32, #tpu.memory_space<vmem>>
      %dma_start3A_1244 = arith.constant 0 : i32
      %dma_start3A_1245 = tpu.memref_slice %arg5[%add3A_1236, %dma_start3A_1244] : memref<512x50xi32, #tpu.memory_space<vmem>> -> memref<1x50xi32, #tpu.memory_space<vmem>>
      %dma_start3A_1246 = tpu.memref_squeeze %dma_start3A_1245 : memref<1x50xi32, #tpu.memory_space<vmem>> -> memref<50xi32, #tpu.memory_space<vmem>>
      %dma_start3A_1247 = arith.constant 0 : i32
      %dma_start3A_1248 = arith.constant 0 : i32
      %dma_start3A_1249 = tpu.memref_slice %arg3[%dma_start3A_1247, %dma_start3A_1248] : memref<1000000x32xf32, #tpu.memory_space<hbm>> -> memref<1000000x32xf32, #tpu.memory_space<hbm>>
      %dma_start3A_1250 = tpu.memref_slice %arg7[%dma_start3A_1239] : memref<4x!tpu.dma_semaphore, #tpu.memory_space<semaphore_mem>> -> memref<1x!tpu.dma_semaphore, #tpu.memory_space<semaphore_mem>>
      %dma_start3A_1251 = tpu.memref_squeeze %dma_start3A_1250 : memref<1x!tpu.dma_semaphore, #tpu.memory_space<semaphore_mem>> -> memref<!tpu.dma_semaphore, #tpu.memory_space<semaphore_mem>>
      tpu.enqueue_indirect_dma source(%dma_start3A_1249 : memref<1000000x32xf32, #tpu.memory_space<hbm>>) target(%dma_start3A_1243 : memref<50x32xf32, #tpu.memory_space<vmem>>) offsets(%dma_start3A_1246 : memref<50xi32, #tpu.memory_space<vmem>>) semaphore(%dma_start3A_1251 : memref<!tpu.dma_semaphore, #tpu.memory_space<semaphore_mem>>)
      %mul3A_1252 = arith.constant 8 : i32
      %mul3A_1253 = arith.muli %add3A_1175, %mul3A_1252 : i32
      %add3A_1254 = arith.constant 4 : i32
      %add3A_1255 = arith.addi %mul3A_1253, %add3A_1254 : i32
      %dma_start3A_1256 = arith.constant 1 : i32
      %dma_start3A_1257 = arith.constant 4 : i32
      %dma_start3A_1258 = arith.constant 1 : i32
      %dma_start3A_1259 = arith.constant 0 : i32
      %dma_start3A_1260 = arith.constant 0 : i32
      %dma_start3A_1261 = tpu.memref_slice %arg6[%dma_start3A_1256, %dma_start3A_1257, %dma_start3A_1259, %dma_start3A_1260] : memref<4x8x50x32xf32, #tpu.memory_space<vmem>> -> memref<1x1x50x32xf32, #tpu.memory_space<vmem>>
      %dma_start3A_1262 = tpu.memref_squeeze %dma_start3A_1261 : memref<1x1x50x32xf32, #tpu.memory_space<vmem>> -> memref<50x32xf32, #tpu.memory_space<vmem>>
      %dma_start3A_1263 = arith.constant 0 : i32
      %dma_start3A_1264 = tpu.memref_slice %arg5[%add3A_1255, %dma_start3A_1263] : memref<512x50xi32, #tpu.memory_space<vmem>> -> memref<1x50xi32, #tpu.memory_space<vmem>>
      %dma_start3A_1265 = tpu.memref_squeeze %dma_start3A_1264 : memref<1x50xi32, #tpu.memory_space<vmem>> -> memref<50xi32, #tpu.memory_space<vmem>>
      %dma_start3A_1266 = arith.constant 0 : i32
      %dma_start3A_1267 = arith.constant 0 : i32
      %dma_start3A_1268 = tpu.memref_slice %arg3[%dma_start3A_1266, %dma_start3A_1267] : memref<1000000x32xf32, #tpu.memory_space<hbm>> -> memref<1000000x32xf32, #tpu.memory_space<hbm>>
      %dma_start3A_1269 = tpu.memref_slice %arg7[%dma_start3A_1258] : memref<4x!tpu.dma_semaphore, #tpu.memory_space<semaphore_mem>> -> memref<1x!tpu.dma_semaphore, #tpu.memory_space<semaphore_mem>>
      %dma_start3A_1270 = tpu.memref_squeeze %dma_start3A_1269 : memref<1x!tpu.dma_semaphore, #tpu.memory_space<semaphore_mem>> -> memref<!tpu.dma_semaphore, #tpu.memory_space<semaphore_mem>>
      tpu.enqueue_indirect_dma source(%dma_start3A_1268 : memref<1000000x32xf32, #tpu.memory_space<hbm>>) target(%dma_start3A_1262 : memref<50x32xf32, #tpu.memory_space<vmem>>) offsets(%dma_start3A_1265 : memref<50xi32, #tpu.memory_space<vmem>>) semaphore(%dma_start3A_1270 : memref<!tpu.dma_semaphore, #tpu.memory_space<semaphore_mem>>)
      %mul3A_1271 = arith.constant 8 : i32
      %mul3A_1272 = arith.muli %add3A_1175, %mul3A_1271 : i32
      %add3A_1273 = arith.constant 5 : i32
      %add3A_1274 = arith.addi %mul3A_1272, %add3A_1273 : i32
      %dma_start3A_1275 = arith.constant 1 : i32
      %dma_start3A_1276 = arith.constant 5 : i32
      %dma_start3A_1277 = arith.constant 1 : i32
      %dma_start3A_1278 = arith.constant 0 : i32
      %dma_start3A_1279 = arith.constant 0 : i32
      %dma_start3A_1280 = tpu.memref_slice %arg6[%dma_start3A_1275, %dma_start3A_1276, %dma_start3A_1278, %dma_start3A_1279] : memref<4x8x50x32xf32, #tpu.memory_space<vmem>> -> memref<1x1x50x32xf32, #tpu.memory_space<vmem>>
      %dma_start3A_1281 = tpu.memref_squeeze %dma_start3A_1280 : memref<1x1x50x32xf32, #tpu.memory_space<vmem>> -> memref<50x32xf32, #tpu.memory_space<vmem>>
      %dma_start3A_1282 = arith.constant 0 : i32
      %dma_start3A_1283 = tpu.memref_slice %arg5[%add3A_1274, %dma_start3A_1282] : memref<512x50xi32, #tpu.memory_space<vmem>> -> memref<1x50xi32, #tpu.memory_space<vmem>>
      %dma_start3A_1284 = tpu.memref_squeeze %dma_start3A_1283 : memref<1x50xi32, #tpu.memory_space<vmem>> -> memref<50xi32, #tpu.memory_space<vmem>>
      %dma_start3A_1285 = arith.constant 0 : i32
      %dma_start3A_1286 = arith.constant 0 : i32
      %dma_start3A_1287 = tpu.memref_slice %arg3[%dma_start3A_1285, %dma_start3A_1286] : memref<1000000x32xf32, #tpu.memory_space<hbm>> -> memref<1000000x32xf32, #tpu.memory_space<hbm>>
      %dma_start3A_1288 = tpu.memref_slice %arg7[%dma_start3A_1277] : memref<4x!tpu.dma_semaphore, #tpu.memory_space<semaphore_mem>> -> memref<1x!tpu.dma_semaphore, #tpu.memory_space<semaphore_mem>>
      %dma_start3A_1289 = tpu.memref_squeeze %dma_start3A_1288 : memref<1x!tpu.dma_semaphore, #tpu.memory_space<semaphore_mem>> -> memref<!tpu.dma_semaphore, #tpu.memory_space<semaphore_mem>>
      tpu.enqueue_indirect_dma source(%dma_start3A_1287 : memref<1000000x32xf32, #tpu.memory_space<hbm>>) target(%dma_start3A_1281 : memref<50x32xf32, #tpu.memory_space<vmem>>) offsets(%dma_start3A_1284 : memref<50xi32, #tpu.memory_space<vmem>>) semaphore(%dma_start3A_1289 : memref<!tpu.dma_semaphore, #tpu.memory_space<semaphore_mem>>)
      %mul3A_1290 = arith.constant 8 : i32
      %mul3A_1291 = arith.muli %add3A_1175, %mul3A_1290 : i32
      %add3A_1292 = arith.constant 6 : i32
      %add3A_1293 = arith.addi %mul3A_1291, %add3A_1292 : i32
      %dma_start3A_1294 = arith.constant 1 : i32
      %dma_start3A_1295 = arith.constant 6 : i32
      %dma_start3A_1296 = arith.constant 1 : i32
      %dma_start3A_1297 = arith.constant 0 : i32
      %dma_start3A_1298 = arith.constant 0 : i32
      %dma_start3A_1299 = tpu.memref_slice %arg6[%dma_start3A_1294, %dma_start3A_1295, %dma_start3A_1297, %dma_start3A_1298] : memref<4x8x50x32xf32, #tpu.memory_space<vmem>> -> memref<1x1x50x32xf32, #tpu.memory_space<vmem>>
      %dma_start3A_1300 = tpu.memref_squeeze %dma_start3A_1299 : memref<1x1x50x32xf32, #tpu.memory_space<vmem>> -> memref<50x32xf32, #tpu.memory_space<vmem>>
      %dma_start3A_1301 = arith.constant 0 : i32
      %dma_start3A_1302 = tpu.memref_slice %arg5[%add3A_1293, %dma_start3A_1301] : memref<512x50xi32, #tpu.memory_space<vmem>> -> memref<1x50xi32, #tpu.memory_space<vmem>>
      %dma_start3A_1303 = tpu.memref_squeeze %dma_start3A_1302 : memref<1x50xi32, #tpu.memory_space<vmem>> -> memref<50xi32, #tpu.memory_space<vmem>>
      %dma_start3A_1304 = arith.constant 0 : i32
      %dma_start3A_1305 = arith.constant 0 : i32
      %dma_start3A_1306 = tpu.memref_slice %arg3[%dma_start3A_1304, %dma_start3A_1305] : memref<1000000x32xf32, #tpu.memory_space<hbm>> -> memref<1000000x32xf32, #tpu.memory_space<hbm>>
      %dma_start3A_1307 = tpu.memref_slice %arg7[%dma_start3A_1296] : memref<4x!tpu.dma_semaphore, #tpu.memory_space<semaphore_mem>> -> memref<1x!tpu.dma_semaphore, #tpu.memory_space<semaphore_mem>>
      %dma_start3A_1308 = tpu.memref_squeeze %dma_start3A_1307 : memref<1x!tpu.dma_semaphore, #tpu.memory_space<semaphore_mem>> -> memref<!tpu.dma_semaphore, #tpu.memory_space<semaphore_mem>>
      tpu.enqueue_indirect_dma source(%dma_start3A_1306 : memref<1000000x32xf32, #tpu.memory_space<hbm>>) target(%dma_start3A_1300 : memref<50x32xf32, #tpu.memory_space<vmem>>) offsets(%dma_start3A_1303 : memref<50xi32, #tpu.memory_space<vmem>>) semaphore(%dma_start3A_1308 : memref<!tpu.dma_semaphore, #tpu.memory_space<semaphore_mem>>)
      %mul3A_1309 = arith.constant 8 : i32
      %mul3A_1310 = arith.muli %add3A_1175, %mul3A_1309 : i32
      %add3A_1311 = arith.constant 7 : i32
      %add3A_1312 = arith.addi %mul3A_1310, %add3A_1311 : i32
      %dma_start3A_1313 = arith.constant 1 : i32
      %dma_start3A_1314 = arith.constant 7 : i32
      %dma_start3A_1315 = arith.constant 1 : i32
      %dma_start3A_1316 = arith.constant 0 : i32
      %dma_start3A_1317 = arith.constant 0 : i32
      %dma_start3A_1318 = tpu.memref_slice %arg6[%dma_start3A_1313, %dma_start3A_1314, %dma_start3A_1316, %dma_start3A_1317] : memref<4x8x50x32xf32, #tpu.memory_space<vmem>> -> memref<1x1x50x32xf32, #tpu.memory_space<vmem>>
      %dma_start3A_1319 = tpu.memref_squeeze %dma_start3A_1318 : memref<1x1x50x32xf32, #tpu.memory_space<vmem>> -> memref<50x32xf32, #tpu.memory_space<vmem>>
      %dma_start3A_1320 = arith.constant 0 : i32
      %dma_start3A_1321 = tpu.memref_slice %arg5[%add3A_1312, %dma_start3A_1320] : memref<512x50xi32, #tpu.memory_space<vmem>> -> memref<1x50xi32, #tpu.memory_space<vmem>>
      %dma_start3A_1322 = tpu.memref_squeeze %dma_start3A_1321 : memref<1x50xi32, #tpu.memory_space<vmem>> -> memref<50xi32, #tpu.memory_space<vmem>>
      %dma_start3A_1323 = arith.constant 0 : i32
      %dma_start3A_1324 = arith.constant 0 : i32
      %dma_start3A_1325 = tpu.memref_slice %arg3[%dma_start3A_1323, %dma_start3A_1324] : memref<1000000x32xf32, #tpu.memory_space<hbm>> -> memref<1000000x32xf32, #tpu.memory_space<hbm>>
      %dma_start3A_1326 = tpu.memref_slice %arg7[%dma_start3A_1315] : memref<4x!tpu.dma_semaphore, #tpu.memory_space<semaphore_mem>> -> memref<1x!tpu.dma_semaphore, #tpu.memory_space<semaphore_mem>>
      %dma_start3A_1327 = tpu.memref_squeeze %dma_start3A_1326 : memref<1x!tpu.dma_semaphore, #tpu.memory_space<semaphore_mem>> -> memref<!tpu.dma_semaphore, #tpu.memory_space<semaphore_mem>>
      tpu.enqueue_indirect_dma source(%dma_start3A_1325 : memref<1000000x32xf32, #tpu.memory_space<hbm>>) target(%dma_start3A_1319 : memref<50x32xf32, #tpu.memory_space<vmem>>) offsets(%dma_start3A_1322 : memref<50xi32, #tpu.memory_space<vmem>>) semaphore(%dma_start3A_1327 : memref<!tpu.dma_semaphore, #tpu.memory_space<semaphore_mem>>)
      %dma_wait3A_1328 = arith.constant 2 : i32
      %dma_wait3A_1329 = arith.constant 2 : i32
      %dma_wait3A_1330 = arith.constant 0 : i32
      %dma_wait3A_1331 = arith.constant 0 : i32
      %dma_wait3A_1332 = arith.constant 0 : i32
      %dma_wait3A_1333 = tpu.memref_slice %arg6[%dma_wait3A_1328, %dma_wait3A_1330, %dma_wait3A_1331, %dma_wait3A_1332] : memref<4x8x50x32xf32, #tpu.memory_space<vmem>> -> memref<1x8x50x32xf32, #tpu.memory_space<vmem>>
      %dma_wait3A_1334 = tpu.memref_squeeze %dma_wait3A_1333 : memref<1x8x50x32xf32, #tpu.memory_space<vmem>> -> memref<8x50x32xf32, #tpu.memory_space<vmem>>
      %dma_wait3A_1335 = arith.constant 0 : i32
      %dma_wait3A_1336 = arith.constant 0 : i32
      %dma_wait3A_1337 = arith.constant 0 : i32
      %dma_wait3A_1338 = tpu.memref_slice %arg4[%dma_wait3A_1335, %dma_wait3A_1336, %dma_wait3A_1337] : memref<16384x50x32xf32, #tpu.memory_space<hbm>> -> memref<8x50x32xf32, #tpu.memory_space<hbm>>
      %dma_wait3A_1339 = tpu.memref_slice %arg8[%dma_wait3A_1329] : memref<4x!tpu.dma_semaphore, #tpu.memory_space<semaphore_mem>> -> memref<1x!tpu.dma_semaphore, #tpu.memory_space<semaphore_mem>>
      %dma_wait3A_1340 = tpu.memref_squeeze %dma_wait3A_1339 : memref<1x!tpu.dma_semaphore, #tpu.memory_space<semaphore_mem>> -> memref<!tpu.dma_semaphore, #tpu.memory_space<semaphore_mem>>
      %dma_wait3A_1341 = arith.constant 0 : i32
      %dma_wait3A_1342 = arith.constant 0 : i32
      %dma_wait3A_1343 = arith.constant 0 : i32
      %dma_wait3A_1344 = tpu.memref_slice %arg4[%dma_wait3A_1341, %dma_wait3A_1342, %dma_wait3A_1343] : memref<16384x50x32xf32, #tpu.memory_space<hbm>> -> memref<8x50x32xf32, #tpu.memory_space<hbm>>
      %dma_wait3A_1345 = arith.constant 0 : i32
      %dma_wait3A_1346 = arith.constant 0 : i32
      %dma_wait3A_1347 = arith.constant 0 : i32
      %dma_wait3A_1348 = tpu.memref_slice %arg6[%dma_wait3A_1328, %dma_wait3A_1345, %dma_wait3A_1346, %dma_wait3A_1347] : memref<4x8x50x32xf32, #tpu.memory_space<vmem>> -> memref<1x8x50x32xf32, #tpu.memory_space<vmem>>
      %dma_wait3A_1349 = tpu.memref_squeeze %dma_wait3A_1348 : memref<1x8x50x32xf32, #tpu.memory_space<vmem>> -> memref<8x50x32xf32, #tpu.memory_space<vmem>>
      tpu.wait_dma2 semaphore(%dma_wait3A_1340 : memref<!tpu.dma_semaphore, #tpu.memory_space<semaphore_mem>>) src(%dma_wait3A_1349 : memref<8x50x32xf32, #tpu.memory_space<vmem>>) dst(%dma_wait3A_1344 : memref<8x50x32xf32, #tpu.memory_space<hbm>>)
      %add3A_1350 = arith.constant 2 : i32
      %add3A_1351 = arith.addi %mul3A_783, %add3A_1350 : i32
      %add3A_1352 = arith.constant 4 : i32
      %add3A_1353 = arith.addi %add3A_1351, %add3A_1352 : i32
      %mul3A_1354 = arith.constant 8 : i32
      %mul3A_1355 = arith.muli %add3A_1353, %mul3A_1354 : i32
      %add3A_1356 = arith.constant 0 : i32
      %add3A_1357 = arith.addi %mul3A_1355, %add3A_1356 : i32
      %dma_start3A_1358 = arith.constant 2 : i32
      %dma_start3A_1359 = arith.constant 0 : i32
      %dma_start3A_1360 = arith.constant 2 : i32
      %dma_start3A_1361 = arith.constant 0 : i32
      %dma_start3A_1362 = arith.constant 0 : i32
      %dma_start3A_1363 = tpu.memref_slice %arg6[%dma_start3A_1358, %dma_start3A_1359, %dma_start3A_1361, %dma_start3A_1362] : memref<4x8x50x32xf32, #tpu.memory_space<vmem>> -> memref<1x1x50x32xf32, #tpu.memory_space<vmem>>
      %dma_start3A_1364 = tpu.memref_squeeze %dma_start3A_1363 : memref<1x1x50x32xf32, #tpu.memory_space<vmem>> -> memref<50x32xf32, #tpu.memory_space<vmem>>
      %dma_start3A_1365 = arith.constant 0 : i32
      %dma_start3A_1366 = tpu.memref_slice %arg5[%add3A_1357, %dma_start3A_1365] : memref<512x50xi32, #tpu.memory_space<vmem>> -> memref<1x50xi32, #tpu.memory_space<vmem>>
      %dma_start3A_1367 = tpu.memref_squeeze %dma_start3A_1366 : memref<1x50xi32, #tpu.memory_space<vmem>> -> memref<50xi32, #tpu.memory_space<vmem>>
      %dma_start3A_1368 = arith.constant 0 : i32
      %dma_start3A_1369 = arith.constant 0 : i32
      %dma_start3A_1370 = tpu.memref_slice %arg3[%dma_start3A_1368, %dma_start3A_1369] : memref<1000000x32xf32, #tpu.memory_space<hbm>> -> memref<1000000x32xf32, #tpu.memory_space<hbm>>
      %dma_start3A_1371 = tpu.memref_slice %arg7[%dma_start3A_1360] : memref<4x!tpu.dma_semaphore, #tpu.memory_space<semaphore_mem>> -> memref<1x!tpu.dma_semaphore, #tpu.memory_space<semaphore_mem>>
      %dma_start3A_1372 = tpu.memref_squeeze %dma_start3A_1371 : memref<1x!tpu.dma_semaphore, #tpu.memory_space<semaphore_mem>> -> memref<!tpu.dma_semaphore, #tpu.memory_space<semaphore_mem>>
      tpu.enqueue_indirect_dma source(%dma_start3A_1370 : memref<1000000x32xf32, #tpu.memory_space<hbm>>) target(%dma_start3A_1364 : memref<50x32xf32, #tpu.memory_space<vmem>>) offsets(%dma_start3A_1367 : memref<50xi32, #tpu.memory_space<vmem>>) semaphore(%dma_start3A_1372 : memref<!tpu.dma_semaphore, #tpu.memory_space<semaphore_mem>>)
      %mul3A_1373 = arith.constant 8 : i32
      %mul3A_1374 = arith.muli %add3A_1353, %mul3A_1373 : i32
      %add3A_1375 = arith.constant 1 : i32
      %add3A_1376 = arith.addi %mul3A_1374, %add3A_1375 : i32
      %dma_start3A_1377 = arith.constant 2 : i32
      %dma_start3A_1378 = arith.constant 1 : i32
      %dma_start3A_1379 = arith.constant 2 : i32
      %dma_start3A_1380 = arith.constant 0 : i32
      %dma_start3A_1381 = arith.constant 0 : i32
      %dma_start3A_1382 = tpu.memref_slice %arg6[%dma_start3A_1377, %dma_start3A_1378, %dma_start3A_1380, %dma_start3A_1381] : memref<4x8x50x32xf32, #tpu.memory_space<vmem>> -> memref<1x1x50x32xf32, #tpu.memory_space<vmem>>
      %dma_start3A_1383 = tpu.memref_squeeze %dma_start3A_1382 : memref<1x1x50x32xf32, #tpu.memory_space<vmem>> -> memref<50x32xf32, #tpu.memory_space<vmem>>
      %dma_start3A_1384 = arith.constant 0 : i32
      %dma_start3A_1385 = tpu.memref_slice %arg5[%add3A_1376, %dma_start3A_1384] : memref<512x50xi32, #tpu.memory_space<vmem>> -> memref<1x50xi32, #tpu.memory_space<vmem>>
      %dma_start3A_1386 = tpu.memref_squeeze %dma_start3A_1385 : memref<1x50xi32, #tpu.memory_space<vmem>> -> memref<50xi32, #tpu.memory_space<vmem>>
      %dma_start3A_1387 = arith.constant 0 : i32
      %dma_start3A_1388 = arith.constant 0 : i32
      %dma_start3A_1389 = tpu.memref_slice %arg3[%dma_start3A_1387, %dma_start3A_1388] : memref<1000000x32xf32, #tpu.memory_space<hbm>> -> memref<1000000x32xf32, #tpu.memory_space<hbm>>
      %dma_start3A_1390 = tpu.memref_slice %arg7[%dma_start3A_1379] : memref<4x!tpu.dma_semaphore, #tpu.memory_space<semaphore_mem>> -> memref<1x!tpu.dma_semaphore, #tpu.memory_space<semaphore_mem>>
      %dma_start3A_1391 = tpu.memref_squeeze %dma_start3A_1390 : memref<1x!tpu.dma_semaphore, #tpu.memory_space<semaphore_mem>> -> memref<!tpu.dma_semaphore, #tpu.memory_space<semaphore_mem>>
      tpu.enqueue_indirect_dma source(%dma_start3A_1389 : memref<1000000x32xf32, #tpu.memory_space<hbm>>) target(%dma_start3A_1383 : memref<50x32xf32, #tpu.memory_space<vmem>>) offsets(%dma_start3A_1386 : memref<50xi32, #tpu.memory_space<vmem>>) semaphore(%dma_start3A_1391 : memref<!tpu.dma_semaphore, #tpu.memory_space<semaphore_mem>>)
      %mul3A_1392 = arith.constant 8 : i32
      %mul3A_1393 = arith.muli %add3A_1353, %mul3A_1392 : i32
      %add3A_1394 = arith.constant 2 : i32
      %add3A_1395 = arith.addi %mul3A_1393, %add3A_1394 : i32
      %dma_start3A_1396 = arith.constant 2 : i32
      %dma_start3A_1397 = arith.constant 2 : i32
      %dma_start3A_1398 = arith.constant 2 : i32
      %dma_start3A_1399 = arith.constant 0 : i32
      %dma_start3A_1400 = arith.constant 0 : i32
      %dma_start3A_1401 = tpu.memref_slice %arg6[%dma_start3A_1396, %dma_start3A_1397, %dma_start3A_1399, %dma_start3A_1400] : memref<4x8x50x32xf32, #tpu.memory_space<vmem>> -> memref<1x1x50x32xf32, #tpu.memory_space<vmem>>
      %dma_start3A_1402 = tpu.memref_squeeze %dma_start3A_1401 : memref<1x1x50x32xf32, #tpu.memory_space<vmem>> -> memref<50x32xf32, #tpu.memory_space<vmem>>
      %dma_start3A_1403 = arith.constant 0 : i32
      %dma_start3A_1404 = tpu.memref_slice %arg5[%add3A_1395, %dma_start3A_1403] : memref<512x50xi32, #tpu.memory_space<vmem>> -> memref<1x50xi32, #tpu.memory_space<vmem>>
      %dma_start3A_1405 = tpu.memref_squeeze %dma_start3A_1404 : memref<1x50xi32, #tpu.memory_space<vmem>> -> memref<50xi32, #tpu.memory_space<vmem>>
      %dma_start3A_1406 = arith.constant 0 : i32
      %dma_start3A_1407 = arith.constant 0 : i32
      %dma_start3A_1408 = tpu.memref_slice %arg3[%dma_start3A_1406, %dma_start3A_1407] : memref<1000000x32xf32, #tpu.memory_space<hbm>> -> memref<1000000x32xf32, #tpu.memory_space<hbm>>
      %dma_start3A_1409 = tpu.memref_slice %arg7[%dma_start3A_1398] : memref<4x!tpu.dma_semaphore, #tpu.memory_space<semaphore_mem>> -> memref<1x!tpu.dma_semaphore, #tpu.memory_space<semaphore_mem>>
      %dma_start3A_1410 = tpu.memref_squeeze %dma_start3A_1409 : memref<1x!tpu.dma_semaphore, #tpu.memory_space<semaphore_mem>> -> memref<!tpu.dma_semaphore, #tpu.memory_space<semaphore_mem>>
      tpu.enqueue_indirect_dma source(%dma_start3A_1408 : memref<1000000x32xf32, #tpu.memory_space<hbm>>) target(%dma_start3A_1402 : memref<50x32xf32, #tpu.memory_space<vmem>>) offsets(%dma_start3A_1405 : memref<50xi32, #tpu.memory_space<vmem>>) semaphore(%dma_start3A_1410 : memref<!tpu.dma_semaphore, #tpu.memory_space<semaphore_mem>>)
      %mul3A_1411 = arith.constant 8 : i32
      %mul3A_1412 = arith.muli %add3A_1353, %mul3A_1411 : i32
      %add3A_1413 = arith.constant 3 : i32
      %add3A_1414 = arith.addi %mul3A_1412, %add3A_1413 : i32
      %dma_start3A_1415 = arith.constant 2 : i32
      %dma_start3A_1416 = arith.constant 3 : i32
      %dma_start3A_1417 = arith.constant 2 : i32
      %dma_start3A_1418 = arith.constant 0 : i32
      %dma_start3A_1419 = arith.constant 0 : i32
      %dma_start3A_1420 = tpu.memref_slice %arg6[%dma_start3A_1415, %dma_start3A_1416, %dma_start3A_1418, %dma_start3A_1419] : memref<4x8x50x32xf32, #tpu.memory_space<vmem>> -> memref<1x1x50x32xf32, #tpu.memory_space<vmem>>
      %dma_start3A_1421 = tpu.memref_squeeze %dma_start3A_1420 : memref<1x1x50x32xf32, #tpu.memory_space<vmem>> -> memref<50x32xf32, #tpu.memory_space<vmem>>
      %dma_start3A_1422 = arith.constant 0 : i32
      %dma_start3A_1423 = tpu.memref_slice %arg5[%add3A_1414, %dma_start3A_1422] : memref<512x50xi32, #tpu.memory_space<vmem>> -> memref<1x50xi32, #tpu.memory_space<vmem>>
      %dma_start3A_1424 = tpu.memref_squeeze %dma_start3A_1423 : memref<1x50xi32, #tpu.memory_space<vmem>> -> memref<50xi32, #tpu.memory_space<vmem>>
      %dma_start3A_1425 = arith.constant 0 : i32
      %dma_start3A_1426 = arith.constant 0 : i32
      %dma_start3A_1427 = tpu.memref_slice %arg3[%dma_start3A_1425, %dma_start3A_1426] : memref<1000000x32xf32, #tpu.memory_space<hbm>> -> memref<1000000x32xf32, #tpu.memory_space<hbm>>
      %dma_start3A_1428 = tpu.memref_slice %arg7[%dma_start3A_1417] : memref<4x!tpu.dma_semaphore, #tpu.memory_space<semaphore_mem>> -> memref<1x!tpu.dma_semaphore, #tpu.memory_space<semaphore_mem>>
      %dma_start3A_1429 = tpu.memref_squeeze %dma_start3A_1428 : memref<1x!tpu.dma_semaphore, #tpu.memory_space<semaphore_mem>> -> memref<!tpu.dma_semaphore, #tpu.memory_space<semaphore_mem>>
      tpu.enqueue_indirect_dma source(%dma_start3A_1427 : memref<1000000x32xf32, #tpu.memory_space<hbm>>) target(%dma_start3A_1421 : memref<50x32xf32, #tpu.memory_space<vmem>>) offsets(%dma_start3A_1424 : memref<50xi32, #tpu.memory_space<vmem>>) semaphore(%dma_start3A_1429 : memref<!tpu.dma_semaphore, #tpu.memory_space<semaphore_mem>>)
      %mul3A_1430 = arith.constant 8 : i32
      %mul3A_1431 = arith.muli %add3A_1353, %mul3A_1430 : i32
      %add3A_1432 = arith.constant 4 : i32
      %add3A_1433 = arith.addi %mul3A_1431, %add3A_1432 : i32
      %dma_start3A_1434 = arith.constant 2 : i32
      %dma_start3A_1435 = arith.constant 4 : i32
      %dma_start3A_1436 = arith.constant 2 : i32
      %dma_start3A_1437 = arith.constant 0 : i32
      %dma_start3A_1438 = arith.constant 0 : i32
      %dma_start3A_1439 = tpu.memref_slice %arg6[%dma_start3A_1434, %dma_start3A_1435, %dma_start3A_1437, %dma_start3A_1438] : memref<4x8x50x32xf32, #tpu.memory_space<vmem>> -> memref<1x1x50x32xf32, #tpu.memory_space<vmem>>
      %dma_start3A_1440 = tpu.memref_squeeze %dma_start3A_1439 : memref<1x1x50x32xf32, #tpu.memory_space<vmem>> -> memref<50x32xf32, #tpu.memory_space<vmem>>
      %dma_start3A_1441 = arith.constant 0 : i32
      %dma_start3A_1442 = tpu.memref_slice %arg5[%add3A_1433, %dma_start3A_1441] : memref<512x50xi32, #tpu.memory_space<vmem>> -> memref<1x50xi32, #tpu.memory_space<vmem>>
      %dma_start3A_1443 = tpu.memref_squeeze %dma_start3A_1442 : memref<1x50xi32, #tpu.memory_space<vmem>> -> memref<50xi32, #tpu.memory_space<vmem>>
      %dma_start3A_1444 = arith.constant 0 : i32
      %dma_start3A_1445 = arith.constant 0 : i32
      %dma_start3A_1446 = tpu.memref_slice %arg3[%dma_start3A_1444, %dma_start3A_1445] : memref<1000000x32xf32, #tpu.memory_space<hbm>> -> memref<1000000x32xf32, #tpu.memory_space<hbm>>
      %dma_start3A_1447 = tpu.memref_slice %arg7[%dma_start3A_1436] : memref<4x!tpu.dma_semaphore, #tpu.memory_space<semaphore_mem>> -> memref<1x!tpu.dma_semaphore, #tpu.memory_space<semaphore_mem>>
      %dma_start3A_1448 = tpu.memref_squeeze %dma_start3A_1447 : memref<1x!tpu.dma_semaphore, #tpu.memory_space<semaphore_mem>> -> memref<!tpu.dma_semaphore, #tpu.memory_space<semaphore_mem>>
      tpu.enqueue_indirect_dma source(%dma_start3A_1446 : memref<1000000x32xf32, #tpu.memory_space<hbm>>) target(%dma_start3A_1440 : memref<50x32xf32, #tpu.memory_space<vmem>>) offsets(%dma_start3A_1443 : memref<50xi32, #tpu.memory_space<vmem>>) semaphore(%dma_start3A_1448 : memref<!tpu.dma_semaphore, #tpu.memory_space<semaphore_mem>>)
      %mul3A_1449 = arith.constant 8 : i32
      %mul3A_1450 = arith.muli %add3A_1353, %mul3A_1449 : i32
      %add3A_1451 = arith.constant 5 : i32
      %add3A_1452 = arith.addi %mul3A_1450, %add3A_1451 : i32
      %dma_start3A_1453 = arith.constant 2 : i32
      %dma_start3A_1454 = arith.constant 5 : i32
      %dma_start3A_1455 = arith.constant 2 : i32
      %dma_start3A_1456 = arith.constant 0 : i32
      %dma_start3A_1457 = arith.constant 0 : i32
      %dma_start3A_1458 = tpu.memref_slice %arg6[%dma_start3A_1453, %dma_start3A_1454, %dma_start3A_1456, %dma_start3A_1457] : memref<4x8x50x32xf32, #tpu.memory_space<vmem>> -> memref<1x1x50x32xf32, #tpu.memory_space<vmem>>
      %dma_start3A_1459 = tpu.memref_squeeze %dma_start3A_1458 : memref<1x1x50x32xf32, #tpu.memory_space<vmem>> -> memref<50x32xf32, #tpu.memory_space<vmem>>
      %dma_start3A_1460 = arith.constant 0 : i32
      %dma_start3A_1461 = tpu.memref_slice %arg5[%add3A_1452, %dma_start3A_1460] : memref<512x50xi32, #tpu.memory_space<vmem>> -> memref<1x50xi32, #tpu.memory_space<vmem>>
      %dma_start3A_1462 = tpu.memref_squeeze %dma_start3A_1461 : memref<1x50xi32, #tpu.memory_space<vmem>> -> memref<50xi32, #tpu.memory_space<vmem>>
      %dma_start3A_1463 = arith.constant 0 : i32
      %dma_start3A_1464 = arith.constant 0 : i32
      %dma_start3A_1465 = tpu.memref_slice %arg3[%dma_start3A_1463, %dma_start3A_1464] : memref<1000000x32xf32, #tpu.memory_space<hbm>> -> memref<1000000x32xf32, #tpu.memory_space<hbm>>
      %dma_start3A_1466 = tpu.memref_slice %arg7[%dma_start3A_1455] : memref<4x!tpu.dma_semaphore, #tpu.memory_space<semaphore_mem>> -> memref<1x!tpu.dma_semaphore, #tpu.memory_space<semaphore_mem>>
      %dma_start3A_1467 = tpu.memref_squeeze %dma_start3A_1466 : memref<1x!tpu.dma_semaphore, #tpu.memory_space<semaphore_mem>> -> memref<!tpu.dma_semaphore, #tpu.memory_space<semaphore_mem>>
      tpu.enqueue_indirect_dma source(%dma_start3A_1465 : memref<1000000x32xf32, #tpu.memory_space<hbm>>) target(%dma_start3A_1459 : memref<50x32xf32, #tpu.memory_space<vmem>>) offsets(%dma_start3A_1462 : memref<50xi32, #tpu.memory_space<vmem>>) semaphore(%dma_start3A_1467 : memref<!tpu.dma_semaphore, #tpu.memory_space<semaphore_mem>>)
      %mul3A_1468 = arith.constant 8 : i32
      %mul3A_1469 = arith.muli %add3A_1353, %mul3A_1468 : i32
      %add3A_1470 = arith.constant 6 : i32
      %add3A_1471 = arith.addi %mul3A_1469, %add3A_1470 : i32
      %dma_start3A_1472 = arith.constant 2 : i32
      %dma_start3A_1473 = arith.constant 6 : i32
      %dma_start3A_1474 = arith.constant 2 : i32
      %dma_start3A_1475 = arith.constant 0 : i32
      %dma_start3A_1476 = arith.constant 0 : i32
      %dma_start3A_1477 = tpu.memref_slice %arg6[%dma_start3A_1472, %dma_start3A_1473, %dma_start3A_1475, %dma_start3A_1476] : memref<4x8x50x32xf32, #tpu.memory_space<vmem>> -> memref<1x1x50x32xf32, #tpu.memory_space<vmem>>
      %dma_start3A_1478 = tpu.memref_squeeze %dma_start3A_1477 : memref<1x1x50x32xf32, #tpu.memory_space<vmem>> -> memref<50x32xf32, #tpu.memory_space<vmem>>
      %dma_start3A_1479 = arith.constant 0 : i32
      %dma_start3A_1480 = tpu.memref_slice %arg5[%add3A_1471, %dma_start3A_1479] : memref<512x50xi32, #tpu.memory_space<vmem>> -> memref<1x50xi32, #tpu.memory_space<vmem>>
      %dma_start3A_1481 = tpu.memref_squeeze %dma_start3A_1480 : memref<1x50xi32, #tpu.memory_space<vmem>> -> memref<50xi32, #tpu.memory_space<vmem>>
      %dma_start3A_1482 = arith.constant 0 : i32
      %dma_start3A_1483 = arith.constant 0 : i32
      %dma_start3A_1484 = tpu.memref_slice %arg3[%dma_start3A_1482, %dma_start3A_1483] : memref<1000000x32xf32, #tpu.memory_space<hbm>> -> memref<1000000x32xf32, #tpu.memory_space<hbm>>
      %dma_start3A_1485 = tpu.memref_slice %arg7[%dma_start3A_1474] : memref<4x!tpu.dma_semaphore, #tpu.memory_space<semaphore_mem>> -> memref<1x!tpu.dma_semaphore, #tpu.memory_space<semaphore_mem>>
      %dma_start3A_1486 = tpu.memref_squeeze %dma_start3A_1485 : memref<1x!tpu.dma_semaphore, #tpu.memory_space<semaphore_mem>> -> memref<!tpu.dma_semaphore, #tpu.memory_space<semaphore_mem>>
      tpu.enqueue_indirect_dma source(%dma_start3A_1484 : memref<1000000x32xf32, #tpu.memory_space<hbm>>) target(%dma_start3A_1478 : memref<50x32xf32, #tpu.memory_space<vmem>>) offsets(%dma_start3A_1481 : memref<50xi32, #tpu.memory_space<vmem>>) semaphore(%dma_start3A_1486 : memref<!tpu.dma_semaphore, #tpu.memory_space<semaphore_mem>>)
      %mul3A_1487 = arith.constant 8 : i32
      %mul3A_1488 = arith.muli %add3A_1353, %mul3A_1487 : i32
      %add3A_1489 = arith.constant 7 : i32
      %add3A_1490 = arith.addi %mul3A_1488, %add3A_1489 : i32
      %dma_start3A_1491 = arith.constant 2 : i32
      %dma_start3A_1492 = arith.constant 7 : i32
      %dma_start3A_1493 = arith.constant 2 : i32
      %dma_start3A_1494 = arith.constant 0 : i32
      %dma_start3A_1495 = arith.constant 0 : i32
      %dma_start3A_1496 = tpu.memref_slice %arg6[%dma_start3A_1491, %dma_start3A_1492, %dma_start3A_1494, %dma_start3A_1495] : memref<4x8x50x32xf32, #tpu.memory_space<vmem>> -> memref<1x1x50x32xf32, #tpu.memory_space<vmem>>
      %dma_start3A_1497 = tpu.memref_squeeze %dma_start3A_1496 : memref<1x1x50x32xf32, #tpu.memory_space<vmem>> -> memref<50x32xf32, #tpu.memory_space<vmem>>
      %dma_start3A_1498 = arith.constant 0 : i32
      %dma_start3A_1499 = tpu.memref_slice %arg5[%add3A_1490, %dma_start3A_1498] : memref<512x50xi32, #tpu.memory_space<vmem>> -> memref<1x50xi32, #tpu.memory_space<vmem>>
      %dma_start3A_1500 = tpu.memref_squeeze %dma_start3A_1499 : memref<1x50xi32, #tpu.memory_space<vmem>> -> memref<50xi32, #tpu.memory_space<vmem>>
      %dma_start3A_1501 = arith.constant 0 : i32
      %dma_start3A_1502 = arith.constant 0 : i32
      %dma_start3A_1503 = tpu.memref_slice %arg3[%dma_start3A_1501, %dma_start3A_1502] : memref<1000000x32xf32, #tpu.memory_space<hbm>> -> memref<1000000x32xf32, #tpu.memory_space<hbm>>
      %dma_start3A_1504 = tpu.memref_slice %arg7[%dma_start3A_1493] : memref<4x!tpu.dma_semaphore, #tpu.memory_space<semaphore_mem>> -> memref<1x!tpu.dma_semaphore, #tpu.memory_space<semaphore_mem>>
      %dma_start3A_1505 = tpu.memref_squeeze %dma_start3A_1504 : memref<1x!tpu.dma_semaphore, #tpu.memory_space<semaphore_mem>> -> memref<!tpu.dma_semaphore, #tpu.memory_space<semaphore_mem>>
      tpu.enqueue_indirect_dma source(%dma_start3A_1503 : memref<1000000x32xf32, #tpu.memory_space<hbm>>) target(%dma_start3A_1497 : memref<50x32xf32, #tpu.memory_space<vmem>>) offsets(%dma_start3A_1500 : memref<50xi32, #tpu.memory_space<vmem>>) semaphore(%dma_start3A_1505 : memref<!tpu.dma_semaphore, #tpu.memory_space<semaphore_mem>>)
      %dma_wait3A_1506 = arith.constant 3 : i32
      %dma_wait3A_1507 = arith.constant 3 : i32
      %dma_wait3A_1508 = arith.constant 0 : i32
      %dma_wait3A_1509 = arith.constant 0 : i32
      %dma_wait3A_1510 = arith.constant 0 : i32
      %dma_wait3A_1511 = tpu.memref_slice %arg6[%dma_wait3A_1506, %dma_wait3A_1508, %dma_wait3A_1509, %dma_wait3A_1510] : memref<4x8x50x32xf32, #tpu.memory_space<vmem>> -> memref<1x8x50x32xf32, #tpu.memory_space<vmem>>
      %dma_wait3A_1512 = tpu.memref_squeeze %dma_wait3A_1511 : memref<1x8x50x32xf32, #tpu.memory_space<vmem>> -> memref<8x50x32xf32, #tpu.memory_space<vmem>>
      %dma_wait3A_1513 = arith.constant 0 : i32
      %dma_wait3A_1514 = arith.constant 0 : i32
      %dma_wait3A_1515 = arith.constant 0 : i32
      %dma_wait3A_1516 = tpu.memref_slice %arg4[%dma_wait3A_1513, %dma_wait3A_1514, %dma_wait3A_1515] : memref<16384x50x32xf32, #tpu.memory_space<hbm>> -> memref<8x50x32xf32, #tpu.memory_space<hbm>>
      %dma_wait3A_1517 = tpu.memref_slice %arg8[%dma_wait3A_1507] : memref<4x!tpu.dma_semaphore, #tpu.memory_space<semaphore_mem>> -> memref<1x!tpu.dma_semaphore, #tpu.memory_space<semaphore_mem>>
      %dma_wait3A_1518 = tpu.memref_squeeze %dma_wait3A_1517 : memref<1x!tpu.dma_semaphore, #tpu.memory_space<semaphore_mem>> -> memref<!tpu.dma_semaphore, #tpu.memory_space<semaphore_mem>>
      %dma_wait3A_1519 = arith.constant 0 : i32
      %dma_wait3A_1520 = arith.constant 0 : i32
      %dma_wait3A_1521 = arith.constant 0 : i32
      %dma_wait3A_1522 = tpu.memref_slice %arg4[%dma_wait3A_1519, %dma_wait3A_1520, %dma_wait3A_1521] : memref<16384x50x32xf32, #tpu.memory_space<hbm>> -> memref<8x50x32xf32, #tpu.memory_space<hbm>>
      %dma_wait3A_1523 = arith.constant 0 : i32
      %dma_wait3A_1524 = arith.constant 0 : i32
      %dma_wait3A_1525 = arith.constant 0 : i32
      %dma_wait3A_1526 = tpu.memref_slice %arg6[%dma_wait3A_1506, %dma_wait3A_1523, %dma_wait3A_1524, %dma_wait3A_1525] : memref<4x8x50x32xf32, #tpu.memory_space<vmem>> -> memref<1x8x50x32xf32, #tpu.memory_space<vmem>>
      %dma_wait3A_1527 = tpu.memref_squeeze %dma_wait3A_1526 : memref<1x8x50x32xf32, #tpu.memory_space<vmem>> -> memref<8x50x32xf32, #tpu.memory_space<vmem>>
      tpu.wait_dma2 semaphore(%dma_wait3A_1518 : memref<!tpu.dma_semaphore, #tpu.memory_space<semaphore_mem>>) src(%dma_wait3A_1527 : memref<8x50x32xf32, #tpu.memory_space<vmem>>) dst(%dma_wait3A_1522 : memref<8x50x32xf32, #tpu.memory_space<hbm>>)
      %add3A_1528 = arith.constant 3 : i32
      %add3A_1529 = arith.addi %mul3A_783, %add3A_1528 : i32
      %add3A_1530 = arith.constant 4 : i32
      %add3A_1531 = arith.addi %add3A_1529, %add3A_1530 : i32
      %mul3A_1532 = arith.constant 8 : i32
      %mul3A_1533 = arith.muli %add3A_1531, %mul3A_1532 : i32
      %add3A_1534 = arith.constant 0 : i32
      %add3A_1535 = arith.addi %mul3A_1533, %add3A_1534 : i32
      %dma_start3A_1536 = arith.constant 3 : i32
      %dma_start3A_1537 = arith.constant 0 : i32
      %dma_start3A_1538 = arith.constant 3 : i32
      %dma_start3A_1539 = arith.constant 0 : i32
      %dma_start3A_1540 = arith.constant 0 : i32
      %dma_start3A_1541 = tpu.memref_slice %arg6[%dma_start3A_1536, %dma_start3A_1537, %dma_start3A_1539, %dma_start3A_1540] : memref<4x8x50x32xf32, #tpu.memory_space<vmem>> -> memref<1x1x50x32xf32, #tpu.memory_space<vmem>>
      %dma_start3A_1542 = tpu.memref_squeeze %dma_start3A_1541 : memref<1x1x50x32xf32, #tpu.memory_space<vmem>> -> memref<50x32xf32, #tpu.memory_space<vmem>>
      %dma_start3A_1543 = arith.constant 0 : i32
      %dma_start3A_1544 = tpu.memref_slice %arg5[%add3A_1535, %dma_start3A_1543] : memref<512x50xi32, #tpu.memory_space<vmem>> -> memref<1x50xi32, #tpu.memory_space<vmem>>
      %dma_start3A_1545 = tpu.memref_squeeze %dma_start3A_1544 : memref<1x50xi32, #tpu.memory_space<vmem>> -> memref<50xi32, #tpu.memory_space<vmem>>
      %dma_start3A_1546 = arith.constant 0 : i32
      %dma_start3A_1547 = arith.constant 0 : i32
      %dma_start3A_1548 = tpu.memref_slice %arg3[%dma_start3A_1546, %dma_start3A_1547] : memref<1000000x32xf32, #tpu.memory_space<hbm>> -> memref<1000000x32xf32, #tpu.memory_space<hbm>>
      %dma_start3A_1549 = tpu.memref_slice %arg7[%dma_start3A_1538] : memref<4x!tpu.dma_semaphore, #tpu.memory_space<semaphore_mem>> -> memref<1x!tpu.dma_semaphore, #tpu.memory_space<semaphore_mem>>
      %dma_start3A_1550 = tpu.memref_squeeze %dma_start3A_1549 : memref<1x!tpu.dma_semaphore, #tpu.memory_space<semaphore_mem>> -> memref<!tpu.dma_semaphore, #tpu.memory_space<semaphore_mem>>
      tpu.enqueue_indirect_dma source(%dma_start3A_1548 : memref<1000000x32xf32, #tpu.memory_space<hbm>>) target(%dma_start3A_1542 : memref<50x32xf32, #tpu.memory_space<vmem>>) offsets(%dma_start3A_1545 : memref<50xi32, #tpu.memory_space<vmem>>) semaphore(%dma_start3A_1550 : memref<!tpu.dma_semaphore, #tpu.memory_space<semaphore_mem>>)
      %mul3A_1551 = arith.constant 8 : i32
      %mul3A_1552 = arith.muli %add3A_1531, %mul3A_1551 : i32
      %add3A_1553 = arith.constant 1 : i32
      %add3A_1554 = arith.addi %mul3A_1552, %add3A_1553 : i32
      %dma_start3A_1555 = arith.constant 3 : i32
      %dma_start3A_1556 = arith.constant 1 : i32
      %dma_start3A_1557 = arith.constant 3 : i32
      %dma_start3A_1558 = arith.constant 0 : i32
      %dma_start3A_1559 = arith.constant 0 : i32
      %dma_start3A_1560 = tpu.memref_slice %arg6[%dma_start3A_1555, %dma_start3A_1556, %dma_start3A_1558, %dma_start3A_1559] : memref<4x8x50x32xf32, #tpu.memory_space<vmem>> -> memref<1x1x50x32xf32, #tpu.memory_space<vmem>>
      %dma_start3A_1561 = tpu.memref_squeeze %dma_start3A_1560 : memref<1x1x50x32xf32, #tpu.memory_space<vmem>> -> memref<50x32xf32, #tpu.memory_space<vmem>>
      %dma_start3A_1562 = arith.constant 0 : i32
      %dma_start3A_1563 = tpu.memref_slice %arg5[%add3A_1554, %dma_start3A_1562] : memref<512x50xi32, #tpu.memory_space<vmem>> -> memref<1x50xi32, #tpu.memory_space<vmem>>
      %dma_start3A_1564 = tpu.memref_squeeze %dma_start3A_1563 : memref<1x50xi32, #tpu.memory_space<vmem>> -> memref<50xi32, #tpu.memory_space<vmem>>
      %dma_start3A_1565 = arith.constant 0 : i32
      %dma_start3A_1566 = arith.constant 0 : i32
      %dma_start3A_1567 = tpu.memref_slice %arg3[%dma_start3A_1565, %dma_start3A_1566] : memref<1000000x32xf32, #tpu.memory_space<hbm>> -> memref<1000000x32xf32, #tpu.memory_space<hbm>>
      %dma_start3A_1568 = tpu.memref_slice %arg7[%dma_start3A_1557] : memref<4x!tpu.dma_semaphore, #tpu.memory_space<semaphore_mem>> -> memref<1x!tpu.dma_semaphore, #tpu.memory_space<semaphore_mem>>
      %dma_start3A_1569 = tpu.memref_squeeze %dma_start3A_1568 : memref<1x!tpu.dma_semaphore, #tpu.memory_space<semaphore_mem>> -> memref<!tpu.dma_semaphore, #tpu.memory_space<semaphore_mem>>
      tpu.enqueue_indirect_dma source(%dma_start3A_1567 : memref<1000000x32xf32, #tpu.memory_space<hbm>>) target(%dma_start3A_1561 : memref<50x32xf32, #tpu.memory_space<vmem>>) offsets(%dma_start3A_1564 : memref<50xi32, #tpu.memory_space<vmem>>) semaphore(%dma_start3A_1569 : memref<!tpu.dma_semaphore, #tpu.memory_space<semaphore_mem>>)
      %mul3A_1570 = arith.constant 8 : i32
      %mul3A_1571 = arith.muli %add3A_1531, %mul3A_1570 : i32
      %add3A_1572 = arith.constant 2 : i32
      %add3A_1573 = arith.addi %mul3A_1571, %add3A_1572 : i32
      %dma_start3A_1574 = arith.constant 3 : i32
      %dma_start3A_1575 = arith.constant 2 : i32
      %dma_start3A_1576 = arith.constant 3 : i32
      %dma_start3A_1577 = arith.constant 0 : i32
      %dma_start3A_1578 = arith.constant 0 : i32
      %dma_start3A_1579 = tpu.memref_slice %arg6[%dma_start3A_1574, %dma_start3A_1575, %dma_start3A_1577, %dma_start3A_1578] : memref<4x8x50x32xf32, #tpu.memory_space<vmem>> -> memref<1x1x50x32xf32, #tpu.memory_space<vmem>>
      %dma_start3A_1580 = tpu.memref_squeeze %dma_start3A_1579 : memref<1x1x50x32xf32, #tpu.memory_space<vmem>> -> memref<50x32xf32, #tpu.memory_space<vmem>>
      %dma_start3A_1581 = arith.constant 0 : i32
      %dma_start3A_1582 = tpu.memref_slice %arg5[%add3A_1573, %dma_start3A_1581] : memref<512x50xi32, #tpu.memory_space<vmem>> -> memref<1x50xi32, #tpu.memory_space<vmem>>
      %dma_start3A_1583 = tpu.memref_squeeze %dma_start3A_1582 : memref<1x50xi32, #tpu.memory_space<vmem>> -> memref<50xi32, #tpu.memory_space<vmem>>
      %dma_start3A_1584 = arith.constant 0 : i32
      %dma_start3A_1585 = arith.constant 0 : i32
      %dma_start3A_1586 = tpu.memref_slice %arg3[%dma_start3A_1584, %dma_start3A_1585] : memref<1000000x32xf32, #tpu.memory_space<hbm>> -> memref<1000000x32xf32, #tpu.memory_space<hbm>>
      %dma_start3A_1587 = tpu.memref_slice %arg7[%dma_start3A_1576] : memref<4x!tpu.dma_semaphore, #tpu.memory_space<semaphore_mem>> -> memref<1x!tpu.dma_semaphore, #tpu.memory_space<semaphore_mem>>
      %dma_start3A_1588 = tpu.memref_squeeze %dma_start3A_1587 : memref<1x!tpu.dma_semaphore, #tpu.memory_space<semaphore_mem>> -> memref<!tpu.dma_semaphore, #tpu.memory_space<semaphore_mem>>
      tpu.enqueue_indirect_dma source(%dma_start3A_1586 : memref<1000000x32xf32, #tpu.memory_space<hbm>>) target(%dma_start3A_1580 : memref<50x32xf32, #tpu.memory_space<vmem>>) offsets(%dma_start3A_1583 : memref<50xi32, #tpu.memory_space<vmem>>) semaphore(%dma_start3A_1588 : memref<!tpu.dma_semaphore, #tpu.memory_space<semaphore_mem>>)
      %mul3A_1589 = arith.constant 8 : i32
      %mul3A_1590 = arith.muli %add3A_1531, %mul3A_1589 : i32
      %add3A_1591 = arith.constant 3 : i32
      %add3A_1592 = arith.addi %mul3A_1590, %add3A_1591 : i32
      %dma_start3A_1593 = arith.constant 3 : i32
      %dma_start3A_1594 = arith.constant 3 : i32
      %dma_start3A_1595 = arith.constant 3 : i32
      %dma_start3A_1596 = arith.constant 0 : i32
      %dma_start3A_1597 = arith.constant 0 : i32
      %dma_start3A_1598 = tpu.memref_slice %arg6[%dma_start3A_1593, %dma_start3A_1594, %dma_start3A_1596, %dma_start3A_1597] : memref<4x8x50x32xf32, #tpu.memory_space<vmem>> -> memref<1x1x50x32xf32, #tpu.memory_space<vmem>>
      %dma_start3A_1599 = tpu.memref_squeeze %dma_start3A_1598 : memref<1x1x50x32xf32, #tpu.memory_space<vmem>> -> memref<50x32xf32, #tpu.memory_space<vmem>>
      %dma_start3A_1600 = arith.constant 0 : i32
      %dma_start3A_1601 = tpu.memref_slice %arg5[%add3A_1592, %dma_start3A_1600] : memref<512x50xi32, #tpu.memory_space<vmem>> -> memref<1x50xi32, #tpu.memory_space<vmem>>
      %dma_start3A_1602 = tpu.memref_squeeze %dma_start3A_1601 : memref<1x50xi32, #tpu.memory_space<vmem>> -> memref<50xi32, #tpu.memory_space<vmem>>
      %dma_start3A_1603 = arith.constant 0 : i32
      %dma_start3A_1604 = arith.constant 0 : i32
      %dma_start3A_1605 = tpu.memref_slice %arg3[%dma_start3A_1603, %dma_start3A_1604] : memref<1000000x32xf32, #tpu.memory_space<hbm>> -> memref<1000000x32xf32, #tpu.memory_space<hbm>>
      %dma_start3A_1606 = tpu.memref_slice %arg7[%dma_start3A_1595] : memref<4x!tpu.dma_semaphore, #tpu.memory_space<semaphore_mem>> -> memref<1x!tpu.dma_semaphore, #tpu.memory_space<semaphore_mem>>
      %dma_start3A_1607 = tpu.memref_squeeze %dma_start3A_1606 : memref<1x!tpu.dma_semaphore, #tpu.memory_space<semaphore_mem>> -> memref<!tpu.dma_semaphore, #tpu.memory_space<semaphore_mem>>
      tpu.enqueue_indirect_dma source(%dma_start3A_1605 : memref<1000000x32xf32, #tpu.memory_space<hbm>>) target(%dma_start3A_1599 : memref<50x32xf32, #tpu.memory_space<vmem>>) offsets(%dma_start3A_1602 : memref<50xi32, #tpu.memory_space<vmem>>) semaphore(%dma_start3A_1607 : memref<!tpu.dma_semaphore, #tpu.memory_space<semaphore_mem>>)
      %mul3A_1608 = arith.constant 8 : i32
      %mul3A_1609 = arith.muli %add3A_1531, %mul3A_1608 : i32
      %add3A_1610 = arith.constant 4 : i32
      %add3A_1611 = arith.addi %mul3A_1609, %add3A_1610 : i32
      %dma_start3A_1612 = arith.constant 3 : i32
      %dma_start3A_1613 = arith.constant 4 : i32
      %dma_start3A_1614 = arith.constant 3 : i32
      %dma_start3A_1615 = arith.constant 0 : i32
      %dma_start3A_1616 = arith.constant 0 : i32
      %dma_start3A_1617 = tpu.memref_slice %arg6[%dma_start3A_1612, %dma_start3A_1613, %dma_start3A_1615, %dma_start3A_1616] : memref<4x8x50x32xf32, #tpu.memory_space<vmem>> -> memref<1x1x50x32xf32, #tpu.memory_space<vmem>>
      %dma_start3A_1618 = tpu.memref_squeeze %dma_start3A_1617 : memref<1x1x50x32xf32, #tpu.memory_space<vmem>> -> memref<50x32xf32, #tpu.memory_space<vmem>>
      %dma_start3A_1619 = arith.constant 0 : i32
      %dma_start3A_1620 = tpu.memref_slice %arg5[%add3A_1611, %dma_start3A_1619] : memref<512x50xi32, #tpu.memory_space<vmem>> -> memref<1x50xi32, #tpu.memory_space<vmem>>
      %dma_start3A_1621 = tpu.memref_squeeze %dma_start3A_1620 : memref<1x50xi32, #tpu.memory_space<vmem>> -> memref<50xi32, #tpu.memory_space<vmem>>
      %dma_start3A_1622 = arith.constant 0 : i32
      %dma_start3A_1623 = arith.constant 0 : i32
      %dma_start3A_1624 = tpu.memref_slice %arg3[%dma_start3A_1622, %dma_start3A_1623] : memref<1000000x32xf32, #tpu.memory_space<hbm>> -> memref<1000000x32xf32, #tpu.memory_space<hbm>>
      %dma_start3A_1625 = tpu.memref_slice %arg7[%dma_start3A_1614] : memref<4x!tpu.dma_semaphore, #tpu.memory_space<semaphore_mem>> -> memref<1x!tpu.dma_semaphore, #tpu.memory_space<semaphore_mem>>
      %dma_start3A_1626 = tpu.memref_squeeze %dma_start3A_1625 : memref<1x!tpu.dma_semaphore, #tpu.memory_space<semaphore_mem>> -> memref<!tpu.dma_semaphore, #tpu.memory_space<semaphore_mem>>
      tpu.enqueue_indirect_dma source(%dma_start3A_1624 : memref<1000000x32xf32, #tpu.memory_space<hbm>>) target(%dma_start3A_1618 : memref<50x32xf32, #tpu.memory_space<vmem>>) offsets(%dma_start3A_1621 : memref<50xi32, #tpu.memory_space<vmem>>) semaphore(%dma_start3A_1626 : memref<!tpu.dma_semaphore, #tpu.memory_space<semaphore_mem>>)
      %mul3A_1627 = arith.constant 8 : i32
      %mul3A_1628 = arith.muli %add3A_1531, %mul3A_1627 : i32
      %add3A_1629 = arith.constant 5 : i32
      %add3A_1630 = arith.addi %mul3A_1628, %add3A_1629 : i32
      %dma_start3A_1631 = arith.constant 3 : i32
      %dma_start3A_1632 = arith.constant 5 : i32
      %dma_start3A_1633 = arith.constant 3 : i32
      %dma_start3A_1634 = arith.constant 0 : i32
      %dma_start3A_1635 = arith.constant 0 : i32
      %dma_start3A_1636 = tpu.memref_slice %arg6[%dma_start3A_1631, %dma_start3A_1632, %dma_start3A_1634, %dma_start3A_1635] : memref<4x8x50x32xf32, #tpu.memory_space<vmem>> -> memref<1x1x50x32xf32, #tpu.memory_space<vmem>>
      %dma_start3A_1637 = tpu.memref_squeeze %dma_start3A_1636 : memref<1x1x50x32xf32, #tpu.memory_space<vmem>> -> memref<50x32xf32, #tpu.memory_space<vmem>>
      %dma_start3A_1638 = arith.constant 0 : i32
      %dma_start3A_1639 = tpu.memref_slice %arg5[%add3A_1630, %dma_start3A_1638] : memref<512x50xi32, #tpu.memory_space<vmem>> -> memref<1x50xi32, #tpu.memory_space<vmem>>
      %dma_start3A_1640 = tpu.memref_squeeze %dma_start3A_1639 : memref<1x50xi32, #tpu.memory_space<vmem>> -> memref<50xi32, #tpu.memory_space<vmem>>
      %dma_start3A_1641 = arith.constant 0 : i32
      %dma_start3A_1642 = arith.constant 0 : i32
      %dma_start3A_1643 = tpu.memref_slice %arg3[%dma_start3A_1641, %dma_start3A_1642] : memref<1000000x32xf32, #tpu.memory_space<hbm>> -> memref<1000000x32xf32, #tpu.memory_space<hbm>>
      %dma_start3A_1644 = tpu.memref_slice %arg7[%dma_start3A_1633] : memref<4x!tpu.dma_semaphore, #tpu.memory_space<semaphore_mem>> -> memref<1x!tpu.dma_semaphore, #tpu.memory_space<semaphore_mem>>
      %dma_start3A_1645 = tpu.memref_squeeze %dma_start3A_1644 : memref<1x!tpu.dma_semaphore, #tpu.memory_space<semaphore_mem>> -> memref<!tpu.dma_semaphore, #tpu.memory_space<semaphore_mem>>
      tpu.enqueue_indirect_dma source(%dma_start3A_1643 : memref<1000000x32xf32, #tpu.memory_space<hbm>>) target(%dma_start3A_1637 : memref<50x32xf32, #tpu.memory_space<vmem>>) offsets(%dma_start3A_1640 : memref<50xi32, #tpu.memory_space<vmem>>) semaphore(%dma_start3A_1645 : memref<!tpu.dma_semaphore, #tpu.memory_space<semaphore_mem>>)
      %mul3A_1646 = arith.constant 8 : i32
      %mul3A_1647 = arith.muli %add3A_1531, %mul3A_1646 : i32
      %add3A_1648 = arith.constant 6 : i32
      %add3A_1649 = arith.addi %mul3A_1647, %add3A_1648 : i32
      %dma_start3A_1650 = arith.constant 3 : i32
      %dma_start3A_1651 = arith.constant 6 : i32
      %dma_start3A_1652 = arith.constant 3 : i32
      %dma_start3A_1653 = arith.constant 0 : i32
      %dma_start3A_1654 = arith.constant 0 : i32
      %dma_start3A_1655 = tpu.memref_slice %arg6[%dma_start3A_1650, %dma_start3A_1651, %dma_start3A_1653, %dma_start3A_1654] : memref<4x8x50x32xf32, #tpu.memory_space<vmem>> -> memref<1x1x50x32xf32, #tpu.memory_space<vmem>>
      %dma_start3A_1656 = tpu.memref_squeeze %dma_start3A_1655 : memref<1x1x50x32xf32, #tpu.memory_space<vmem>> -> memref<50x32xf32, #tpu.memory_space<vmem>>
      %dma_start3A_1657 = arith.constant 0 : i32
      %dma_start3A_1658 = tpu.memref_slice %arg5[%add3A_1649, %dma_start3A_1657] : memref<512x50xi32, #tpu.memory_space<vmem>> -> memref<1x50xi32, #tpu.memory_space<vmem>>
      %dma_start3A_1659 = tpu.memref_squeeze %dma_start3A_1658 : memref<1x50xi32, #tpu.memory_space<vmem>> -> memref<50xi32, #tpu.memory_space<vmem>>
      %dma_start3A_1660 = arith.constant 0 : i32
      %dma_start3A_1661 = arith.constant 0 : i32
      %dma_start3A_1662 = tpu.memref_slice %arg3[%dma_start3A_1660, %dma_start3A_1661] : memref<1000000x32xf32, #tpu.memory_space<hbm>> -> memref<1000000x32xf32, #tpu.memory_space<hbm>>
      %dma_start3A_1663 = tpu.memref_slice %arg7[%dma_start3A_1652] : memref<4x!tpu.dma_semaphore, #tpu.memory_space<semaphore_mem>> -> memref<1x!tpu.dma_semaphore, #tpu.memory_space<semaphore_mem>>
      %dma_start3A_1664 = tpu.memref_squeeze %dma_start3A_1663 : memref<1x!tpu.dma_semaphore, #tpu.memory_space<semaphore_mem>> -> memref<!tpu.dma_semaphore, #tpu.memory_space<semaphore_mem>>
      tpu.enqueue_indirect_dma source(%dma_start3A_1662 : memref<1000000x32xf32, #tpu.memory_space<hbm>>) target(%dma_start3A_1656 : memref<50x32xf32, #tpu.memory_space<vmem>>) offsets(%dma_start3A_1659 : memref<50xi32, #tpu.memory_space<vmem>>) semaphore(%dma_start3A_1664 : memref<!tpu.dma_semaphore, #tpu.memory_space<semaphore_mem>>)
      %mul3A_1665 = arith.constant 8 : i32
      %mul3A_1666 = arith.muli %add3A_1531, %mul3A_1665 : i32
      %add3A_1667 = arith.constant 7 : i32
      %add3A_1668 = arith.addi %mul3A_1666, %add3A_1667 : i32
      %dma_start3A_1669 = arith.constant 3 : i32
      %dma_start3A_1670 = arith.constant 7 : i32
      %dma_start3A_1671 = arith.constant 3 : i32
      %dma_start3A_1672 = arith.constant 0 : i32
      %dma_start3A_1673 = arith.constant 0 : i32
      %dma_start3A_1674 = tpu.memref_slice %arg6[%dma_start3A_1669, %dma_start3A_1670, %dma_start3A_1672, %dma_start3A_1673] : memref<4x8x50x32xf32, #tpu.memory_space<vmem>> -> memref<1x1x50x32xf32, #tpu.memory_space<vmem>>
      %dma_start3A_1675 = tpu.memref_squeeze %dma_start3A_1674 : memref<1x1x50x32xf32, #tpu.memory_space<vmem>> -> memref<50x32xf32, #tpu.memory_space<vmem>>
      %dma_start3A_1676 = arith.constant 0 : i32
      %dma_start3A_1677 = tpu.memref_slice %arg5[%add3A_1668, %dma_start3A_1676] : memref<512x50xi32, #tpu.memory_space<vmem>> -> memref<1x50xi32, #tpu.memory_space<vmem>>
      %dma_start3A_1678 = tpu.memref_squeeze %dma_start3A_1677 : memref<1x50xi32, #tpu.memory_space<vmem>> -> memref<50xi32, #tpu.memory_space<vmem>>
      %dma_start3A_1679 = arith.constant 0 : i32
      %dma_start3A_1680 = arith.constant 0 : i32
      %dma_start3A_1681 = tpu.memref_slice %arg3[%dma_start3A_1679, %dma_start3A_1680] : memref<1000000x32xf32, #tpu.memory_space<hbm>> -> memref<1000000x32xf32, #tpu.memory_space<hbm>>
      %dma_start3A_1682 = tpu.memref_slice %arg7[%dma_start3A_1671] : memref<4x!tpu.dma_semaphore, #tpu.memory_space<semaphore_mem>> -> memref<1x!tpu.dma_semaphore, #tpu.memory_space<semaphore_mem>>
      %dma_start3A_1683 = tpu.memref_squeeze %dma_start3A_1682 : memref<1x!tpu.dma_semaphore, #tpu.memory_space<semaphore_mem>> -> memref<!tpu.dma_semaphore, #tpu.memory_space<semaphore_mem>>
      tpu.enqueue_indirect_dma source(%dma_start3A_1681 : memref<1000000x32xf32, #tpu.memory_space<hbm>>) target(%dma_start3A_1675 : memref<50x32xf32, #tpu.memory_space<vmem>>) offsets(%dma_start3A_1678 : memref<50xi32, #tpu.memory_space<vmem>>) semaphore(%dma_start3A_1683 : memref<!tpu.dma_semaphore, #tpu.memory_space<semaphore_mem>>)
    }
    %scan3A_517 = arith.constant 15 : i32
    %dma_wait3A = arith.constant 0 : i32
    %dma_wait3A_518 = arith.constant 0 : i32
    %dma_wait3A_519 = arith.constant 0 : i32
    %dma_wait3A_520 = arith.constant 0 : i32
    %dma_wait3A_521 = arith.constant 0 : i32
    %dma_wait3A_522 = tpu.memref_slice %arg6[%dma_wait3A, %dma_wait3A_519, %dma_wait3A_520, %dma_wait3A_521] : memref<4x8x50x32xf32, #tpu.memory_space<vmem>> -> memref<1x8x50x32xf32, #tpu.memory_space<vmem>>
    %dma_wait3A_523 = tpu.memref_squeeze %dma_wait3A_522 : memref<1x8x50x32xf32, #tpu.memory_space<vmem>> -> memref<8x50x32xf32, #tpu.memory_space<vmem>>
    %dma_wait3A_524 = arith.constant 0 : i32
    %dma_wait3A_525 = arith.constant 0 : i32
    %dma_wait3A_526 = arith.constant 0 : i32
    %dma_wait3A_527 = tpu.memref_slice %arg4[%dma_wait3A_524, %dma_wait3A_525, %dma_wait3A_526] : memref<16384x50x32xf32, #tpu.memory_space<hbm>> -> memref<8x50x32xf32, #tpu.memory_space<hbm>>
    %dma_wait3A_528 = tpu.memref_slice %arg7[%dma_wait3A_518] : memref<4x!tpu.dma_semaphore, #tpu.memory_space<semaphore_mem>> -> memref<1x!tpu.dma_semaphore, #tpu.memory_space<semaphore_mem>>
    %dma_wait3A_529 = tpu.memref_squeeze %dma_wait3A_528 : memref<1x!tpu.dma_semaphore, #tpu.memory_space<semaphore_mem>> -> memref<!tpu.dma_semaphore, #tpu.memory_space<semaphore_mem>>
    %dma_wait3A_530 = arith.constant 0 : i32
    %dma_wait3A_531 = arith.constant 0 : i32
    %dma_wait3A_532 = arith.constant 0 : i32
    %dma_wait3A_533 = tpu.memref_slice %arg6[%dma_wait3A, %dma_wait3A_530, %dma_wait3A_531, %dma_wait3A_532] : memref<4x8x50x32xf32, #tpu.memory_space<vmem>> -> memref<1x8x50x32xf32, #tpu.memory_space<vmem>>
    %dma_wait3A_534 = tpu.memref_squeeze %dma_wait3A_533 : memref<1x8x50x32xf32, #tpu.memory_space<vmem>> -> memref<8x50x32xf32, #tpu.memory_space<vmem>>
    %dma_wait3A_535 = arith.constant 0 : i32
    %dma_wait3A_536 = arith.constant 0 : i32
    %dma_wait3A_537 = arith.constant 0 : i32
    %dma_wait3A_538 = tpu.memref_slice %arg4[%dma_wait3A_535, %dma_wait3A_536, %dma_wait3A_537] : memref<16384x50x32xf32, #tpu.memory_space<hbm>> -> memref<8x50x32xf32, #tpu.memory_space<hbm>>
    tpu.wait_dma2 semaphore(%dma_wait3A_529 : memref<!tpu.dma_semaphore, #tpu.memory_space<semaphore_mem>>) src(%dma_wait3A_538 : memref<8x50x32xf32, #tpu.memory_space<hbm>>) dst(%dma_wait3A_534 : memref<8x50x32xf32, #tpu.memory_space<vmem>>)
    %add3A_539 = arith.constant 480 : i32
    %add3A_540 = arith.addi %mul3A_2, %add3A_539 : i32
    %dma_start3A_541 = arith.constant 0 : i32
    %dma_start3A_542 = arith.constant 0 : i32
    %dma_start3A_543 = arith.constant 0 : i32
    %dma_start3A_544 = arith.constant 0 : i32
    %dma_start3A_545 = arith.constant 0 : i32
    %dma_start3A_546 = tpu.memref_slice %arg6[%dma_start3A_541, %dma_start3A_543, %dma_start3A_544, %dma_start3A_545] : memref<4x8x50x32xf32, #tpu.memory_space<vmem>> -> memref<1x8x50x32xf32, #tpu.memory_space<vmem>>
    %dma_start3A_547 = tpu.memref_squeeze %dma_start3A_546 : memref<1x8x50x32xf32, #tpu.memory_space<vmem>> -> memref<8x50x32xf32, #tpu.memory_space<vmem>>
    %dma_start3A_548 = arith.constant 0 : i32
    %dma_start3A_549 = arith.constant 0 : i32
    %dma_start3A_550 = tpu.memref_slice %arg4[%add3A_540, %dma_start3A_548, %dma_start3A_549] : memref<16384x50x32xf32, #tpu.memory_space<hbm>> -> memref<8x50x32xf32, #tpu.memory_space<hbm>>
    %dma_start3A_551 = tpu.memref_slice %arg8[%dma_start3A_542] : memref<4x!tpu.dma_semaphore, #tpu.memory_space<semaphore_mem>> -> memref<1x!tpu.dma_semaphore, #tpu.memory_space<semaphore_mem>>
    %dma_start3A_552 = tpu.memref_squeeze %dma_start3A_551 : memref<1x!tpu.dma_semaphore, #tpu.memory_space<semaphore_mem>> -> memref<!tpu.dma_semaphore, #tpu.memory_space<semaphore_mem>>
    %dma_start3A_553 = arith.constant 0 : i32
    %dma_start3A_554 = arith.constant 0 : i32
    %dma_start3A_555 = tpu.memref_slice %arg4[%add3A_540, %dma_start3A_553, %dma_start3A_554] : memref<16384x50x32xf32, #tpu.memory_space<hbm>> -> memref<8x50x32xf32, #tpu.memory_space<hbm>>
    %dma_start3A_556 = arith.constant 0 : i32
    %dma_start3A_557 = arith.constant 0 : i32
    %dma_start3A_558 = arith.constant 0 : i32
    %dma_start3A_559 = tpu.memref_slice %arg6[%dma_start3A_541, %dma_start3A_556, %dma_start3A_557, %dma_start3A_558] : memref<4x8x50x32xf32, #tpu.memory_space<vmem>> -> memref<1x8x50x32xf32, #tpu.memory_space<vmem>>
    %dma_start3A_560 = tpu.memref_squeeze %dma_start3A_559 : memref<1x8x50x32xf32, #tpu.memory_space<vmem>> -> memref<8x50x32xf32, #tpu.memory_space<vmem>>
    tpu.enqueue_dma source(%dma_start3A_560 : memref<8x50x32xf32, #tpu.memory_space<vmem>>) target(%dma_start3A_555 : memref<8x50x32xf32, #tpu.memory_space<hbm>>) target_semaphore(%dma_start3A_552 : memref<!tpu.dma_semaphore, #tpu.memory_space<semaphore_mem>>)
    %dma_wait3A_561 = arith.constant 1 : i32
    %dma_wait3A_562 = arith.constant 1 : i32
    %dma_wait3A_563 = arith.constant 0 : i32
    %dma_wait3A_564 = arith.constant 0 : i32
    %dma_wait3A_565 = arith.constant 0 : i32
    %dma_wait3A_566 = tpu.memref_slice %arg6[%dma_wait3A_561, %dma_wait3A_563, %dma_wait3A_564, %dma_wait3A_565] : memref<4x8x50x32xf32, #tpu.memory_space<vmem>> -> memref<1x8x50x32xf32, #tpu.memory_space<vmem>>
    %dma_wait3A_567 = tpu.memref_squeeze %dma_wait3A_566 : memref<1x8x50x32xf32, #tpu.memory_space<vmem>> -> memref<8x50x32xf32, #tpu.memory_space<vmem>>
    %dma_wait3A_568 = arith.constant 0 : i32
    %dma_wait3A_569 = arith.constant 0 : i32
    %dma_wait3A_570 = arith.constant 0 : i32
    %dma_wait3A_571 = tpu.memref_slice %arg4[%dma_wait3A_568, %dma_wait3A_569, %dma_wait3A_570] : memref<16384x50x32xf32, #tpu.memory_space<hbm>> -> memref<8x50x32xf32, #tpu.memory_space<hbm>>
    %dma_wait3A_572 = tpu.memref_slice %arg7[%dma_wait3A_562] : memref<4x!tpu.dma_semaphore, #tpu.memory_space<semaphore_mem>> -> memref<1x!tpu.dma_semaphore, #tpu.memory_space<semaphore_mem>>
    %dma_wait3A_573 = tpu.memref_squeeze %dma_wait3A_572 : memref<1x!tpu.dma_semaphore, #tpu.memory_space<semaphore_mem>> -> memref<!tpu.dma_semaphore, #tpu.memory_space<semaphore_mem>>
    %dma_wait3A_574 = arith.constant 0 : i32
    %dma_wait3A_575 = arith.constant 0 : i32
    %dma_wait3A_576 = arith.constant 0 : i32
    %dma_wait3A_577 = tpu.memref_slice %arg6[%dma_wait3A_561, %dma_wait3A_574, %dma_wait3A_575, %dma_wait3A_576] : memref<4x8x50x32xf32, #tpu.memory_space<vmem>> -> memref<1x8x50x32xf32, #tpu.memory_space<vmem>>
    %dma_wait3A_578 = tpu.memref_squeeze %dma_wait3A_577 : memref<1x8x50x32xf32, #tpu.memory_space<vmem>> -> memref<8x50x32xf32, #tpu.memory_space<vmem>>
    %dma_wait3A_579 = arith.constant 0 : i32
    %dma_wait3A_580 = arith.constant 0 : i32
    %dma_wait3A_581 = arith.constant 0 : i32
    %dma_wait3A_582 = tpu.memref_slice %arg4[%dma_wait3A_579, %dma_wait3A_580, %dma_wait3A_581] : memref<16384x50x32xf32, #tpu.memory_space<hbm>> -> memref<8x50x32xf32, #tpu.memory_space<hbm>>
    tpu.wait_dma2 semaphore(%dma_wait3A_573 : memref<!tpu.dma_semaphore, #tpu.memory_space<semaphore_mem>>) src(%dma_wait3A_582 : memref<8x50x32xf32, #tpu.memory_space<hbm>>) dst(%dma_wait3A_578 : memref<8x50x32xf32, #tpu.memory_space<vmem>>)
    %add3A_583 = arith.constant 488 : i32
    %add3A_584 = arith.addi %mul3A_2, %add3A_583 : i32
    %dma_start3A_585 = arith.constant 1 : i32
    %dma_start3A_586 = arith.constant 1 : i32
    %dma_start3A_587 = arith.constant 0 : i32
    %dma_start3A_588 = arith.constant 0 : i32
    %dma_start3A_589 = arith.constant 0 : i32
    %dma_start3A_590 = tpu.memref_slice %arg6[%dma_start3A_585, %dma_start3A_587, %dma_start3A_588, %dma_start3A_589] : memref<4x8x50x32xf32, #tpu.memory_space<vmem>> -> memref<1x8x50x32xf32, #tpu.memory_space<vmem>>
    %dma_start3A_591 = tpu.memref_squeeze %dma_start3A_590 : memref<1x8x50x32xf32, #tpu.memory_space<vmem>> -> memref<8x50x32xf32, #tpu.memory_space<vmem>>
    %dma_start3A_592 = arith.constant 0 : i32
    %dma_start3A_593 = arith.constant 0 : i32
    %dma_start3A_594 = tpu.memref_slice %arg4[%add3A_584, %dma_start3A_592, %dma_start3A_593] : memref<16384x50x32xf32, #tpu.memory_space<hbm>> -> memref<8x50x32xf32, #tpu.memory_space<hbm>>
    %dma_start3A_595 = tpu.memref_slice %arg8[%dma_start3A_586] : memref<4x!tpu.dma_semaphore, #tpu.memory_space<semaphore_mem>> -> memref<1x!tpu.dma_semaphore, #tpu.memory_space<semaphore_mem>>
    %dma_start3A_596 = tpu.memref_squeeze %dma_start3A_595 : memref<1x!tpu.dma_semaphore, #tpu.memory_space<semaphore_mem>> -> memref<!tpu.dma_semaphore, #tpu.memory_space<semaphore_mem>>
    %dma_start3A_597 = arith.constant 0 : i32
    %dma_start3A_598 = arith.constant 0 : i32
    %dma_start3A_599 = tpu.memref_slice %arg4[%add3A_584, %dma_start3A_597, %dma_start3A_598] : memref<16384x50x32xf32, #tpu.memory_space<hbm>> -> memref<8x50x32xf32, #tpu.memory_space<hbm>>
    %dma_start3A_600 = arith.constant 0 : i32
    %dma_start3A_601 = arith.constant 0 : i32
    %dma_start3A_602 = arith.constant 0 : i32
    %dma_start3A_603 = tpu.memref_slice %arg6[%dma_start3A_585, %dma_start3A_600, %dma_start3A_601, %dma_start3A_602] : memref<4x8x50x32xf32, #tpu.memory_space<vmem>> -> memref<1x8x50x32xf32, #tpu.memory_space<vmem>>
    %dma_start3A_604 = tpu.memref_squeeze %dma_start3A_603 : memref<1x8x50x32xf32, #tpu.memory_space<vmem>> -> memref<8x50x32xf32, #tpu.memory_space<vmem>>
    tpu.enqueue_dma source(%dma_start3A_604 : memref<8x50x32xf32, #tpu.memory_space<vmem>>) target(%dma_start3A_599 : memref<8x50x32xf32, #tpu.memory_space<hbm>>) target_semaphore(%dma_start3A_596 : memref<!tpu.dma_semaphore, #tpu.memory_space<semaphore_mem>>)
    %dma_wait3A_605 = arith.constant 2 : i32
    %dma_wait3A_606 = arith.constant 2 : i32
    %dma_wait3A_607 = arith.constant 0 : i32
    %dma_wait3A_608 = arith.constant 0 : i32
    %dma_wait3A_609 = arith.constant 0 : i32
    %dma_wait3A_610 = tpu.memref_slice %arg6[%dma_wait3A_605, %dma_wait3A_607, %dma_wait3A_608, %dma_wait3A_609] : memref<4x8x50x32xf32, #tpu.memory_space<vmem>> -> memref<1x8x50x32xf32, #tpu.memory_space<vmem>>
    %dma_wait3A_611 = tpu.memref_squeeze %dma_wait3A_610 : memref<1x8x50x32xf32, #tpu.memory_space<vmem>> -> memref<8x50x32xf32, #tpu.memory_space<vmem>>
    %dma_wait3A_612 = arith.constant 0 : i32
    %dma_wait3A_613 = arith.constant 0 : i32
    %dma_wait3A_614 = arith.constant 0 : i32
    %dma_wait3A_615 = tpu.memref_slice %arg4[%dma_wait3A_612, %dma_wait3A_613, %dma_wait3A_614] : memref<16384x50x32xf32, #tpu.memory_space<hbm>> -> memref<8x50x32xf32, #tpu.memory_space<hbm>>
    %dma_wait3A_616 = tpu.memref_slice %arg7[%dma_wait3A_606] : memref<4x!tpu.dma_semaphore, #tpu.memory_space<semaphore_mem>> -> memref<1x!tpu.dma_semaphore, #tpu.memory_space<semaphore_mem>>
    %dma_wait3A_617 = tpu.memref_squeeze %dma_wait3A_616 : memref<1x!tpu.dma_semaphore, #tpu.memory_space<semaphore_mem>> -> memref<!tpu.dma_semaphore, #tpu.memory_space<semaphore_mem>>
    %dma_wait3A_618 = arith.constant 0 : i32
    %dma_wait3A_619 = arith.constant 0 : i32
    %dma_wait3A_620 = arith.constant 0 : i32
    %dma_wait3A_621 = tpu.memref_slice %arg6[%dma_wait3A_605, %dma_wait3A_618, %dma_wait3A_619, %dma_wait3A_620] : memref<4x8x50x32xf32, #tpu.memory_space<vmem>> -> memref<1x8x50x32xf32, #tpu.memory_space<vmem>>
    %dma_wait3A_622 = tpu.memref_squeeze %dma_wait3A_621 : memref<1x8x50x32xf32, #tpu.memory_space<vmem>> -> memref<8x50x32xf32, #tpu.memory_space<vmem>>
    %dma_wait3A_623 = arith.constant 0 : i32
    %dma_wait3A_624 = arith.constant 0 : i32
    %dma_wait3A_625 = arith.constant 0 : i32
    %dma_wait3A_626 = tpu.memref_slice %arg4[%dma_wait3A_623, %dma_wait3A_624, %dma_wait3A_625] : memref<16384x50x32xf32, #tpu.memory_space<hbm>> -> memref<8x50x32xf32, #tpu.memory_space<hbm>>
    tpu.wait_dma2 semaphore(%dma_wait3A_617 : memref<!tpu.dma_semaphore, #tpu.memory_space<semaphore_mem>>) src(%dma_wait3A_626 : memref<8x50x32xf32, #tpu.memory_space<hbm>>) dst(%dma_wait3A_622 : memref<8x50x32xf32, #tpu.memory_space<vmem>>)
    %add3A_627 = arith.constant 496 : i32
    %add3A_628 = arith.addi %mul3A_2, %add3A_627 : i32
    %dma_start3A_629 = arith.constant 2 : i32
    %dma_start3A_630 = arith.constant 2 : i32
    %dma_start3A_631 = arith.constant 0 : i32
    %dma_start3A_632 = arith.constant 0 : i32
    %dma_start3A_633 = arith.constant 0 : i32
    %dma_start3A_634 = tpu.memref_slice %arg6[%dma_start3A_629, %dma_start3A_631, %dma_start3A_632, %dma_start3A_633] : memref<4x8x50x32xf32, #tpu.memory_space<vmem>> -> memref<1x8x50x32xf32, #tpu.memory_space<vmem>>
    %dma_start3A_635 = tpu.memref_squeeze %dma_start3A_634 : memref<1x8x50x32xf32, #tpu.memory_space<vmem>> -> memref<8x50x32xf32, #tpu.memory_space<vmem>>
    %dma_start3A_636 = arith.constant 0 : i32
    %dma_start3A_637 = arith.constant 0 : i32
    %dma_start3A_638 = tpu.memref_slice %arg4[%add3A_628, %dma_start3A_636, %dma_start3A_637] : memref<16384x50x32xf32, #tpu.memory_space<hbm>> -> memref<8x50x32xf32, #tpu.memory_space<hbm>>
    %dma_start3A_639 = tpu.memref_slice %arg8[%dma_start3A_630] : memref<4x!tpu.dma_semaphore, #tpu.memory_space<semaphore_mem>> -> memref<1x!tpu.dma_semaphore, #tpu.memory_space<semaphore_mem>>
    %dma_start3A_640 = tpu.memref_squeeze %dma_start3A_639 : memref<1x!tpu.dma_semaphore, #tpu.memory_space<semaphore_mem>> -> memref<!tpu.dma_semaphore, #tpu.memory_space<semaphore_mem>>
    %dma_start3A_641 = arith.constant 0 : i32
    %dma_start3A_642 = arith.constant 0 : i32
    %dma_start3A_643 = tpu.memref_slice %arg4[%add3A_628, %dma_start3A_641, %dma_start3A_642] : memref<16384x50x32xf32, #tpu.memory_space<hbm>> -> memref<8x50x32xf32, #tpu.memory_space<hbm>>
    %dma_start3A_644 = arith.constant 0 : i32
    %dma_start3A_645 = arith.constant 0 : i32
    %dma_start3A_646 = arith.constant 0 : i32
    %dma_start3A_647 = tpu.memref_slice %arg6[%dma_start3A_629, %dma_start3A_644, %dma_start3A_645, %dma_start3A_646] : memref<4x8x50x32xf32, #tpu.memory_space<vmem>> -> memref<1x8x50x32xf32, #tpu.memory_space<vmem>>
    %dma_start3A_648 = tpu.memref_squeeze %dma_start3A_647 : memref<1x8x50x32xf32, #tpu.memory_space<vmem>> -> memref<8x50x32xf32, #tpu.memory_space<vmem>>
    tpu.enqueue_dma source(%dma_start3A_648 : memref<8x50x32xf32, #tpu.memory_space<vmem>>) target(%dma_start3A_643 : memref<8x50x32xf32, #tpu.memory_space<hbm>>) target_semaphore(%dma_start3A_640 : memref<!tpu.dma_semaphore, #tpu.memory_space<semaphore_mem>>)
    %dma_wait3A_649 = arith.constant 3 : i32
    %dma_wait3A_650 = arith.constant 3 : i32
    %dma_wait3A_651 = arith.constant 0 : i32
    %dma_wait3A_652 = arith.constant 0 : i32
    %dma_wait3A_653 = arith.constant 0 : i32
    %dma_wait3A_654 = tpu.memref_slice %arg6[%dma_wait3A_649, %dma_wait3A_651, %dma_wait3A_652, %dma_wait3A_653] : memref<4x8x50x32xf32, #tpu.memory_space<vmem>> -> memref<1x8x50x32xf32, #tpu.memory_space<vmem>>
    %dma_wait3A_655 = tpu.memref_squeeze %dma_wait3A_654 : memref<1x8x50x32xf32, #tpu.memory_space<vmem>> -> memref<8x50x32xf32, #tpu.memory_space<vmem>>
    %dma_wait3A_656 = arith.constant 0 : i32
    %dma_wait3A_657 = arith.constant 0 : i32
    %dma_wait3A_658 = arith.constant 0 : i32
    %dma_wait3A_659 = tpu.memref_slice %arg4[%dma_wait3A_656, %dma_wait3A_657, %dma_wait3A_658] : memref<16384x50x32xf32, #tpu.memory_space<hbm>> -> memref<8x50x32xf32, #tpu.memory_space<hbm>>
    %dma_wait3A_660 = tpu.memref_slice %arg7[%dma_wait3A_650] : memref<4x!tpu.dma_semaphore, #tpu.memory_space<semaphore_mem>> -> memref<1x!tpu.dma_semaphore, #tpu.memory_space<semaphore_mem>>
    %dma_wait3A_661 = tpu.memref_squeeze %dma_wait3A_660 : memref<1x!tpu.dma_semaphore, #tpu.memory_space<semaphore_mem>> -> memref<!tpu.dma_semaphore, #tpu.memory_space<semaphore_mem>>
    %dma_wait3A_662 = arith.constant 0 : i32
    %dma_wait3A_663 = arith.constant 0 : i32
    %dma_wait3A_664 = arith.constant 0 : i32
    %dma_wait3A_665 = tpu.memref_slice %arg6[%dma_wait3A_649, %dma_wait3A_662, %dma_wait3A_663, %dma_wait3A_664] : memref<4x8x50x32xf32, #tpu.memory_space<vmem>> -> memref<1x8x50x32xf32, #tpu.memory_space<vmem>>
    %dma_wait3A_666 = tpu.memref_squeeze %dma_wait3A_665 : memref<1x8x50x32xf32, #tpu.memory_space<vmem>> -> memref<8x50x32xf32, #tpu.memory_space<vmem>>
    %dma_wait3A_667 = arith.constant 0 : i32
    %dma_wait3A_668 = arith.constant 0 : i32
    %dma_wait3A_669 = arith.constant 0 : i32
    %dma_wait3A_670 = tpu.memref_slice %arg4[%dma_wait3A_667, %dma_wait3A_668, %dma_wait3A_669] : memref<16384x50x32xf32, #tpu.memory_space<hbm>> -> memref<8x50x32xf32, #tpu.memory_space<hbm>>
    tpu.wait_dma2 semaphore(%dma_wait3A_661 : memref<!tpu.dma_semaphore, #tpu.memory_space<semaphore_mem>>) src(%dma_wait3A_670 : memref<8x50x32xf32, #tpu.memory_space<hbm>>) dst(%dma_wait3A_666 : memref<8x50x32xf32, #tpu.memory_space<vmem>>)
    %add3A_671 = arith.constant 504 : i32
    %add3A_672 = arith.addi %mul3A_2, %add3A_671 : i32
    %dma_start3A_673 = arith.constant 3 : i32
    %dma_start3A_674 = arith.constant 3 : i32
    %dma_start3A_675 = arith.constant 0 : i32
    %dma_start3A_676 = arith.constant 0 : i32
    %dma_start3A_677 = arith.constant 0 : i32
    %dma_start3A_678 = tpu.memref_slice %arg6[%dma_start3A_673, %dma_start3A_675, %dma_start3A_676, %dma_start3A_677] : memref<4x8x50x32xf32, #tpu.memory_space<vmem>> -> memref<1x8x50x32xf32, #tpu.memory_space<vmem>>
    %dma_start3A_679 = tpu.memref_squeeze %dma_start3A_678 : memref<1x8x50x32xf32, #tpu.memory_space<vmem>> -> memref<8x50x32xf32, #tpu.memory_space<vmem>>
    %dma_start3A_680 = arith.constant 0 : i32
    %dma_start3A_681 = arith.constant 0 : i32
    %dma_start3A_682 = tpu.memref_slice %arg4[%add3A_672, %dma_start3A_680, %dma_start3A_681] : memref<16384x50x32xf32, #tpu.memory_space<hbm>> -> memref<8x50x32xf32, #tpu.memory_space<hbm>>
    %dma_start3A_683 = tpu.memref_slice %arg8[%dma_start3A_674] : memref<4x!tpu.dma_semaphore, #tpu.memory_space<semaphore_mem>> -> memref<1x!tpu.dma_semaphore, #tpu.memory_space<semaphore_mem>>
    %dma_start3A_684 = tpu.memref_squeeze %dma_start3A_683 : memref<1x!tpu.dma_semaphore, #tpu.memory_space<semaphore_mem>> -> memref<!tpu.dma_semaphore, #tpu.memory_space<semaphore_mem>>
    %dma_start3A_685 = arith.constant 0 : i32
    %dma_start3A_686 = arith.constant 0 : i32
    %dma_start3A_687 = tpu.memref_slice %arg4[%add3A_672, %dma_start3A_685, %dma_start3A_686] : memref<16384x50x32xf32, #tpu.memory_space<hbm>> -> memref<8x50x32xf32, #tpu.memory_space<hbm>>
    %dma_start3A_688 = arith.constant 0 : i32
    %dma_start3A_689 = arith.constant 0 : i32
    %dma_start3A_690 = arith.constant 0 : i32
    %dma_start3A_691 = tpu.memref_slice %arg6[%dma_start3A_673, %dma_start3A_688, %dma_start3A_689, %dma_start3A_690] : memref<4x8x50x32xf32, #tpu.memory_space<vmem>> -> memref<1x8x50x32xf32, #tpu.memory_space<vmem>>
    %dma_start3A_692 = tpu.memref_squeeze %dma_start3A_691 : memref<1x8x50x32xf32, #tpu.memory_space<vmem>> -> memref<8x50x32xf32, #tpu.memory_space<vmem>>
    tpu.enqueue_dma source(%dma_start3A_692 : memref<8x50x32xf32, #tpu.memory_space<vmem>>) target(%dma_start3A_687 : memref<8x50x32xf32, #tpu.memory_space<hbm>>) target_semaphore(%dma_start3A_684 : memref<!tpu.dma_semaphore, #tpu.memory_space<semaphore_mem>>)
    %dma_wait3A_693 = arith.constant 0 : i32
    %dma_wait3A_694 = arith.constant 0 : i32
    %dma_wait3A_695 = arith.constant 0 : i32
    %dma_wait3A_696 = arith.constant 0 : i32
    %dma_wait3A_697 = arith.constant 0 : i32
    %dma_wait3A_698 = tpu.memref_slice %arg6[%dma_wait3A_693, %dma_wait3A_695, %dma_wait3A_696, %dma_wait3A_697] : memref<4x8x50x32xf32, #tpu.memory_space<vmem>> -> memref<1x8x50x32xf32, #tpu.memory_space<vmem>>
    %dma_wait3A_699 = tpu.memref_squeeze %dma_wait3A_698 : memref<1x8x50x32xf32, #tpu.memory_space<vmem>> -> memref<8x50x32xf32, #tpu.memory_space<vmem>>
    %dma_wait3A_700 = arith.constant 0 : i32
    %dma_wait3A_701 = arith.constant 0 : i32
    %dma_wait3A_702 = arith.constant 0 : i32
    %dma_wait3A_703 = tpu.memref_slice %arg4[%dma_wait3A_700, %dma_wait3A_701, %dma_wait3A_702] : memref<16384x50x32xf32, #tpu.memory_space<hbm>> -> memref<8x50x32xf32, #tpu.memory_space<hbm>>
    %dma_wait3A_704 = tpu.memref_slice %arg8[%dma_wait3A_694] : memref<4x!tpu.dma_semaphore, #tpu.memory_space<semaphore_mem>> -> memref<1x!tpu.dma_semaphore, #tpu.memory_space<semaphore_mem>>
    %dma_wait3A_705 = tpu.memref_squeeze %dma_wait3A_704 : memref<1x!tpu.dma_semaphore, #tpu.memory_space<semaphore_mem>> -> memref<!tpu.dma_semaphore, #tpu.memory_space<semaphore_mem>>
    %dma_wait3A_706 = arith.constant 0 : i32
    %dma_wait3A_707 = arith.constant 0 : i32
    %dma_wait3A_708 = arith.constant 0 : i32
    %dma_wait3A_709 = tpu.memref_slice %arg4[%dma_wait3A_706, %dma_wait3A_707, %dma_wait3A_708] : memref<16384x50x32xf32, #tpu.memory_space<hbm>> -> memref<8x50x32xf32, #tpu.memory_space<hbm>>
    %dma_wait3A_710 = arith.constant 0 : i32
    %dma_wait3A_711 = arith.constant 0 : i32
    %dma_wait3A_712 = arith.constant 0 : i32
    %dma_wait3A_713 = tpu.memref_slice %arg6[%dma_wait3A_693, %dma_wait3A_710, %dma_wait3A_711, %dma_wait3A_712] : memref<4x8x50x32xf32, #tpu.memory_space<vmem>> -> memref<1x8x50x32xf32, #tpu.memory_space<vmem>>
    %dma_wait3A_714 = tpu.memref_squeeze %dma_wait3A_713 : memref<1x8x50x32xf32, #tpu.memory_space<vmem>> -> memref<8x50x32xf32, #tpu.memory_space<vmem>>
    tpu.wait_dma2 semaphore(%dma_wait3A_705 : memref<!tpu.dma_semaphore, #tpu.memory_space<semaphore_mem>>) src(%dma_wait3A_714 : memref<8x50x32xf32, #tpu.memory_space<vmem>>) dst(%dma_wait3A_709 : memref<8x50x32xf32, #tpu.memory_space<hbm>>)
    %dma_wait3A_715 = arith.constant 1 : i32
    %dma_wait3A_716 = arith.constant 1 : i32
    %dma_wait3A_717 = arith.constant 0 : i32
    %dma_wait3A_718 = arith.constant 0 : i32
    %dma_wait3A_719 = arith.constant 0 : i32
    %dma_wait3A_720 = tpu.memref_slice %arg6[%dma_wait3A_715, %dma_wait3A_717, %dma_wait3A_718, %dma_wait3A_719] : memref<4x8x50x32xf32, #tpu.memory_space<vmem>> -> memref<1x8x50x32xf32, #tpu.memory_space<vmem>>
    %dma_wait3A_721 = tpu.memref_squeeze %dma_wait3A_720 : memref<1x8x50x32xf32, #tpu.memory_space<vmem>> -> memref<8x50x32xf32, #tpu.memory_space<vmem>>
    %dma_wait3A_722 = arith.constant 0 : i32
    %dma_wait3A_723 = arith.constant 0 : i32
    %dma_wait3A_724 = arith.constant 0 : i32
    %dma_wait3A_725 = tpu.memref_slice %arg4[%dma_wait3A_722, %dma_wait3A_723, %dma_wait3A_724] : memref<16384x50x32xf32, #tpu.memory_space<hbm>> -> memref<8x50x32xf32, #tpu.memory_space<hbm>>
    %dma_wait3A_726 = tpu.memref_slice %arg8[%dma_wait3A_716] : memref<4x!tpu.dma_semaphore, #tpu.memory_space<semaphore_mem>> -> memref<1x!tpu.dma_semaphore, #tpu.memory_space<semaphore_mem>>
    %dma_wait3A_727 = tpu.memref_squeeze %dma_wait3A_726 : memref<1x!tpu.dma_semaphore, #tpu.memory_space<semaphore_mem>> -> memref<!tpu.dma_semaphore, #tpu.memory_space<semaphore_mem>>
    %dma_wait3A_728 = arith.constant 0 : i32
    %dma_wait3A_729 = arith.constant 0 : i32
    %dma_wait3A_730 = arith.constant 0 : i32
    %dma_wait3A_731 = tpu.memref_slice %arg4[%dma_wait3A_728, %dma_wait3A_729, %dma_wait3A_730] : memref<16384x50x32xf32, #tpu.memory_space<hbm>> -> memref<8x50x32xf32, #tpu.memory_space<hbm>>
    %dma_wait3A_732 = arith.constant 0 : i32
    %dma_wait3A_733 = arith.constant 0 : i32
    %dma_wait3A_734 = arith.constant 0 : i32
    %dma_wait3A_735 = tpu.memref_slice %arg6[%dma_wait3A_715, %dma_wait3A_732, %dma_wait3A_733, %dma_wait3A_734] : memref<4x8x50x32xf32, #tpu.memory_space<vmem>> -> memref<1x8x50x32xf32, #tpu.memory_space<vmem>>
    %dma_wait3A_736 = tpu.memref_squeeze %dma_wait3A_735 : memref<1x8x50x32xf32, #tpu.memory_space<vmem>> -> memref<8x50x32xf32, #tpu.memory_space<vmem>>
    tpu.wait_dma2 semaphore(%dma_wait3A_727 : memref<!tpu.dma_semaphore, #tpu.memory_space<semaphore_mem>>) src(%dma_wait3A_736 : memref<8x50x32xf32, #tpu.memory_space<vmem>>) dst(%dma_wait3A_731 : memref<8x50x32xf32, #tpu.memory_space<hbm>>)
    %dma_wait3A_737 = arith.constant 2 : i32
    %dma_wait3A_738 = arith.constant 2 : i32
    %dma_wait3A_739 = arith.constant 0 : i32
    %dma_wait3A_740 = arith.constant 0 : i32
    %dma_wait3A_741 = arith.constant 0 : i32
    %dma_wait3A_742 = tpu.memref_slice %arg6[%dma_wait3A_737, %dma_wait3A_739, %dma_wait3A_740, %dma_wait3A_741] : memref<4x8x50x32xf32, #tpu.memory_space<vmem>> -> memref<1x8x50x32xf32, #tpu.memory_space<vmem>>
    %dma_wait3A_743 = tpu.memref_squeeze %dma_wait3A_742 : memref<1x8x50x32xf32, #tpu.memory_space<vmem>> -> memref<8x50x32xf32, #tpu.memory_space<vmem>>
    %dma_wait3A_744 = arith.constant 0 : i32
    %dma_wait3A_745 = arith.constant 0 : i32
    %dma_wait3A_746 = arith.constant 0 : i32
    %dma_wait3A_747 = tpu.memref_slice %arg4[%dma_wait3A_744, %dma_wait3A_745, %dma_wait3A_746] : memref<16384x50x32xf32, #tpu.memory_space<hbm>> -> memref<8x50x32xf32, #tpu.memory_space<hbm>>
    %dma_wait3A_748 = tpu.memref_slice %arg8[%dma_wait3A_738] : memref<4x!tpu.dma_semaphore, #tpu.memory_space<semaphore_mem>> -> memref<1x!tpu.dma_semaphore, #tpu.memory_space<semaphore_mem>>
    %dma_wait3A_749 = tpu.memref_squeeze %dma_wait3A_748 : memref<1x!tpu.dma_semaphore, #tpu.memory_space<semaphore_mem>> -> memref<!tpu.dma_semaphore, #tpu.memory_space<semaphore_mem>>
    %dma_wait3A_750 = arith.constant 0 : i32
    %dma_wait3A_751 = arith.constant 0 : i32
    %dma_wait3A_752 = arith.constant 0 : i32
    %dma_wait3A_753 = tpu.memref_slice %arg4[%dma_wait3A_750, %dma_wait3A_751, %dma_wait3A_752] : memref<16384x50x32xf32, #tpu.memory_space<hbm>> -> memref<8x50x32xf32, #tpu.memory_space<hbm>>
    %dma_wait3A_754 = arith.constant 0 : i32
    %dma_wait3A_755 = arith.constant 0 : i32
    %dma_wait3A_756 = arith.constant 0 : i32
    %dma_wait3A_757 = tpu.memref_slice %arg6[%dma_wait3A_737, %dma_wait3A_754, %dma_wait3A_755, %dma_wait3A_756] : memref<4x8x50x32xf32, #tpu.memory_space<vmem>> -> memref<1x8x50x32xf32, #tpu.memory_space<vmem>>
    %dma_wait3A_758 = tpu.memref_squeeze %dma_wait3A_757 : memref<1x8x50x32xf32, #tpu.memory_space<vmem>> -> memref<8x50x32xf32, #tpu.memory_space<vmem>>
    tpu.wait_dma2 semaphore(%dma_wait3A_749 : memref<!tpu.dma_semaphore, #tpu.memory_space<semaphore_mem>>) src(%dma_wait3A_758 : memref<8x50x32xf32, #tpu.memory_space<vmem>>) dst(%dma_wait3A_753 : memref<8x50x32xf32, #tpu.memory_space<hbm>>)
    %dma_wait3A_759 = arith.constant 3 : i32
    %dma_wait3A_760 = arith.constant 3 : i32
    %dma_wait3A_761 = arith.constant 0 : i32
    %dma_wait3A_762 = arith.constant 0 : i32
    %dma_wait3A_763 = arith.constant 0 : i32
    %dma_wait3A_764 = tpu.memref_slice %arg6[%dma_wait3A_759, %dma_wait3A_761, %dma_wait3A_762, %dma_wait3A_763] : memref<4x8x50x32xf32, #tpu.memory_space<vmem>> -> memref<1x8x50x32xf32, #tpu.memory_space<vmem>>
    %dma_wait3A_765 = tpu.memref_squeeze %dma_wait3A_764 : memref<1x8x50x32xf32, #tpu.memory_space<vmem>> -> memref<8x50x32xf32, #tpu.memory_space<vmem>>
    %dma_wait3A_766 = arith.constant 0 : i32
    %dma_wait3A_767 = arith.constant 0 : i32
    %dma_wait3A_768 = arith.constant 0 : i32
    %dma_wait3A_769 = tpu.memref_slice %arg4[%dma_wait3A_766, %dma_wait3A_767, %dma_wait3A_768] : memref<16384x50x32xf32, #tpu.memory_space<hbm>> -> memref<8x50x32xf32, #tpu.memory_space<hbm>>
    %dma_wait3A_770 = tpu.memref_slice %arg8[%dma_wait3A_760] : memref<4x!tpu.dma_semaphore, #tpu.memory_space<semaphore_mem>> -> memref<1x!tpu.dma_semaphore, #tpu.memory_space<semaphore_mem>>
    %dma_wait3A_771 = tpu.memref_squeeze %dma_wait3A_770 : memref<1x!tpu.dma_semaphore, #tpu.memory_space<semaphore_mem>> -> memref<!tpu.dma_semaphore, #tpu.memory_space<semaphore_mem>>
    %dma_wait3A_772 = arith.constant 0 : i32
    %dma_wait3A_773 = arith.constant 0 : i32
    %dma_wait3A_774 = arith.constant 0 : i32
    %dma_wait3A_775 = tpu.memref_slice %arg4[%dma_wait3A_772, %dma_wait3A_773, %dma_wait3A_774] : memref<16384x50x32xf32, #tpu.memory_space<hbm>> -> memref<8x50x32xf32, #tpu.memory_space<hbm>>
    %dma_wait3A_776 = arith.constant 0 : i32
    %dma_wait3A_777 = arith.constant 0 : i32
    %dma_wait3A_778 = arith.constant 0 : i32
    %dma_wait3A_779 = tpu.memref_slice %arg6[%dma_wait3A_759, %dma_wait3A_776, %dma_wait3A_777, %dma_wait3A_778] : memref<4x8x50x32xf32, #tpu.memory_space<vmem>> -> memref<1x8x50x32xf32, #tpu.memory_space<vmem>>
    %dma_wait3A_780 = tpu.memref_squeeze %dma_wait3A_779 : memref<1x8x50x32xf32, #tpu.memory_space<vmem>> -> memref<8x50x32xf32, #tpu.memory_space<vmem>>
    tpu.wait_dma2 semaphore(%dma_wait3A_771 : memref<!tpu.dma_semaphore, #tpu.memory_space<semaphore_mem>>) src(%dma_wait3A_780 : memref<8x50x32xf32, #tpu.memory_space<vmem>>) dst(%dma_wait3A_775 : memref<8x50x32xf32, #tpu.memory_space<hbm>>)
    return
  }
}

</mosaic_0001>

<sc_bundles>
// kernel: kernel.3.cloned.1.call-start
scs
__scs_entry_jumppad:
0x0: {  	(pc) =	sbr.rel $0x88, $3  }
0x1: {  	(tag) =	ssettag $0x0;
	lr =	simm.s32 $0x1  }
0x2: {  	[smem:$0x3F9F] =	sst lr;
	_ =	strace $0xD0000000  }
0x3: {  	_ = 	snop  }
0x4: {  	_ = 	snop  }
0x5: {  	_ = 	snop  }
0x6: {  	_ = 	snop  }
0x7: {  	_ = 	snop  }
__scs_overlays_trampoline_lowered:
0x8: {  	[smem:$0x3FAE] =	sst s0  }
0x9: {  	[smem:$0x3FAF] =	sst s1  }
0xa: {  	[smem:$0x3FB0] =	sst s2  }
0xb: {  	[smem:$0x3FB1] =	sst s3  }
0xc: {  	[smem:$0x3FB2] =	sst s4  }
0xd: {  	[smem:$0x3FB3] =	sst s5  }
0xe: {  	[smem:$0x3FB4] =	sst s6  }
0xf: {  	[smem:$0x3FB5] =	sst s7  }
0x10: {  	[smem:$0x3FB6] =	sst s8  }
0x11: {  	[smem:$0x3FB7] =	sst s9;
	s0 =	simm.s32 @!p0 $0x0  }
0x12: {  	s1 =	sld [smem:$0x3F9D];
	s0 =	simm.s32 @p0 $0x1  }
0x13: {  	[smem:$0x3FB8] =	sst s0;
	s0 =	simm.s32 @!p1 $0x0  }
0x14: {  	s2 =	sld [smem:$0x3F9C];
	s0 =	simm.s32 @p1 $0x1  }
0x15: {  	[smem:$0x3FB9] =	sst s0;
	s0 =	simm.s32 @!p2 $0x0  }
0x16: {  	s3 =	sld [smem:$0x3FDB];
	s0 =	simm.s32 @p2 $0x1  }
0x17: {  	s4 =	simm.s32 $0x1BF5;
	[smem:$0x3FBB] =	sst s0  }
0x18: {  	s0 =	sld [smem:$0x3F9E];
	_ =	swait.ge [sflag:s4], $0x0  }
0x19: {  	s7 =	sld [smem:$0x3F9F]  }
0x1a: {  	s8 =	sadd.s32 $0xFFFFE003, lr  }
0x1b: {  	s9 =	sadd.s32 $0xFFFFFEF7, lr;
	s5 =	simm.s32 $0xFFFFFFFF;
	p2 =	slt.u32 s8, $0xFFFFF086  }
0x1c: {  	p1 =	slt.u32 s9, $0xF7A;
	s5 =	simm.s32 @!p2 $0x0  }
0x1d: {  	s5 =	simm.s32 @p1 $0x1;
	p0 =	seq.s32 s7, s2  }
0x1e: {  	s7 =	smul.u32 @!p0 $0xF7A, s2;
	p2 =	seq.s32 @!p0 s5, $0x0  }
0x1f: {  	s9 =	smul.u32 $0xF7A, s1;
	s8 =	simm.s32 @!p0 $0x1BF5;
	p2 =	por !p2, p0  }
0x20: {  	[sflag:s8] =	ssyncset.s32 @!p0 $0xFFFFF086;
	s6 =	sadd.s32 @!p0 s3, s7;
	s7 =	simm.s32 @!p0 $0x108  }
0x21: {  	s3 =	sadd.s32 s3, s9;
	s6 =	sadd.s32 @!p0 $0x88, s6;
	s7 =	simm.s32 @p2 $0x1082  }
0x22: {  	[simem:s7], [sflag:s8] =	dma.local @!p0 [hbm:s6], $0xF7A  }
0x23: {  	s9 =	sor.u32 $0xD0000000, s2;
	s6 =	simm.s32 $0x108;
	_ =	swait.ge @!p0 [sflag:s8], $0x0  }
0x24: {  	s3 =	sadd.s32 $0x88, s3;
	s6 =	simm.s32 @!p1 $0x1082;
	[sflag:s4] =	ssyncset.s32 $0xFFFFF086  }
0x25: {  	[simem:s6], [sflag:s4] =	dma.local [hbm:s3], $0xF7A  }
0x26: {  	[smem:$0x3F9F] =	sst s1;
	(tag) =	ssettag s2;
	_ =	strace s9  }
0x27: {  	s1 =	sld [smem:$0x3FAF]  }
0x28: {  	s2 =	sld [smem:$0x3FB0]  }
0x29: {  	s4 =	sld [smem:$0x3FB2]  }
0x2a: {  	p0 =	seq.s32 s5, $0x0;
	s5 =	sld [smem:$0x3FB3]  }
0x2b: {  	s6 =	sld [smem:$0x3FB4]  }
0x2c: {  	s7 =	sld [smem:$0x3FB5]  }
0x2d: {  	s3 =	simm.s32 $0x108;
	s8 =	sld [smem:$0x3FB6]  }
0x2e: {  	s3 =	simm.s32 @!p0 $0x1082;
	s9 =	sld [smem:$0x3FB7]  }
0x2f: {  	lr =	sadd.s32 s0, s3;
	s0 =	sld [smem:$0x3FAE]  }
0x30: {  	s3 =	sld [smem:$0x3FB1]  }
0x31: {  	[smem:$0x3FBA] =	sst s10  }
0x32: {  	s10 =	sld [smem:$0x3FB8];
	_ =	sdelay $0x3  }
0x33: {  	p0 =	seq.s32 s10, $0x1;
	s10 =	sld [smem:$0x3FBA];
	_ =	sdelay $0x3  }
0x34: {  	[smem:$0x3FBA] =	sst s10  }
0x35: {  	s10 =	sld [smem:$0x3FB9];
	_ =	sdelay $0x3  }
0x36: {  	p1 =	seq.s32 s10, $0x1;
	s10 =	sld [smem:$0x3FBA];
	_ =	sdelay $0x3  }
0x37: {  	[smem:$0x3FBA] =	sst s10  }
0x38: {  	s10 =	sld [smem:$0x3FBB]  }
0x39: {  	_ = 	snop;
	(pc) =	sbr.ind lr, $3  }
0x3a: {  	_ = 	snop  }
0x3b: {  	_ = 	snop  }
0x3c: {  	p2 =	seq.s32 s10, $0x1;
	s10 =	sld [smem:$0x3FBA]  }
0x3d: {  	_ =	shalt  }
0x3e: {  	_ =	shalt  }
0x3f: {  	_ =	shalt  }
0x40: {  	_ =	shalt  }
0x41: {  	_ =	shalt  }
0x42: {  	_ =	shalt  }
0x43: {  	_ =	shalt  }
0x44: {  	_ =	shalt  }
0x45: {  	_ =	shalt  }
0x46: {  	_ =	shalt  }
0x47: {  	_ =	shalt  }
0x48: {  	_ =	shalt  }
0x49: {  	_ =	shalt  }
0x4a: {  	_ =	shalt  }
0x4b: {  	_ =	shalt  }
0x4c: {  	_ =	shalt  }
0x4d: {  	_ =	shalt  }
0x4e: {  	_ =	shalt  }
0x4f: {  	_ =	shalt  }
0x50: {  	_ =	shalt  }
0x51: {  	_ =	shalt  }
0x52: {  	_ =	shalt  }
0x53: {  	_ =	shalt  }
0x54: {  	_ =	shalt  }
0x55: {  	_ =	shalt  }
0x56: {  	_ =	shalt  }
0x57: {  	_ =	shalt  }
0x58: {  	_ =	shalt  }
0x59: {  	_ =	shalt  }
0x5a: {  	_ =	shalt  }
0x5b: {  	_ =	shalt  }
0x5c: {  	_ =	shalt  }
0x5d: {  	_ =	shalt  }
0x5e: {  	_ =	shalt  }
0x5f: {  	_ =	shalt  }
0x60: {  	_ =	shalt  }
0x61: {  	_ =	shalt  }
0x62: {  	_ =	shalt  }
0x63: {  	_ =	shalt  }
0x64: {  	_ =	shalt  }
0x65: {  	_ =	shalt  }
0x66: {  	_ =	shalt  }
0x67: {  	_ =	shalt  }
0x68: {  	_ =	shalt  }
0x69: {  	_ =	shalt  }
0x6a: {  	_ =	shalt  }
0x6b: {  	_ =	shalt  }
0x6c: {  	_ =	shalt  }
0x6d: {  	_ =	shalt  }
0x6e: {  	_ =	shalt  }
0x6f: {  	_ =	shalt  }
0x70: {  	_ =	shalt  }
0x71: {  	_ =	shalt  }
0x72: {  	_ =	shalt  }
0x73: {  	_ =	shalt  }
0x74: {  	_ =	shalt  }
0x75: {  	_ =	shalt  }
0x76: {  	_ =	shalt  }
0x77: {  	_ =	shalt  }
0x78: {  	_ =	shalt  }
0x79: {  	_ =	shalt  }
0x7a: {  	_ =	shalt  }
0x7b: {  	_ =	shalt  }
0x7c: {  	_ =	shalt  }
0x7d: {  	_ =	shalt  }
0x7e: {  	_ =	shalt  }
0x7f: {  	_ =	shalt  }
0x80: {  	_ =	shalt  }
0x81: {  	_ =	shalt  }
0x82: {  	_ =	shalt  }
0x83: {  	_ =	shalt  }
0x84: {  	_ =	shalt  }
0x85: {  	_ =	shalt  }
0x86: {  	_ =	shalt  }
0x87: {  	_ =	shalt  }
.Lfunc_end0:
.L_simem_size_0:
called_computation.1_lowered:
.L_overlay_start_0:
0x88: {  	s2 =	sld [smem:$0x3FD9]  }
0x89: {  	s3 =	sld [smem:$0x3FFE];
	_ =	sdelay $0x1  }
0x8a: {  	s1 =	srdreg.scid  }
0x8b: {  	s0 =	sand.u32 $0x1, s1  }
0x8c: {  	s17 =	sshll.u32 s0, $0xA;
	s2 =	sadd.s32 s3, s2  }
0x8d: {  	s2 =	sadd.s32 s2, s17  }
0x8e: {  	[smem:$0x3FC6] =	sst s2  }
0x8f: {  	_ = 	snop  }
0x90: {  	s2 =	sld [smem:$0x3FD0];
	(tm) =	ssettm $0x1  }
0x91: {  	s18 =	sld [smem:$0x3FFB];
	_ =	sdelay $0x3  }
0x92: {  	_ =	strace s18  }
0x93: {  	s3 =	sld [smem:$0x3FFC];
	_ =	sdelay $0x3  }
0x94: {  	_ =	strace s3  }
0x95: {  	s3 =	sld [smem:$0x3FFD];
	_ =	sdelay $0x3  }
0x96: {  	_ =	strace s3  }
0x97: {  	_ =	strace $0x8FFFFFFF  }
0x98: {  	s19 =	sld [smem:$0x3FDB];
	_ =	sdelay $0x1  }
0x99: {  	s4 =	simm.s32 $_scs_section_size  }
0x9a: {  	s5 =	simm.s32 $_size__tile_overlayer_lowered;
	s6 =	simm.s32 $_tile_overlayer_lowered  }
0x9b: {  	s22 =	simm.s32 $0x1BFF;
	s21 =	sshll.u32 s6, $0x1;
	s3 =	sadd.s32 s4, s19  }
0x9c: {  	s7 =	simm.s32 $0x0;
	s20 =	sshll.u32 s5, $0x1;
	s5 =	sadd.s32 s21, s3  }
0x9d: {  	[timem:s7], [sflag:s22] =	dma.local [hbm:s5], s20  }
0x9e: {  	_ =	swait.ge [sflag:s22], s20  }
0x9f: {  	s4 =	ssub.s32 $0x0, s20;
	[sflag:s22] =	ssyncset.done $0x0  }
0xa0: {  	[sflag:s22] =	ssyncadd.s32 s4;
	_ =	sdelay $0x1  }
0xa1: {  	s23 =	simm.s32 $0x1B8B  }
0xa2: {  	_ =	swait.ge [sflag:s23], $0x1  }
0xa3: {  	[sflag:s23] =	ssyncset.done $0x0  }
0xa4: {  	s25 =	simm.s32 $0x1B8E;
	s24 =	sld [smem:$0x3FFE];
	[sflag:s23] =	ssyncadd.s32 $0xFFFFFFFF  }
0xa5: {  	s26 =	simm.s32 $execute0_lowered;
	[smem:$0x3FD2] =	sst s25  }
0xa6: {  	s5 =	sshll.u32 s26, $0x1;
	_ =	strace $0x80000046;
	[dreg:$0x1] =	wrdreg $0xFFFFFFFF  }
0xa7: {  	s28 =	simm.s32 $_size_execute0_lowered;
	s3 =	sadd.s32 s3, s5;
	[dreg:$0x0] =	wrdreg $0x0  }
0xa8: {  	s5 =	sshll.u32 s28, $0x1;
	[dreg:$0x2] =	wrdreg s3  }
0xa9: {  	[dreg:$0x3] =	wrdreg s5  }
0xaa: {  	[dreg:$0x4] =	wrdreg $0xC0  }
0xab: {  	_ =	task [dreg:s7], $0x5FFFF  }
0xac: {  	[dreg:$0x1] =	wrdreg $0xFFFFFFFF  }
0xad: {  	[dreg:$0x0] =	wrdreg $0x60  }
0xae: {  	[dreg:$0x2] =	wrdreg s24  }
0xaf: {  	[dreg:$0x3] =	wrdreg s2  }
0xb0: {  	[dreg:$0x4] =	wrdreg $0x9  }
0xb1: {  	_ =	task.clear_ibuf [dreg:s7], $0x5FFFF;
	_ =	strace $0x90000046  }
0xb2: {  	s29 =	simm.s32 $0x9;
	_ =	strace $0x80000048  }
0xb3: {  	_ =	swait.ge [sflag:s29], $0x1  }
0xb4: {  	[sflag:s29] =	ssyncadd.s32 $0xFFFFFFFF  }
0xb5: {  	_ =	strace $0x90000048  }
0xb6: {  	_ =	sfence  }
0xb7: {  	s30 =	sld [smem:$0x0];
	_ =	sdelay $0x2  }
0xb8: {  	s31 =	sshll.u32 s1, $0xD;
	s1 =	sshrl.u32 s1, $0x2  }
0xb9: {  	s3 =	sand.u32 $0x4000, s31;
	s1 =	sadd.s32 s1, s30  }
0xba: {  	s0 =	sor.u32 s3, s0;
	s1 =	sshll.u32 s1, $0x11  }
0xbb: {  	s0 =	sor.u32 s1, s0  }
0xbc: {  	s0 =	sadd.s32 $0x8F2B, s0  }
0xbd: {  	[sflag:s0] =	ssyncadd.remote.s32 $0x1  }
0xbe: {  	_ =	sfence.sel $0xFFFF  }
0xbf: {  	[dreg:$0x0] =	wrdreg $0xFFFFFFFF;
	(pc) =	sbr.abs _section_cstart, $3  }
0xc0: {  	[dreg:$0x1] =	wrdreg $0xFFFFFFFF  }
0xc1: {  	_ =	task.clear_ibuf [dreg:s7], $0x2FFFF;
	_ =	strace $0x9FFFFFFF  }
0xc2: {  	(tm) =	ssettm $0x7FFFFFFF  }
0xc3: {  	_ =	shalt  }
tec
execute0_lowered:
.L_overlay_start_1:
0x0: {  	(tag) =	ssettag $0x1  }
0x1: {  	s0 =	srdreg.scid;
	s1 =	rddreg [dreg:$0x0]  }
0x2: {  	s9 =	stileid.u32;
	s4 =	rddreg [dreg:$0x1]  }
0x3: {  	s12 =	simm.s32 $0x32;
	s20 =	simm.s32 $0x7640;
	s11 =	simm.s32 $0x9BC0  }
0x4: {  	s10 =	simm.s32 $0xA840;
	s15 =	simm.s32 $0xAE80;
	s17 =	simm.s32 $0xB4C0  }
0x5: {  	s19 =	simm.s32 $0xBB00;
	s13 =	simm.s32 $0xC780;
	s31 =	simm.s32 $0xCDC0  }
0x6: {  	s16 =	simm.s32 $0xDA40;
	s28 =	simm.s32 $0x3;
	s14 =	simm.s32 $0x5  }
0x7: {  	s18 =	simm.s32 $0x6;
	s29 =	simm.s32 $0x0;
	s0 =	sand.u32 $0x1, s0  }
0x8: {  	s2 =	sshll.u32 s9, $0xA;
	s24 =	smul.u32 $0x32000, s9;
	s9 =	simm.s32 $0x9580  }
0x9: {  	s3 =	sshll.u32 s0, $0x9;
	s6 =	ssub.s32 $0x2, s0;
	s0 =	smul.u32 $0x19000, s0  }
0xa: {  	s3 =	sor.u32 s3, s2;
	s2 =	simm.s32 $0x0;
	s7 =	sshrl.u32 s6, $0x1  }
0xb: {  	s30 =	sadd.s32 s24, s4;
	s24 =	simm.s32 $0xD400;
	s5 =	smul.u32 $0x7, s3  }
0xc: {  	[smem:$0x7FF] =	sst s2;
	s3 =	smul.u32 $0x640, s3;
	s21 =	ssub.s32 s6, s7  }
0xd: {  	s0 =	sadd.s32 s0, s30;
	s7 =	simm.s32 $0x8F40;
	_ =	strace $0x80000047  }
0xe: {  	[dreg:$0x9] =	wrdreg s0;
	s5 =	sadd.s32 s5, s1;
	s8 =	sshrl.u32 s3, $0x3  }
0xf: {  	s3 =	sadd.s32 $0xF42E00, s1;
	s1 =	smax.u32 s21, $0x1;
	s21 =	simm.s32 $0xC140  }
0x10: {  	s22 =	sadd.s32 s4, s8;
	s5 =	sadd.s32 $0xA00, s5;
	[dreg:$0x8] =	wrdreg s1  }
0x11: {  	s4 =	simm.s32 $0x7C80;
	[dreg:$0x3] =	wrdreg s5;
	s23 =	sadd.s32 $0x17700, s22  }
0x12: {  	s8 =	simm.s32 $0x10600;
	s25 =	sadd.s32 $0x17D40, s22;
	[dreg:$0x4] =	wrdreg s23  }
0x13: {  	s1 =	simm.s32 $0x4;
	s26 =	sadd.s32 $0x18380, s22;
	[dreg:$0x5] =	wrdreg s25  }
0x14: {  	s6 =	sadd.s32 $0x189C0, s22;
	s5 =	simm.s32 $0x82C0;
	[dreg:$0x6] =	wrdreg s26  }
0x15: {  	s22 =	simm.s32 $0x7;
	[dreg:$0x7] =	wrdreg s6;
	s6 =	simm.s32 $0x8900  }
0x16: {  	s23 =	simm.s32 $0x1;
	s25 =	simm.s32 $0x2;
	s26 =	simm.s32 $0x8  }
.LBB2_1:
0x17: {  	[dreg:$0xa] =	wrdreg s29  }
0x18: {  	s0 =	rddreg [dreg:$0x3];
	s29 =	simm.s32 $0x9  }
0x19: {  	[tilespmem:s2], [sflag:$0x9] =	stream.linear.gather [hbm4b:s0+s2], $0x7000, $0x38;
	[tilespmem:$0x13800] =	vst v63  }
0x1a: {  	_ =	swait.ge [sflag:s29], $0x7000  }
0x1b: {  	[sflag:s29] =	ssyncset.done $0x0  }
0x1c: {  	[sflag:s29] =	ssyncadd.s32 $0xFFFF9000;
	s29 =	simm.s32 $0x7000  }
0x1d: {  	[tilespmem:s29], [sflag:$0x1] =	stream.indirect.gather [hbm4b:s3+s12], $0x20, s2, s12, $0xb8;
	[tilespmem:$0x13800] =	vst v63  }
0x1e: {  	s30 =	simm.s32 $0x38  }
0x1f: {  	[tilespmem:s20], [sflag:$0x1] =	stream.indirect.gather [hbm4b:s3+s12], $0x20, s30, s12, $0xb8;
	[tilespmem:$0x13800] =	vst v63  }
0x20: {  	s30 =	simm.s32 $0x70  }
0x21: {  	[tilespmem:s4], [sflag:$0x1] =	stream.indirect.gather [hbm4b:s3+s12], $0x20, s30, s12, $0xb8;
	[tilespmem:$0x13800] =	vst v63  }
0x22: {  	s30 =	simm.s32 $0xA8  }
0x23: {  	[tilespmem:s5], [sflag:$0x1] =	stream.indirect.gather [hbm4b:s3+s12], $0x20, s30, s12, $0xb8;
	[tilespmem:$0x13800] =	vst v63  }
0x24: {  	s30 =	simm.s32 $0xE0  }
0x25: {  	[tilespmem:s6], [sflag:$0x1] =	stream.indirect.gather [hbm4b:s3+s12], $0x20, s30, s12, $0xb8;
	[tilespmem:$0x13800] =	vst v63  }
0x26: {  	s30 =	simm.s32 $0x118  }
0x27: {  	[tilespmem:s7], [sflag:$0x1] =	stream.indirect.gather [hbm4b:s3+s12], $0x20, s30, s12, $0xb8;
	[tilespmem:$0x13800] =	vst v63  }
0x28: {  	s30 =	simm.s32 $0x150  }
0x29: {  	[tilespmem:s9], [sflag:$0x1] =	stream.indirect.gather [hbm4b:s3+s12], $0x20, s30, s12, $0xb8;
	[tilespmem:$0x13800] =	vst v63  }
0x2a: {  	s30 =	simm.s32 $0x188  }
0x2b: {  	[tilespmem:s11], [sflag:$0x1] =	stream.indirect.gather [hbm4b:s3+s12], $0x20, s30, s12, $0xb8;
	[tilespmem:$0x13800] =	vst v63  }
0x2c: {  	s0 =	simm.s32 $0x1C0;
	s30 =	simm.s32 $0xA200  }
0x2d: {  	[tilespmem:s30], [sflag:$0x2] =	stream.indirect.gather [hbm4b:s3+s12], $0x20, s0, s12, $0xb8;
	[tilespmem:$0x13800] =	vst v63  }
0x2e: {  	s0 =	simm.s32 $0x1F8  }
0x2f: {  	[tilespmem:s10], [sflag:$0x2] =	stream.indirect.gather [hbm4b:s3+s12], $0x20, s0, s12, $0xb8;
	[tilespmem:$0x13800] =	vst v63  }
0x30: {  	s0 =	simm.s32 $0x230  }
0x31: {  	[tilespmem:s15], [sflag:$0x2] =	stream.indirect.gather [hbm4b:s3+s12], $0x20, s0, s12, $0xb8;
	[tilespmem:$0x13800] =	vst v63  }
0x32: {  	s0 =	simm.s32 $0x268  }
0x33: {  	[tilespmem:s17], [sflag:$0x2] =	stream.indirect.gather [hbm4b:s3+s12], $0x20, s0, s12, $0xb8;
	[tilespmem:$0x13800] =	vst v63  }
0x34: {  	s0 =	simm.s32 $0x2A0  }
0x35: {  	[tilespmem:s19], [sflag:$0x2] =	stream.indirect.gather [hbm4b:s3+s12], $0x20, s0, s12, $0xb8;
	[tilespmem:$0x13800] =	vst v63  }
0x36: {  	s0 =	simm.s32 $0x2D8  }
0x37: {  	[tilespmem:s21], [sflag:$0x2] =	stream.indirect.gather [hbm4b:s3+s12], $0x20, s0, s12, $0xb8;
	[tilespmem:$0x13800] =	vst v63  }
0x38: {  	s0 =	simm.s32 $0x310  }
0x39: {  	[tilespmem:s13], [sflag:$0x2] =	stream.indirect.gather [hbm4b:s3+s12], $0x20, s0, s12, $0xb8;
	[tilespmem:$0x13800] =	vst v63  }
0x3a: {  	s0 =	simm.s32 $0x348  }
0x3b: {  	[tilespmem:s31], [sflag:$0x2] =	stream.indirect.gather [hbm4b:s3+s12], $0x20, s0, s12, $0xb8;
	[tilespmem:$0x13800] =	vst v63  }
0x3c: {  	s0 =	simm.s32 $0x380  }
0x3d: {  	[tilespmem:s24], [sflag:$0x3] =	stream.indirect.gather [hbm4b:s3+s12], $0x20, s0, s12, $0xb8;
	[tilespmem:$0x13800] =	vst v63  }
0x3e: {  	s0 =	simm.s32 $0x3B8  }
0x3f: {  	[tilespmem:s16], [sflag:$0x3] =	stream.indirect.gather [hbm4b:s3+s12], $0x20, s0, s12, $0xb8;
	[tilespmem:$0x13800] =	vst v63  }
0x40: {  	s0 =	simm.s32 $0x3F0;
	s16 =	simm.s32 $0xE080  }
0x41: {  	[tilespmem:s16], [sflag:$0x3] =	stream.indirect.gather [hbm4b:s3+s12], $0x20, s0, s12, $0xb8;
	[tilespmem:$0x13800] =	vst v63  }
0x42: {  	s0 =	simm.s32 $0x428;
	s16 =	simm.s32 $0xE6C0  }
0x43: {  	[tilespmem:s16], [sflag:$0x3] =	stream.indirect.gather [hbm4b:s3+s12], $0x20, s0, s12, $0xb8;
	[tilespmem:$0x13800] =	vst v63  }
0x44: {  	s0 =	simm.s32 $0x460;
	s16 =	simm.s32 $0xED00  }
0x45: {  	[tilespmem:s16], [sflag:$0x3] =	stream.indirect.gather [hbm4b:s3+s12], $0x20, s0, s12, $0xb8;
	[tilespmem:$0x13800] =	vst v63  }
0x46: {  	s0 =	simm.s32 $0x498;
	s16 =	simm.s32 $0xF340  }
0x47: {  	[tilespmem:s16], [sflag:$0x3] =	stream.indirect.gather [hbm4b:s3+s12], $0x20, s0, s12, $0xb8;
	[tilespmem:$0x13800] =	vst v63  }
0x48: {  	s0 =	simm.s32 $0x4D0;
	s16 =	simm.s32 $0xF980  }
0x49: {  	[tilespmem:s16], [sflag:$0x3] =	stream.indirect.gather [hbm4b:s3+s12], $0x20, s0, s12, $0xb8;
	[tilespmem:$0x13800] =	vst v63  }
0x4a: {  	s0 =	simm.s32 $0x508;
	s16 =	simm.s32 $0xFFC0  }
0x4b: {  	[tilespmem:s16], [sflag:$0x3] =	stream.indirect.gather [hbm4b:s3+s12], $0x20, s0, s12, $0xb8;
	[tilespmem:$0x13800] =	vst v63  }
0x4c: {  	s16 =	simm.s32 $0x540  }
0x4d: {  	[tilespmem:s8], [sflag:$0x4] =	stream.indirect.gather [hbm4b:s3+s12], $0x20, s16, s12, $0xb8;
	[tilespmem:$0x13800] =	vst v63  }
0x4e: {  	s0 =	simm.s32 $0x578;
	s16 =	simm.s32 $0x10C40  }
0x4f: {  	[tilespmem:s16], [sflag:$0x4] =	stream.indirect.gather [hbm4b:s3+s12], $0x20, s0, s12, $0xb8;
	[tilespmem:$0x13800] =	vst v63  }
0x50: {  	s16 =	simm.s32 $0x11280;
	s0 =	simm.s32 $0x5B0  }
0x51: {  	[tilespmem:s16], [sflag:$0x4] =	stream.indirect.gather [hbm4b:s3+s12], $0x20, s0, s12, $0xb8;
	[tilespmem:$0x13800] =	vst v63  }
0x52: {  	s16 =	simm.s32 $0x118C0;
	s0 =	simm.s32 $0x5E8  }
0x53: {  	[tilespmem:s16], [sflag:$0x4] =	stream.indirect.gather [hbm4b:s3+s12], $0x20, s0, s12, $0xb8;
	[tilespmem:$0x13800] =	vst v63  }
0x54: {  	s16 =	simm.s32 $0x11F00;
	s0 =	simm.s32 $0x620  }
0x55: {  	[tilespmem:s16], [sflag:$0x4] =	stream.indirect.gather [hbm4b:s3+s12], $0x20, s0, s12, $0xb8;
	[tilespmem:$0x13800] =	vst v63  }
0x56: {  	s16 =	simm.s32 $0x12540;
	s0 =	simm.s32 $0x658  }
0x57: {  	[tilespmem:s16], [sflag:$0x4] =	stream.indirect.gather [hbm4b:s3+s12], $0x20, s0, s12, $0xb8;
	[tilespmem:$0x13800] =	vst v63  }
0x58: {  	s16 =	simm.s32 $0x12B80;
	s0 =	simm.s32 $0x690  }
0x59: {  	[tilespmem:s16], [sflag:$0x4] =	stream.indirect.gather [hbm4b:s3+s12], $0x20, s0, s12, $0xb8;
	[tilespmem:$0x13800] =	vst v63  }
0x5a: {  	s0 =	simm.s32 $0x131C0;
	s16 =	simm.s32 $0x6C8  }
0x5b: {  	[tilespmem:s0], [sflag:$0x4] =	stream.indirect.gather [hbm4b:s3+s12], $0x20, s16, s12, $0xb8;
	[tilespmem:$0x13800] =	vst v63  }
0x5c: {  	_ =	swait.ge [sflag:s23], $0x3200  }
0x5d: {  	[sflag:s23] =	ssyncset.done $0x0  }
0x5e: {  	s16 =	rddreg [dreg:$0x9];
	[sflag:s23] =	ssyncadd.s32 $0xFFFFCE00  }
0x5f: {  	[hbm4b:s16+s2] =	stream.linear.scatter [tilespmem:s29], [sflag:$0x5], $0x3200, $0x38;
	[tilespmem:$0x13800] =	vst v63  }
0x60: {  	_ =	swait.ge [sflag:s25], $0x3200  }
0x61: {  	[sflag:s25] =	ssyncset.done $0x0  }
0x62: {  	s0 =	sadd.s32 $0x640, s16;
	[sflag:s25] =	ssyncadd.s32 $0xFFFFCE00  }
0x63: {  	[hbm4b:s0+s2] =	stream.linear.scatter [tilespmem:s30], [sflag:$0x6], $0x3200, $0x38;
	[tilespmem:$0x13800] =	vst v63  }
0x64: {  	_ =	swait.ge [sflag:s28], $0x3200  }
0x65: {  	[sflag:s28] =	ssyncset.done $0x0  }
0x66: {  	s0 =	sadd.s32 $0xC80, s16;
	[sflag:s28] =	ssyncadd.s32 $0xFFFFCE00  }
0x67: {  	[hbm4b:s0+s2] =	stream.linear.scatter [tilespmem:s24], [sflag:$0x7], $0x3200, $0x38;
	[tilespmem:$0x13800] =	vst v63  }
0x68: {  	_ =	swait.ge [sflag:s1], $0x3200  }
0x69: {  	[sflag:s1] =	ssyncset.done $0x0  }
0x6a: {  	s0 =	sadd.s32 $0x12C0, s16;
	[sflag:s1] =	ssyncadd.s32 $0xFFFFCE00  }
0x6b: {  	[hbm4b:s0+s2] =	stream.linear.scatter [tilespmem:s8], [sflag:$0x8], $0x3200, $0x38;
	[tilespmem:$0x13800] =	vst v63  }
0x6c: {  	_ =	swait.ge [sflag:s14], $0x3200  }
0x6d: {  	[sflag:s14] =	ssyncset.done $0x0  }
0x6e: {  	s0 =	simm.s32 $0x700;
	[sflag:s14] =	ssyncadd.s32 $0xFFFFCE00  }
0x6f: {  	[tilespmem:s29], [sflag:$0x1] =	stream.indirect.gather [hbm4b:s3+s12], $0x20, s0, s12, $0xb8;
	[tilespmem:$0x13800] =	vst v63  }
0x70: {  	s29 =	simm.s32 $0x738  }
0x71: {  	[tilespmem:s20], [sflag:$0x1] =	stream.indirect.gather [hbm4b:s3+s12], $0x20, s29, s12, $0xb8;
	[tilespmem:$0x13800] =	vst v63  }
0x72: {  	s29 =	simm.s32 $0x770  }
0x73: {  	[tilespmem:s4], [sflag:$0x1] =	stream.indirect.gather [hbm4b:s3+s12], $0x20, s29, s12, $0xb8;
	[tilespmem:$0x13800] =	vst v63  }
0x74: {  	s20 =	simm.s32 $0x7A8  }
0x75: {  	[tilespmem:s5], [sflag:$0x1] =	stream.indirect.gather [hbm4b:s3+s12], $0x20, s20, s12, $0xb8;
	[tilespmem:$0x13800] =	vst v63  }
0x76: {  	s29 =	simm.s32 $0x7E0  }
0x77: {  	[tilespmem:s6], [sflag:$0x1] =	stream.indirect.gather [hbm4b:s3+s12], $0x20, s29, s12, $0xb8;
	[tilespmem:$0x13800] =	vst v63  }
0x78: {  	s4 =	simm.s32 $0x818  }
0x79: {  	[tilespmem:s7], [sflag:$0x1] =	stream.indirect.gather [hbm4b:s3+s12], $0x20, s4, s12, $0xb8;
	[tilespmem:$0x13800] =	vst v63  }
0x7a: {  	s5 =	simm.s32 $0x850  }
0x7b: {  	[tilespmem:s9], [sflag:$0x1] =	stream.indirect.gather [hbm4b:s3+s12], $0x20, s5, s12, $0xb8;
	[tilespmem:$0x13800] =	vst v63  }
0x7c: {  	s6 =	simm.s32 $0x888  }
0x7d: {  	[tilespmem:s11], [sflag:$0x1] =	stream.indirect.gather [hbm4b:s3+s12], $0x20, s6, s12, $0xb8;
	[tilespmem:$0x13800] =	vst v63  }
0x7e: {  	_ =	swait.ge [sflag:s18], $0x3200  }
0x7f: {  	[sflag:s18] =	ssyncset.done $0x0  }
0x80: {  	s7 =	simm.s32 $0x8C0;
	[sflag:s18] =	ssyncadd.s32 $0xFFFFCE00  }
0x81: {  	[tilespmem:s30], [sflag:$0x2] =	stream.indirect.gather [hbm4b:s3+s12], $0x20, s7, s12, $0xb8;
	[tilespmem:$0x13800] =	vst v63  }
0x82: {  	s9 =	simm.s32 $0x8F8  }
0x83: {  	[tilespmem:s10], [sflag:$0x2] =	stream.indirect.gather [hbm4b:s3+s12], $0x20, s9, s12, $0xb8;
	[tilespmem:$0x13800] =	vst v63  }
0x84: {  	s11 =	simm.s32 $0x930  }
0x85: {  	[tilespmem:s15], [sflag:$0x2] =	stream.indirect.gather [hbm4b:s3+s12], $0x20, s11, s12, $0xb8;
	[tilespmem:$0x13800] =	vst v63  }
0x86: {  	s20 =	simm.s32 $0x968  }
0x87: {  	[tilespmem:s17], [sflag:$0x2] =	stream.indirect.gather [hbm4b:s3+s12], $0x20, s20, s12, $0xb8;
	[tilespmem:$0x13800] =	vst v63  }
0x88: {  	s29 =	simm.s32 $0x9A0  }
0x89: {  	[tilespmem:s19], [sflag:$0x2] =	stream.indirect.gather [hbm4b:s3+s12], $0x20, s29, s12, $0xb8;
	[tilespmem:$0x13800] =	vst v63  }
0x8a: {  	s30 =	simm.s32 $0x9D8  }
0x8b: {  	[tilespmem:s21], [sflag:$0x2] =	stream.indirect.gather [hbm4b:s3+s12], $0x20, s30, s12, $0xb8;
	[tilespmem:$0x13800] =	vst v63  }
0x8c: {  	s4 =	simm.s32 $0xA10  }
0x8d: {  	[tilespmem:s13], [sflag:$0x2] =	stream.indirect.gather [hbm4b:s3+s12], $0x20, s4, s12, $0xb8;
	[tilespmem:$0x13800] =	vst v63  }
0x8e: {  	s5 =	simm.s32 $0xA48  }
0x8f: {  	[tilespmem:s31], [sflag:$0x2] =	stream.indirect.gather [hbm4b:s3+s12], $0x20, s5, s12, $0xb8;
	[tilespmem:$0x13800] =	vst v63  }
0x90: {  	_ =	swait.ge [sflag:s22], $0x3200  }
0x91: {  	[sflag:s22] =	ssyncset.done $0x0  }
0x92: {  	s6 =	simm.s32 $0xA80;
	[sflag:s22] =	ssyncadd.s32 $0xFFFFCE00  }
0x93: {  	[tilespmem:s24], [sflag:$0x3] =	stream.indirect.gather [hbm4b:s3+s12], $0x20, s6, s12, $0xb8;
	[tilespmem:$0x13800] =	vst v63  }
0x94: {  	s7 =	simm.s32 $0xAB8;
	s9 =	simm.s32 $0xDA40  }
0x95: {  	[tilespmem:s9], [sflag:$0x3] =	stream.indirect.gather [hbm4b:s3+s12], $0x20, s7, s12, $0xb8;
	[tilespmem:$0x13800] =	vst v63  }
0x96: {  	s10 =	simm.s32 $0xAF0;
	s11 =	simm.s32 $0xE080  }
0x97: {  	[tilespmem:s11], [sflag:$0x3] =	stream.indirect.gather [hbm4b:s3+s12], $0x20, s10, s12, $0xb8;
	[tilespmem:$0x13800] =	vst v63  }
0x98: {  	s15 =	simm.s32 $0xE6C0;
	s13 =	simm.s32 $0xB28  }
0x99: {  	[tilespmem:s15], [sflag:$0x3] =	stream.indirect.gather [hbm4b:s3+s12], $0x20, s13, s12, $0xb8;
	[tilespmem:$0x13800] =	vst v63  }
0x9a: {  	s17 =	simm.s32 $0xB60;
	s19 =	simm.s32 $0xED00  }
0x9b: {  	[tilespmem:s19], [sflag:$0x3] =	stream.indirect.gather [hbm4b:s3+s12], $0x20, s17, s12, $0xb8;
	[tilespmem:$0x13800] =	vst v63  }
0x9c: {  	s16 =	sadd.s32 $0x1900, s16;
	s20 =	simm.s32 $0xB98;
	s21 =	simm.s32 $0xF340  }
0x9d: {  	[tilespmem:s21], [sflag:$0x3] =	stream.indirect.gather [hbm4b:s3+s12], $0x20, s20, s12, $0xb8;
	[tilespmem:$0x13800] =	vst v63  }
0x9e: {  	s0 =	simm.s32 $0xDC8;
	s29 =	simm.s32 $0xBD0;
	s30 =	simm.s32 $0xF980  }
0x9f: {  	[tilespmem:s30], [sflag:$0x3] =	stream.indirect.gather [hbm4b:s3+s12], $0x20, s29, s12, $0xb8;
	[tilespmem:$0x13800] =	vst v63  }
0xa0: {  	s4 =	simm.s32 $0xC08;
	s5 =	simm.s32 $0xFFC0;
	s31 =	simm.s32 $0x1C00  }
0xa1: {  	[tilespmem:s5], [sflag:$0x3] =	stream.indirect.gather [hbm4b:s3+s12], $0x20, s4, s12, $0xb8;
	[tilespmem:$0x13800] =	vst v63  }
0xa2: {  	s6 =	simm.s32 $0xC40;
	s7 =	simm.s32 $0xC78;
	_ =	swait.ge [sflag:s26], $0x3200  }
0xa3: {  	s9 =	simm.s32 $0x10C40;
	s10 =	simm.s32 $0xCB0;
	[sflag:s26] =	ssyncset.done $0x0  }
0xa4: {  	s11 =	simm.s32 $0x11280;
	s13 =	simm.s32 $0xCE8;
	[sflag:s26] =	ssyncadd.s32 $0xFFFFCE00  }
0xa5: {  	[tilespmem:s8], [sflag:$0x4] =	stream.indirect.gather [hbm4b:s3+s12], $0x20, s6, s12, $0xb8;
	[tilespmem:$0x13800] =	vst v63  }
0xa6: {  	s15 =	simm.s32 $0x118C0;
	s17 =	simm.s32 $0xD20;
	s19 =	simm.s32 $0x11F00  }
0xa7: {  	[tilespmem:s9], [sflag:$0x4] =	stream.indirect.gather [hbm4b:s3+s12], $0x20, s7, s12, $0xb8;
	[tilespmem:$0x13800] =	vst v63  }
0xa8: {  	s20 =	simm.s32 $0xD58;
	s21 =	simm.s32 $0x12540;
	s29 =	simm.s32 $0xD90  }
0xa9: {  	[tilespmem:s11], [sflag:$0x4] =	stream.indirect.gather [hbm4b:s3+s12], $0x20, s10, s12, $0xb8;
	[tilespmem:$0x13800] =	vst v63  }
0xaa: {  	s30 =	simm.s32 $0x12B80;
	s5 =	simm.s32 $0x82C0;
	s6 =	simm.s32 $0x8900  }
0xab: {  	[tilespmem:s15], [sflag:$0x4] =	stream.indirect.gather [hbm4b:s3+s12], $0x20, s13, s12, $0xb8;
	[tilespmem:$0x13800] =	vst v63  }
0xac: {  	s7 =	simm.s32 $0x8F40;
	s9 =	simm.s32 $0x9580;
	s11 =	simm.s32 $0x9BC0  }
0xad: {  	[tilespmem:s19], [sflag:$0x4] =	stream.indirect.gather [hbm4b:s3+s12], $0x20, s17, s12, $0xb8;
	[tilespmem:$0x13800] =	vst v63  }
0xae: {  	s10 =	simm.s32 $0xA840;
	s15 =	simm.s32 $0xAE80;
	s13 =	simm.s32 $0xC780  }
0xaf: {  	[tilespmem:s21], [sflag:$0x4] =	stream.indirect.gather [hbm4b:s3+s12], $0x20, s20, s12, $0xb8;
	[tilespmem:$0x13800] =	vst v63  }
0xb0: {  	s17 =	simm.s32 $0xB4C0;
	s19 =	simm.s32 $0xBB00;
	s21 =	simm.s32 $0xC140  }
0xb1: {  	[tilespmem:s30], [sflag:$0x4] =	stream.indirect.gather [hbm4b:s3+s12], $0x20, s29, s12, $0xb8;
	[tilespmem:$0x13800] =	vst v63  }
.LBB2_2:
0xb2: {  	s4 =	simm.s32 $0x131C0  }
0xb3: {  	[tilespmem:s4], [sflag:$0x4] =	stream.indirect.gather [hbm4b:s3+s12], $0x20, s0, s12, $0xb8;
	[tilespmem:$0x13800] =	vst v63  }
0xb4: {  	s0 =	smov.u32 s31  }
0xb5: {  	p0 =	sne.s32 s31, $0x18800;
	s31 =	sadd.s32 $0x1C00, s31;
	_ =	swait.ge [sflag:s23], $0x3200  }
0xb6: {  	[sflag:s23] =	ssyncset.done $0x0  }
0xb7: {  	s20 =	simm.s32 $0x7000;
	[sflag:s23] =	ssyncadd.s32 $0xFFFFCE00  }
0xb8: {  	[hbm4b:s16+s2] =	stream.linear.scatter [tilespmem:s20], [sflag:$0x5], $0x3200, $0x38;
	[tilespmem:$0x13800] =	vst v63  }
0xb9: {  	_ =	swait.ge [sflag:s25], $0x3200  }
0xba: {  	[sflag:s25] =	ssyncset.done $0x0  }
0xbb: {  	s29 =	sadd.s32 $0x640, s16;
	s4 =	simm.s32 $0xA200;
	[sflag:s25] =	ssyncadd.s32 $0xFFFFCE00  }
0xbc: {  	[hbm4b:s29+s2] =	stream.linear.scatter [tilespmem:s4], [sflag:$0x6], $0x3200, $0x38;
	[tilespmem:$0x13800] =	vst v63  }
0xbd: {  	_ =	swait.ge [sflag:s28], $0x3200  }
0xbe: {  	[sflag:s28] =	ssyncset.done $0x0  }
0xbf: {  	s29 =	sadd.s32 $0xC80, s16;
	[sflag:s28] =	ssyncadd.s32 $0xFFFFCE00  }
0xc0: {  	[hbm4b:s29+s2] =	stream.linear.scatter [tilespmem:s24], [sflag:$0x7], $0x3200, $0x38;
	[tilespmem:$0x13800] =	vst v63  }
0xc1: {  	_ =	swait.ge [sflag:s1], $0x3200  }
0xc2: {  	[sflag:s1] =	ssyncset.done $0x0  }
0xc3: {  	s29 =	sadd.s32 $0x12C0, s16;
	[sflag:s1] =	ssyncadd.s32 $0xFFFFCE00  }
0xc4: {  	[hbm4b:s29+s2] =	stream.linear.scatter [tilespmem:s8], [sflag:$0x8], $0x3200, $0x38;
	[tilespmem:$0x13800] =	vst v63  }
0xc5: {  	_ =	swait.ge [sflag:s14], $0x3200  }
0xc6: {  	s0 =	sshra.s32 s0, $0x2;
	[sflag:s14] =	ssyncset.done $0x0  }
0xc7: {  	s30 =	simm.s32 $0x7000;
	s29 =	sadd.s32 $0x700, s0;
	[sflag:s14] =	ssyncadd.s32 $0xFFFFCE00  }
0xc8: {  	[tilespmem:s20], [sflag:$0x1] =	stream.indirect.gather [hbm4b:s3+s12], $0x20, s29, s12, $0xb8;
	[tilespmem:$0x13800] =	vst v63  }
0xc9: {  	s29 =	sadd.s32 $0x738, s0;
	s20 =	simm.s32 $0x7640  }
0xca: {  	[tilespmem:s20], [sflag:$0x1] =	stream.indirect.gather [hbm4b:s3+s12], $0x20, s29, s12, $0xb8;
	[tilespmem:$0x13800] =	vst v63  }
0xcb: {  	s29 =	sadd.s32 $0x770, s0;
	s20 =	simm.s32 $0x7C80  }
0xcc: {  	[tilespmem:s20], [sflag:$0x1] =	stream.indirect.gather [hbm4b:s3+s12], $0x20, s29, s12, $0xb8;
	[tilespmem:$0x13800] =	vst v63  }
0xcd: {  	s29 =	sadd.s32 $0x7A8, s0  }
0xce: {  	[tilespmem:s5], [sflag:$0x1] =	stream.indirect.gather [hbm4b:s3+s12], $0x20, s29, s12, $0xb8;
	[tilespmem:$0x13800] =	vst v63  }
0xcf: {  	s29 =	sadd.s32 $0x7E0, s0  }
0xd0: {  	[tilespmem:s6], [sflag:$0x1] =	stream.indirect.gather [hbm4b:s3+s12], $0x20, s29, s12, $0xb8;
	[tilespmem:$0x13800] =	vst v63  }
0xd1: {  	s29 =	sadd.s32 $0x818, s0  }
0xd2: {  	[tilespmem:s7], [sflag:$0x1] =	stream.indirect.gather [hbm4b:s3+s12], $0x20, s29, s12, $0xb8;
	[tilespmem:$0x13800] =	vst v63  }
0xd3: {  	s29 =	sadd.s32 $0x850, s0  }
0xd4: {  	[tilespmem:s9], [sflag:$0x1] =	stream.indirect.gather [hbm4b:s3+s12], $0x20, s29, s12, $0xb8;
	[tilespmem:$0x13800] =	vst v63  }
0xd5: {  	s29 =	sadd.s32 $0x888, s0  }
0xd6: {  	[tilespmem:s11], [sflag:$0x1] =	stream.indirect.gather [hbm4b:s3+s12], $0x20, s29, s12, $0xb8;
	[tilespmem:$0x13800] =	vst v63  }
0xd7: {  	_ =	swait.ge [sflag:s18], $0x3200  }
0xd8: {  	[sflag:s18] =	ssyncset.done $0x0  }
0xd9: {  	s20 =	simm.s32 $0xA200;
	s29 =	sadd.s32 $0x8C0, s0;
	[sflag:s18] =	ssyncadd.s32 $0xFFFFCE00  }
0xda: {  	[tilespmem:s4], [sflag:$0x2] =	stream.indirect.gather [hbm4b:s3+s12], $0x20, s29, s12, $0xb8;
	[tilespmem:$0x13800] =	vst v63  }
0xdb: {  	s29 =	sadd.s32 $0x8F8, s0  }
0xdc: {  	[tilespmem:s10], [sflag:$0x2] =	stream.indirect.gather [hbm4b:s3+s12], $0x20, s29, s12, $0xb8;
	[tilespmem:$0x13800] =	vst v63  }
0xdd: {  	s29 =	sadd.s32 $0x930, s0  }
0xde: {  	[tilespmem:s15], [sflag:$0x2] =	stream.indirect.gather [hbm4b:s3+s12], $0x20, s29, s12, $0xb8;
	[tilespmem:$0x13800] =	vst v63  }
0xdf: {  	s29 =	sadd.s32 $0x968, s0  }
0xe0: {  	[tilespmem:s17], [sflag:$0x2] =	stream.indirect.gather [hbm4b:s3+s12], $0x20, s29, s12, $0xb8;
	[tilespmem:$0x13800] =	vst v63  }
0xe1: {  	s29 =	sadd.s32 $0x9A0, s0  }
0xe2: {  	[tilespmem:s19], [sflag:$0x2] =	stream.indirect.gather [hbm4b:s3+s12], $0x20, s29, s12, $0xb8;
	[tilespmem:$0x13800] =	vst v63  }
0xe3: {  	s29 =	sadd.s32 $0x9D8, s0  }
0xe4: {  	[tilespmem:s21], [sflag:$0x2] =	stream.indirect.gather [hbm4b:s3+s12], $0x20, s29, s12, $0xb8;
	[tilespmem:$0x13800] =	vst v63  }
0xe5: {  	s29 =	sadd.s32 $0xA10, s0  }
0xe6: {  	[tilespmem:s13], [sflag:$0x2] =	stream.indirect.gather [hbm4b:s3+s12], $0x20, s29, s12, $0xb8;
	[tilespmem:$0x13800] =	vst v63  }
0xe7: {  	s4 =	simm.s32 $0xCDC0;
	s29 =	sadd.s32 $0xA48, s0  }
0xe8: {  	[tilespmem:s4], [sflag:$0x2] =	stream.indirect.gather [hbm4b:s3+s12], $0x20, s29, s12, $0xb8;
	[tilespmem:$0x13800] =	vst v63  }
0xe9: {  	_ =	swait.ge [sflag:s22], $0x3200  }
0xea: {  	[sflag:s22] =	ssyncset.done $0x0  }
0xeb: {  	s29 =	sadd.s32 $0xA80, s0;
	[sflag:s22] =	ssyncadd.s32 $0xFFFFCE00  }
0xec: {  	[tilespmem:s24], [sflag:$0x3] =	stream.indirect.gather [hbm4b:s3+s12], $0x20, s29, s12, $0xb8;
	[tilespmem:$0x13800] =	vst v63  }
0xed: {  	s4 =	simm.s32 $0xDA40;
	s29 =	sadd.s32 $0xAB8, s0  }
0xee: {  	[tilespmem:s4], [sflag:$0x3] =	stream.indirect.gather [hbm4b:s3+s12], $0x20, s29, s12, $0xb8;
	[tilespmem:$0x13800] =	vst v63  }
0xef: {  	s29 =	sadd.s32 $0xAF0, s0;
	s4 =	simm.s32 $0xE080  }
0xf0: {  	[tilespmem:s4], [sflag:$0x3] =	stream.indirect.gather [hbm4b:s3+s12], $0x20, s29, s12, $0xb8;
	[tilespmem:$0x13800] =	vst v63  }
0xf1: {  	s29 =	sadd.s32 $0xB28, s0;
	s4 =	simm.s32 $0xE6C0  }
0xf2: {  	[tilespmem:s4], [sflag:$0x3] =	stream.indirect.gather [hbm4b:s3+s12], $0x20, s29, s12, $0xb8;
	[tilespmem:$0x13800] =	vst v63  }
0xf3: {  	s29 =	sadd.s32 $0xB60, s0;
	s4 =	simm.s32 $0xED00  }
0xf4: {  	[tilespmem:s4], [sflag:$0x3] =	stream.indirect.gather [hbm4b:s3+s12], $0x20, s29, s12, $0xb8;
	[tilespmem:$0x13800] =	vst v63  }
0xf5: {  	s29 =	sadd.s32 $0xB98, s0;
	s4 =	simm.s32 $0xF340  }
0xf6: {  	[tilespmem:s4], [sflag:$0x3] =	stream.indirect.gather [hbm4b:s3+s12], $0x20, s29, s12, $0xb8;
	[tilespmem:$0x13800] =	vst v63  }
0xf7: {  	s29 =	sadd.s32 $0xBD0, s0;
	s4 =	simm.s32 $0xF980  }
0xf8: {  	[tilespmem:s4], [sflag:$0x3] =	stream.indirect.gather [hbm4b:s3+s12], $0x20, s29, s12, $0xb8;
	[tilespmem:$0x13800] =	vst v63  }
0xf9: {  	s29 =	sadd.s32 $0xC08, s0;
	s4 =	simm.s32 $0xFFC0  }
0xfa: {  	[tilespmem:s4], [sflag:$0x3] =	stream.indirect.gather [hbm4b:s3+s12], $0x20, s29, s12, $0xb8;
	[tilespmem:$0x13800] =	vst v63  }
0xfb: {  	_ =	swait.ge [sflag:s26], $0x3200  }
0xfc: {  	[sflag:s26] =	ssyncset.done $0x0  }
0xfd: {  	s29 =	sadd.s32 $0xC40, s0;
	[sflag:s26] =	ssyncadd.s32 $0xFFFFCE00  }
0xfe: {  	[tilespmem:s8], [sflag:$0x4] =	stream.indirect.gather [hbm4b:s3+s12], $0x20, s29, s12, $0xb8;
	[tilespmem:$0x13800] =	vst v63  }
0xff: {  	s4 =	simm.s32 $0x10C40;
	s29 =	sadd.s32 $0xC78, s0  }
0x100: {  	[tilespmem:s4], [sflag:$0x4] =	stream.indirect.gather [hbm4b:s3+s12], $0x20, s29, s12, $0xb8;
	[tilespmem:$0x13800] =	vst v63  }
0x101: {  	s29 =	sadd.s32 $0xCB0, s0;
	s4 =	simm.s32 $0x11280  }
0x102: {  	[tilespmem:s4], [sflag:$0x4] =	stream.indirect.gather [hbm4b:s3+s12], $0x20, s29, s12, $0xb8;
	[tilespmem:$0x13800] =	vst v63  }
0x103: {  	s29 =	sadd.s32 $0xCE8, s0;
	s4 =	simm.s32 $0x118C0  }
0x104: {  	[tilespmem:s4], [sflag:$0x4] =	stream.indirect.gather [hbm4b:s3+s12], $0x20, s29, s12, $0xb8;
	[tilespmem:$0x13800] =	vst v63  }
0x105: {  	s29 =	sadd.s32 $0xD20, s0;
	s4 =	simm.s32 $0x11F00  }
0x106: {  	[tilespmem:s4], [sflag:$0x4] =	stream.indirect.gather [hbm4b:s3+s12], $0x20, s29, s12, $0xb8;
	[tilespmem:$0x13800] =	vst v63  }
.Ltmp0:
0x107: {  	s29 =	sadd.s32 $0xD58, s0;
	s4 =	simm.s32 $0x12540;
	(pc) =	sbr.rel @p0 .LBB2_2-.Ltmp0, $4  }
0x108: {  	[tilespmem:s4], [sflag:$0x4] =	stream.indirect.gather [hbm4b:s3+s12], $0x20, s29, s12, $0xb8;
	[tilespmem:$0x13800] =	vst v63  }
0x109: {  	s29 =	sadd.s32 $0xD90, s0;
	s4 =	simm.s32 $0x12B80  }
0x10a: {  	[tilespmem:s4], [sflag:$0x4] =	stream.indirect.gather [hbm4b:s3+s12], $0x20, s29, s12, $0xb8;
	[tilespmem:$0x13800] =	vst v63  }
0x10b: {  	s16 =	sadd.s32 $0x1900, s16;
	s0 =	sadd.s32 $0xDC8, s0  }
0x10c: {  	s4 =	simm.s32 $0x131C0  }
0x10d: {  	[tilespmem:s4], [sflag:$0x4] =	stream.indirect.gather [hbm4b:s3+s12], $0x20, s0, s12, $0xb8;
	[tilespmem:$0x13800] =	vst v63  }
0x10e: {  	_ =	swait.ge [sflag:s23], $0x3200  }
0x10f: {  	[sflag:s23] =	ssyncset.done $0x0  }
0x110: {  	s17 =	rddreg [dreg:$0x4];
	[sflag:s23] =	ssyncadd.s32 $0xFFFFCE00  }
0x111: {  	[hbm4b:s17+s2] =	stream.linear.scatter [tilespmem:s30], [sflag:$0x5], $0x3200, $0x38;
	[tilespmem:$0x13800] =	vst v63  }
0x112: {  	_ =	swait.ge [sflag:s25], $0x3200  }
0x113: {  	[sflag:s25] =	ssyncset.done $0x0  }
0x114: {  	s19 =	rddreg [dreg:$0x5];
	[sflag:s25] =	ssyncadd.s32 $0xFFFFCE00  }
0x115: {  	[hbm4b:s19+s2] =	stream.linear.scatter [tilespmem:s20], [sflag:$0x6], $0x3200, $0x38;
	[tilespmem:$0x13800] =	vst v63  }
0x116: {  	_ =	swait.ge [sflag:s28], $0x3200  }
0x117: {  	[sflag:s28] =	ssyncset.done $0x0  }
0x118: {  	s20 =	rddreg [dreg:$0x6];
	[sflag:s28] =	ssyncadd.s32 $0xFFFFCE00  }
0x119: {  	[hbm4b:s20+s2] =	stream.linear.scatter [tilespmem:s24], [sflag:$0x7], $0x3200, $0x38;
	[tilespmem:$0x13800] =	vst v63  }
0x11a: {  	_ =	swait.ge [sflag:s1], $0x3200  }
0x11b: {  	[sflag:s1] =	ssyncset.done $0x0  }
0x11c: {  	s21 =	rddreg [dreg:$0x7];
	[sflag:s1] =	ssyncadd.s32 $0xFFFFCE00  }
0x11d: {  	[hbm4b:s21+s2] =	stream.linear.scatter [tilespmem:s8], [sflag:$0x8], $0x3200, $0x38;
	[tilespmem:$0x13800] =	vst v63  }
0x11e: {  	_ =	swait.ge [sflag:s14], $0x3200  }
0x11f: {  	[sflag:s14] =	ssyncset.done $0x0  }
0x120: {  	[sflag:s14] =	ssyncadd.s32 $0xFFFFCE00  }
0x121: {  	_ =	swait.ge [sflag:s18], $0x3200  }
0x122: {  	[sflag:s18] =	ssyncset.done $0x0  }
0x123: {  	[sflag:s18] =	ssyncadd.s32 $0xFFFFCE00  }
0x124: {  	_ =	swait.ge [sflag:s22], $0x3200  }
0x125: {  	[sflag:s22] =	ssyncset.done $0x0  }
0x126: {  	[sflag:s22] =	ssyncadd.s32 $0xFFFFCE00  }
0x127: {  	_ =	swait.ge [sflag:s26], $0x3200  }
0x128: {  	s29 =	rddreg [dreg:$0xa]  }
0x129: {  	s5 =	simm.s32 $0x82C0;
	s30 =	rddreg [dreg:$0x8];
	s29 =	sadd.s32 $0x1, s29  }
0x12a: {  	s6 =	simm.s32 $0x8900;
	s7 =	simm.s32 $0x8F40;
	p0 =	sne.s32 s29, s30  }
.Ltmp1:
0x12b: {  	s9 =	simm.s32 $0x9580;
	s11 =	simm.s32 $0x9BC0;
	(pc) =	sbr.rel @p0 .LBB2_1-.Ltmp1, $4  }
0x12c: {  	s10 =	simm.s32 $0xA840;
	s15 =	simm.s32 $0xAE80;
	s13 =	simm.s32 $0xC780  }
0x12d: {  	s31 =	simm.s32 $0xCDC0;
	s16 =	simm.s32 $0xDA40;
	s4 =	simm.s32 $0x7C80  }
0x12e: {  	s17 =	simm.s32 $0xB4C0;
	s19 =	simm.s32 $0xBB00;
	[sflag:s26] =	ssyncset.done $0x0  }
0x12f: {  	s20 =	simm.s32 $0x7640;
	s21 =	simm.s32 $0xC140;
	[sflag:s26] =	ssyncadd.s32 $0xFFFFCE00  }
0x130: {  	_ =	sfence.sel $0x180000  }
0x131: {  	[bflag:$0x0] =	sbarrier.arrive $0xFFFF  }
0x132: {  	_ =	strace $0x90000047  }
0x133: {  	s0 =	stileid.u32;
	[bflag:$0x2] =	sbarrier.arrive $0xFFFF  }
0x134: {  	p0 =	sne.s32 s0, $0x0;
	s0 =	rddreg [dreg:$0x2]  }
0x135: {  	s0 =	sadd.s32 @!p0 $0x100000, s0  }
0x136: {  	[sflag:s0] =	ssyncadd.tile.s32 @!p0 $0x1;
	_ =	shalt  }
.Lfunc_end2:
_tile_overlayer_lowered:
.L_overlay_start_2:
0x137: {  	(tag) =	ssettag $0x2  }
0x138: {  	s0 =	rddreg [dreg:$0x0];
	s2 =	stileid.u32  }
0x139: {  	s1 =	rddreg [dreg:$0x1];
	p0 =	sne.s32 s2, $0x0  }
0x13a: {  	s3 =	rddreg [dreg:$0x2];
	[bflag:$0x3] =	sbarrier.arrive $0xFFFF;
	s2 =	simm.s32 @!p0 $0x1C09  }
0x13b: {  	[timem:s3], [sflag:s2] =	dma.local @!p0 [hbm:s0], s1  }
0x13c: {  	s0 =	simm.s32 @!p0 $0x9  }
0x13d: {  	_ =	swait.ge @!p0 [sflag:s0], s1  }
0x13e: {  	s1 =	ssub.s32 @!p0 $0x0, s1;
	[sflag:s0] =	ssyncset.done @!p0 $0x0  }
0x13f: {  	[sflag:s0] =	ssyncadd.s32 @!p0 s1  }
0x140: {  	[bflag:$0x3] =	sbarrier.arrive $0xFFFF  }
0x141: {  	_ =	shalt  }

// kernel: sparse-core-data-format-call.cloned.1.call-start
scs
called_computation_lowered:
.L_overlay_start_0:
0x0: {  	s2 =	sld [smem:$0x3FD9]  }
0x1: {  	s3 =	sld [smem:$0x3FFE];
	_ =	sdelay $0x1  }
0x2: {  	s1 =	srdreg.scid  }
0x3: {  	s0 =	sand.u32 $0x1, s1  }
0x4: {  	s18 =	sshll.u32 s0, $0xA;
	s2 =	sadd.s32 s3, s2  }
0x5: {  	s2 =	sadd.s32 s2, s18  }
0x6: {  	[smem:$0x3FC6] =	sst s2  }
0x7: {  	_ = 	snop  }
0x8: {  	s2 =	sld [smem:$0x3FD0];
	(tm) =	ssettm $0x1  }
0x9: {  	s19 =	sld [smem:$0x3FFB];
	_ =	sdelay $0x3  }
0xa: {  	_ =	strace s19  }
0xb: {  	s3 =	sld [smem:$0x3FFC];
	_ =	sdelay $0x3  }
0xc: {  	_ =	strace s3  }
0xd: {  	s3 =	sld [smem:$0x3FFD];
	_ =	sdelay $0x3  }
0xe: {  	_ =	strace s3  }
0xf: {  	_ =	strace $0x8FFFFFFF  }
0x10: {  	s20 =	sld [smem:$0x3FDB];
	_ =	sdelay $0x1  }
0x11: {  	s4 =	simm.s32 $_scs_section_size  }
0x12: {  	s5 =	simm.s32 $_size__tile_overlayer_lowered;
	s6 =	simm.s32 $_tile_overlayer_lowered  }
0x13: {  	s23 =	simm.s32 $0x1BFF;
	s22 =	sshll.u32 s6, $0x1;
	s3 =	sadd.s32 s4, s20  }
0x14: {  	s7 =	simm.s32 $0x0;
	s21 =	sshll.u32 s5, $0x1;
	s5 =	sadd.s32 s22, s3  }
0x15: {  	[timem:s7], [sflag:s23] =	dma.local [hbm:s5], s21  }
0x16: {  	_ =	swait.ge [sflag:s23], s21  }
0x17: {  	s4 =	ssub.s32 $0x0, s21;
	[sflag:s23] =	ssyncset.done $0x0  }
0x18: {  	[sflag:s23] =	ssyncadd.s32 s4;
	_ =	sdelay $0x1  }
0x19: {  	s24 =	simm.s32 $0x1B8B  }
0x1a: {  	_ =	swait.ge [sflag:s24], $0x1  }
0x1b: {  	[sflag:s24] =	ssyncset.done $0x0  }
0x1c: {  	s26 =	simm.s32 $0x1B8E;
	s25 =	sld [smem:$0x3FFE];
	[sflag:s24] =	ssyncadd.s32 $0xFFFFFFFF  }
0x1d: {  	s27 =	simm.s32 $execute0_lowered;
	[smem:$0x3FD2] =	sst s26  }
0x1e: {  	s5 =	sshll.u32 s27, $0x1;
	_ =	strace $0x80000049;
	[dreg:$0x1] =	wrdreg $0xFFFFFFFF  }
0x1f: {  	s28 =	simm.s32 $_size_execute0_lowered;
	s3 =	sadd.s32 s3, s5;
	[dreg:$0x0] =	wrdreg $0x0  }
0x20: {  	s5 =	sshll.u32 s28, $0x1;
	[dreg:$0x2] =	wrdreg s3  }
0x21: {  	[dreg:$0x3] =	wrdreg s5  }
0x22: {  	[dreg:$0x4] =	wrdreg $0xC0  }
0x23: {  	_ =	task [dreg:s7], $0x5FFFF  }
0x24: {  	[dreg:$0x1] =	wrdreg $0xFFFFFFFF  }
0x25: {  	[dreg:$0x0] =	wrdreg $0x60  }
0x26: {  	[dreg:$0x2] =	wrdreg s25  }
0x27: {  	[dreg:$0x3] =	wrdreg s2  }
0x28: {  	[dreg:$0x4] =	wrdreg $0x9  }
0x29: {  	_ =	task.clear_ibuf [dreg:s7], $0x5FFFF;
	_ =	strace $0x90000049  }
0x2a: {  	s29 =	simm.s32 $0x9;
	_ =	strace $0x8000004B  }
0x2b: {  	_ =	swait.ge [sflag:s29], $0x1  }
0x2c: {  	[sflag:s29] =	ssyncadd.s32 $0xFFFFFFFF  }
0x2d: {  	_ =	strace $0x9000004B  }
0x2e: {  	_ =	sfence  }
0x2f: {  	s30 =	sld [smem:$0x0];
	_ =	sdelay $0x2  }
0x30: {  	s31 =	sshll.u32 s1, $0xD;
	s1 =	sshrl.u32 s1, $0x2  }
0x31: {  	s3 =	sand.u32 $0x4000, s31;
	s1 =	sadd.s32 s1, s30  }
0x32: {  	s0 =	sor.u32 s3, s0;
	s1 =	sshll.u32 s1, $0x11  }
0x33: {  	s0 =	sor.u32 s1, s0  }
0x34: {  	s0 =	sadd.s32 $0x8F2B, s0  }
0x35: {  	[sflag:s0] =	ssyncadd.remote.s32 $0x1  }
0x36: {  	_ =	sfence.sel $0xFFFF  }
0x37: {  	[dreg:$0x0] =	wrdreg $0xFFFFFFFF;
	(pc) =	sbr.abs _section_cstart, $3  }
0x38: {  	[dreg:$0x1] =	wrdreg $0xFFFFFFFF  }
0x39: {  	_ =	task.clear_ibuf [dreg:s7], $0x2FFFF;
	_ =	strace $0x9FFFFFFF  }
0x3a: {  	(tm) =	ssettm $0x7FFFFFFF  }
0x3b: {  	_ =	shalt  }
tec
execute0_lowered:
.L_overlay_start_1:
0x0: {  	(tag) =	ssettag $0x1  }
0x1: {  	s0 =	srdreg.scid  }
0x2: {  	s1 =	sshll.u32 s0, $0x4  }
0x3: {  	s0 =	stileid.u32;
	s1 =	sand.u32 $0x10, s1  }
0x4: {  	s1 =	sor.u32 s0, s1  }
0x5: {  	s6 =	rddreg [dreg:$0x0];
	s4 =	simm.s32 $0x1;
	s2 =	sshll.u32 s1, $0x7  }
0x6: {  	s7 =	simm.s32 $0x2;
	s12 =	simm.s32 $0x0;
	s1 =	ssub.s32 $0x4000, s2  }
0x7: {  	s8 =	simm.s32 $0x20000;
	s13 =	simm.s32 $0x0;
	s3 =	sand.u32 $0xF80, s1  }
0x8: {  	s9 =	simm.s32 $0x0;
	s5 =	sshrl.u32 s1, $0xC;
	p0 =	sne.s32 s3, $0x0  }
.Ltmp0:
0x9: {  	s1 =	rddreg [dreg:$0x2];
	s4 =	simm.s32 @!p0 $0x0;
	(pc) =	sbr.rel .LBB1_1-.Ltmp0, $4  }
0xa: {  	s11 =	simm.s32 $0x0;
	s3 =	rddreg [dreg:$0x1];
	s5 =	sadd.s32 s4, s5  }
0xb: {  	_ =	strace $0x8000004A;
	s4 =	simm.s32 $0x1;
	s5 =	smul.u32 $0x32, s5  }
0xc: {  	s6 =	sadd.s32 $0xA00, s6;
	s10 =	smov.u32 s2;
	[sflag:s4] =	ssyncpa.u1 $0x0  }
0xd: {  	p0 =	por $0x0, $0x0;
	[sflag:s7] =	ssyncpa.u1 $0x0;
	s7 =	sor.u32 $0x1, s5  }
.LBB1_4:
0xe: {  	s16 =	sshll.u32 s13, $0x3;
	s17 =	sand.u32 $0x78, s13  }
0xf: {  	s30 =	sand.u32 $0xF800, s13;
	s12 =	sshll.u32 s12, $0x10;
	s16 =	sand.u32 $0x3C00, s16  }
0x10: {  	s31 =	sand.u32 $0x7, s13;
	s16 =	sor.u32 s17, s16;
	s17 =	sadd.s32 s3, s30  }
0x11: {  	s13 =	sshll.u32 s31, $0x12;
	s16 =	sshrl.u32 s16, $0x3;
	s12 =	sadd.s32 s12, s17  }
0x12: {  	[tilespmem:s15+$0x0 ss:$0x81] =	vst.msk $0xffff, v0;
	s13 =	sor.u32 $0x400, s13;
	s12 =	sadd.s32 s16, s12  }
0x13: {  	[hbm4b:s12+s13] =	stream.strided.scatter [tilespmem:s14], [sflag:$0x2], $0x1000, s8, s13, $0x20;
	[tilespmem:$0x4040] =	vst v63  }
.LBB1_5:
0x14: {  	s14 =	sadd.s32 $0x1, s9  }
0x15: {  	s12 =	sadd.s32 $0x1000, s10;
	s16 =	smov.u32 s10;
	p2 =	sgt.s32 s14, $0x31  }
0x16: {  	s16 =	smov.u32 @p2 s12  }
0x17: {  	s14 =	simm.s32 @p2 $0x0;
	p2 =	sgt.s32 s16, $0x3FFF  }
0x18: {  	s16 =	smov.u32 @p2 s2;
	p2 =	sne.s32 s11, s7  }
.Ltmp1:
0x19: {  	p1 =	slt.u32 s11, $0x2;
	(pc) =	sbr.rel @!p2 .LBB1_6-.Ltmp1, $4  }
0x1a: {  	s15 =	simm.s32 @!p1 $0x2  }
0x1b: {  	s13 =	smov.u32 s10;
	p0 =	por !p0, !p0;
	_ =	swait.ge @!p1 [sflag:s15], $0x1000  }
0x1c: {  	s12 =	smov.u32 s9;
	[sflag:s15] =	ssyncset.done @!p1 $0x0;
	s9 =	smov.u32 s14  }
0x1d: {  	s11 =	sadd.s32 $0x1, s11;
	[sflag:s15] =	ssyncadd.s32 @!p1 $0xFFFFF000;
	s10 =	smov.u32 s16  }
.LBB1_1:
0x1e: {  	p1 =	sge.u32 s11, s5  }
0x1f: {  	s14 =	sand.u32 @!p1 $0x1FFFFFF, s9  }
0x20: {  	s15 =	smulhi.u32 @!p1 $0x4924925, s14;
	_ =	sdelay $0x1  }
0x21: {  	s15 =	smul.u32 @!p1 $0x38, s15  }
0x22: {  	s16 =	sxor.u32 @!p1 $0xFFFFFFFF, s11;
	s17 =	smul.u32 @!p1 $0x380, s10  }
0x23: {  	s31 =	sadd.s32 $0xFFFFFFFF, s11;
	s16 =	sshll.u32 @!p1 s16, $0xC;
	s14 =	ssub.s32 @!p1 s14, s15  }
0x24: {  	s15 =	sand.u32 @!p1 $0x1000, s16;
	s16 =	sadd.s32 @!p1 s6, s17;
	s14 =	sshll.u32 @!p1 s14, $0x4  }
0x25: {  	s17 =	simm.s32 @!p1 $0x1C00;
	s14 =	sadd.s32 @!p1 s14, s16;
	s16 =	simm.s32 @!p1 $0x20  }
0x26: {  	[tilespmem:s15], [sflag:$0x1] =	stream.strided.gather @!p1 [hbm4b:s14+s16], $0x1000, s17, s16, $0x38;
	[tilespmem:$0x4040] =	vst v63  }
0x27: {  	p1 =	sge.u32 s31, s5  }
.Ltmp2:
0x28: {  	_ = 	snop;
	(pc) =	sbr.rel @p1 .LBB1_5-.Ltmp2, $1  }
0x29: {  	_ =	sdelay $0x3  }
0x2a: {  	s14 =	simm.s32 $0x1  }
0x2b: {  	_ =	swait.ge [sflag:s4], $0x1000;
	s14 =	simm.s32 @!p0 $0x0  }
0x2c: {  	[sflag:s4] =	ssyncset.done $0x0;
	s15 =	sshll.u32 s14, $0xC  }
0x2d: {  	[sflag:s4] =	ssyncadd.s32 $0xFFFFF000;
	s18 =	sor.u32 $0x10, s15  }
0x2e: {  	s14 =	smul.u32 $0x4080, s14;
	v1 =	vld [tilespmem:s18+$0x0]  }
0x2f: {  	s30 =	sand.u32 $0x1, s11;
	v0 =	vld [tilespmem:s18+$0xFFFFFFF0]  }
0x30: {  	s15 =	smul.u32 $0x4080, s30;
	s14 =	sshrl.u32 s14, $0x2  }
0x31: {  	s16 =	sor.u32 $0x2000, s14  }
0x32: {  	s31 =	sshrl.u32 s15, $0x2;
	s15 =	sadd.s32 $0x0, s16  }
0x33: {  	s17 =	simm.s32 $0x4;
	s18 =	sadd.s32 $0x20, s18;
	s14 =	sor.u32 $0x2000, s31;
	[tilespmem:s15+$0x810 ss:$0x81] =	vst.msk $0xffff, v1  }
.LBB1_3:
0x34: {  	v1 =	vld [tilespmem:s18+$0x0];
	p1 =	sne.s32 s17, $0x1FC;
	[tilespmem:s15+$0x0 ss:$0x81] =	vst.msk $0xffff, v0;
	s15 =	smov.u32 s17;
	s17 =	sadd.s32 $0x4, s17  }
.Ltmp3:
0x35: {  	v0 =	vld [tilespmem:s18+$0xFFFFFFF0];
	(pc) =	sbr.rel @p1 .LBB1_3-.Ltmp3, $4  }
0x36: {  	_ = 	snop  }
0x37: {  	s15 =	sshra.s32 s15, $0x2  }
0x38: {  	s15 =	sadd.s32 s15, s16  }
0x39: {  	s18 =	sadd.s32 $0x20, s18;
	[tilespmem:s15+$0x810 ss:$0x81] =	vst.msk $0xffff, v1  }
.Ltmp4:
0x3a: {  	_ = 	snop;
	(pc) =	sbr.rel .LBB1_4-.Ltmp4, $1  }
0x3b: {  	_ =	sdelay $0x3  }
.LBB1_6:
0x3c: {  	_ =	sfence.sel $0x180000  }
0x3d: {  	s2 =	simm.s32 $0x1;
	[bflag:$0x0] =	sbarrier.arrive $0xFFFF  }
0x3e: {  	s31 =	simm.s32 $0x2;
	[sflag:s2] =	ssyncpa.u1 $0x1  }
0x3f: {  	[sflag:s31] =	ssyncpa.u1 $0x1  }
0x40: {  	p0 =	sne.s32 s0, $0x0;
	_ =	strace $0x9000004A  }
0x41: {  	s0 =	sadd.s32 @!p0 $0x100000, s1;
	[bflag:$0x2] =	sbarrier.arrive $0xFFFF  }
0x42: {  	[sflag:s0] =	ssyncadd.tile.s32 @!p0 $0x1;
	_ =	shalt  }
.Lfunc_end1:
_tile_overlayer_lowered:
.L_overlay_start_2:
0x43: {  	(tag) =	ssettag $0x2  }
0x44: {  	s0 =	rddreg [dreg:$0x0];
	s2 =	stileid.u32  }
0x45: {  	s1 =	rddreg [dreg:$0x1];
	p0 =	sne.s32 s2, $0x0  }
0x46: {  	s3 =	rddreg [dreg:$0x2];
	[bflag:$0x3] =	sbarrier.arrive $0xFFFF;
	s2 =	simm.s32 @!p0 $0x1C01  }
0x47: {  	[timem:s3], [sflag:s2] =	dma.local @!p0 [hbm:s0], s1  }
0x48: {  	s0 =	simm.s32 @!p0 $0x1  }
0x49: {  	_ =	swait.ge @!p0 [sflag:s0], s1  }
0x4a: {  	s1 =	ssub.s32 @!p0 $0x0, s1;
	[sflag:s0] =	ssyncset.done @!p0 $0x0  }
0x4b: {  	[sflag:s0] =	ssyncadd.s32 @!p0 s1  }
0x4c: {  	[bflag:$0x3] =	sbarrier.arrive $0xFFFF  }
0x4d: {  	_ =	shalt  }

</sc_bundles>
